<compile_context>
chip_gen: v7x
topology: tpu7x:2x2x1
jax: 0.10.2.dev20260603
libtpu: 0.0.44.dev20260713+nightly
codegen_flags: <defaults>
</compile_context>

<pallas_src>
import functools

import jax
import jax.numpy as jnp
from jax import lax
from jax.experimental import pallas as pl
from jax.experimental.pallas import tpu as pltpu
from jax.experimental.pallas import tpu_sc as plsc

RES = 256
SIDE = 257
F = 4
M = SIDE * SIDE * SIDE
NC, NS, L = 2, 16, 16
NW = NC * NS

C = 512
G = C // L
S = 8
SZ = 8 * F * C // S

_OFFS = (0, 1, SIDE, SIDE + 1, SIDE * SIDE, SIDE * SIDE + 1,
         SIDE * SIDE + SIDE, SIDE * SIDE + SIDE + 1)


def _body(chunks_pw, n, xf, table, out,
          xv0, idx0, w0, rows0, ob0, sem0,
          xv1, idx1, w1, rows1, ob1, sem1):
    wid = lax.axis_index("s") * NC + lax.axis_index("c")
    iota = lax.broadcasted_iota(jnp.int32, (L,), 0)
    bufs = ((xv0, idx0, w0, rows0, ob0, sem0),
            (xv1, idx1, w1, rows1, ob1, sem1))

    def chunk_base(g):
        return jnp.minimum((wid * chunks_pw + g) * C, n - C)

    def fire(g, xv, idxbuf, wbuf, rows, sem):
        base = chunk_base(g)
        pltpu.sync_copy(xf.at[pl.ds(base * 3, 3 * C)], xv)

        def pass1(i, _):
            p = i * L
            pv3 = iota * 3 + (p * 3)
            idv = []
            for d in range(3):
                xs = plsc.load_gather(xv, [pv3 + d]) * float(RES)
                idx = xs.astype(jnp.int32)
                lo = xs - idx.astype(jnp.float32)
                wbuf[pl.ds(d * C + p, L)] = (3.0 - 2.0 * lo) * lo * lo
                idv.append(idx)
            b4 = (idv[0] * (SIDE * SIDE) + idv[1] * SIDE + idv[2]) * F
            for c in range(8):
                for f in range(F):
                    idxbuf[pl.ds((c * F + f) * C + p, L)] = (
                        b4 + (_OFFS[c] * F + f))
            return 0

        lax.fori_loop(0, G, pass1, 0)
        for s in range(S):
            pltpu.async_copy(table.at[idxbuf.at[pl.ds(s * SZ, SZ)]],
                             rows.at[pl.ds(s * SZ, SZ)], sem)

    def drain(g, wbuf, rows, outbuf, sem):
        base = chunk_base(g)
        pltpu.make_async_copy(table.at[pl.ds(0, 8 * F * C)], rows, sem).wait()

        def pass2(i, _):
            p = i * L
            pv4 = iota * 4 + (p * 4)
            w_0 = wbuf[pl.ds(p, L)]
            w_1 = wbuf[pl.ds(C + p, L)]
            w_2 = wbuf[pl.ds(2 * C + p, L)]
            for f in range(F):
                v = [rows[pl.ds((c * F + f) * C + p, L)] for c in range(8)]
                m00 = v[0] + w_2 * (v[1] - v[0])
                m01 = v[2] + w_2 * (v[3] - v[2])
                m10 = v[4] + w_2 * (v[5] - v[4])
                m11 = v[6] + w_2 * (v[7] - v[6])
                n0 = m00 + w_1 * (m01 - m00)
                n1 = m10 + w_1 * (m11 - m10)
                plsc.store_scatter(outbuf, [pv4 + f],
                                   n0 + w_0 * (n1 - n0))
            return 0

        lax.fori_loop(0, G, pass2, 0)
        pltpu.sync_copy(outbuf, out.at[pl.ds(base * F, F * C)])

    def fire_b(g, b):
        xv, idxbuf, wbuf, rows, _, sem = bufs[b]
        fire(g, xv, idxbuf, wbuf, rows, sem)

    def drain_b(g, b):
        _, _, wbuf, rows, outbuf, sem = bufs[b]
        drain(g, wbuf, rows, outbuf, sem)

    half = chunks_pw // 2
    fire_b(0, 0)

    def body2(t, _):
        g0 = 2 * t
        fire_b(g0 + 1, 1)
        drain_b(g0, 0)

        @pl.when(t + 1 < half)
        def _():
            fire_b(g0 + 2, 0)

        drain_b(g0 + 1, 1)
        return 0

    lax.fori_loop(0, half, body2, 0)


@functools.partial(jax.jit, static_argnums=(2,))
def _run(xf, table, n):
    mesh = plsc.VectorSubcoreMesh(core_axis_name="c", subcore_axis_name="s")
    total_chunks = -(-n // C)
    chunks_pw = -(-total_chunks // NW)
    chunks_pw += chunks_pw % 2
    buf = [
        pltpu.VMEM((3 * C,), jnp.float32),
        pltpu.VMEM((8 * F * C,), jnp.int32),
        pltpu.VMEM((3 * C,), jnp.float32),
        pltpu.VMEM((8 * F * C,), jnp.float32),
        pltpu.VMEM((F * C,), jnp.float32),
        pltpu.SemaphoreType.DMA,
    ]
    kfn = pl.kernel(
        functools.partial(_body, chunks_pw, n),
        out_type=jax.ShapeDtypeStruct((F * n,), jnp.float32),
        mesh=mesh,
        compiler_params=pltpu.CompilerParams(needs_layout_passes=False),
        scratch_types=buf + buf,
    )
    return kfn(xf, table)


def kernel(x, values):
    n = x.shape[0]
    out = _run(x.reshape(3 * n), values.reshape(M * F), n)
    return out.reshape(n, F)

# --- scband reference (transcript-rebuilt; emitter-appended) ---
"""Pipeline reference for scband-value-noise-43662637531390 (READ-ONLY COPY).

The authoritative reference and input builder live on the scoring server;
editing this copy changes nothing except your own understanding.
"""

import jax, jax.numpy as jnp
import numpy as np

N_DIMS = 3
N_FIELDS = 4
RES = 256
MULTIPLIER = 1.0
N_PTS = 1000000

def wfun(w):
    # smoothness == 2
    return (3.0 - 2.0 * w) * w * w

def setup_inputs(seed: int = 0):
    key = jax.random.key(seed)
    kx, kv = jax.random.split(key)
    x = jax.random.uniform(kx, (N_PTS, N_DIMS), dtype=jnp.float32)
    values = jax.random.normal(kv, (RES + 1,) * N_DIMS + (N_FIELDS,), dtype=jnp.float32)
    return {"x": x, "values": values}

def reference(x, values):
    xs = jnp.fmod(x * RES, RES)
    locs = xs - jnp.floor(xs)
    idxA = jnp.floor(xs).astype(jnp.int32)
    idxB = idxA + 1  # periodic=False, max idxB == RES, valid since lattice side is RES+1
    idx = jnp.stack((idxA, idxB), axis=-1)  # [N, n_dims, 2]
    zero_one = jnp.array([0, 1], dtype=jnp.int32)
    corners = jnp.meshgrid(*((zero_one,) * N_DIMS), indexing='ij')  # each (2,2,2)
    idx_verts = []
    for i in range(N_DIMS):
        idx_verts.append(idx[:, i, :][:, corners[i]])  # [N,2,2,2]
    idx_verts = jnp.stack(idx_verts, axis=-1)  # [N,2,2,2,3]
    vals = values[idx_verts[..., 0], idx_verts[..., 1], idx_verts[..., 2], :]  # [N,2,2,2,F]
    for i in range(N_DIMS):
        w = locs[:, i].reshape((-1,) + (1,) * (N_DIMS - i))
        wf = wfun(w)
        a = vals[:, 0, ...]
        b = vals[:, 1, ...]
        vals = a + wf * (b - a)  # torch.lerp
    return vals * MULTIPLIER

if __name__ == "__main__":
    import jax
    _d = setup_inputs()
    print(jax.jit(kernel)(*tuple(_d.values())))

</pallas_src>

<mosaic_0001>
#map = affine_map<(d0, d1) -> (0)>
module attributes {stable_mosaic.version = 14 : i64} {
  func.func @_body(%arg0: i32, %arg1: i32, %arg2: memref<3000000xf32, #tpu.memory_space<hbm>>, %arg3: memref<67898372xf32, #tpu.memory_space<hbm>>, %arg4: memref<4000000xf32, #tpu.memory_space<hbm>>, %arg5: memref<1536xf32, #tpu.memory_space<vmem>>, %arg6: memref<16384xi32, #tpu.memory_space<vmem>>, %arg7: memref<1536xf32, #tpu.memory_space<vmem>>, %arg8: memref<16384xf32, #tpu.memory_space<vmem>>, %arg9: memref<2048xf32, #tpu.memory_space<vmem>>, %arg10: memref<!tpu.dma_semaphore, #tpu.memory_space<semaphore_mem>>, %arg11: memref<1536xf32, #tpu.memory_space<vmem>>, %arg12: memref<16384xi32, #tpu.memory_space<vmem>>, %arg13: memref<1536xf32, #tpu.memory_space<vmem>>, %arg14: memref<16384xf32, #tpu.memory_space<vmem>>, %arg15: memref<2048xf32, #tpu.memory_space<vmem>>, %arg16: memref<!tpu.dma_semaphore, #tpu.memory_space<semaphore_mem>>) attributes {dimension_semantics = [#tpu.dimension_semantics<core_parallel>, #tpu.dimension_semantics<subcore_parallel>], iteration_bounds = array<i64: 2, 16>, scalar_prefetch = 0 : i64, scratch_operands = 12 : i64, tpu.core_type = #tpu.core_type<sc_vector_subcore>, window_params = [{transform_indices = #map}, {transform_indices = #map}, {transform_indices = #map}]} {
    %mul3A = arith.constant 2 : i32
    %mul3A_0 = arith.muli %arg1, %mul3A : i32
    %add3A = arith.addi %mul3A_0, %arg0 : i32
    %iota3A = tpu.iota {dimensions = array<i32: 0>} : vector<16xi32>
    %mul3A_1 = arith.constant 62 : i32
    %mul3A_2 = arith.muli %add3A, %mul3A_1 : i32
    %add3A_3 = arith.constant 0 : i32
    %add3A_4 = arith.addi %mul3A_2, %add3A_3 : i32
    %mul3A_5 = arith.constant 512 : i32
    %mul3A_6 = arith.muli %add3A_4, %mul3A_5 : i32
    %min3A = arith.constant 999488 : i32
    %min3A_7 = arith.minsi %mul3A_6, %min3A : i32
    %mul3A_8 = arith.constant 3 : i32
    %mul3A_9 = arith.muli %min3A_7, %mul3A_8 : i32
    "tpu.region"() ({
      %run_scoped3A = tpu.sem_alloc : memref<!tpu.dma_semaphore, #tpu.memory_space<semaphore_mem>>
      %dma_start3A_70 = tpu.memref_slice %arg2[%mul3A_9] : memref<3000000xf32, #tpu.memory_space<hbm>> -> memref<1536xf32, #tpu.memory_space<hbm>>
      %dma_start3A_71 = tpu.memref_slice %arg2[%mul3A_9] : memref<3000000xf32, #tpu.memory_space<hbm>> -> memref<1536xf32, #tpu.memory_space<hbm>>
      tpu.enqueue_dma source(%dma_start3A_71 : memref<1536xf32, #tpu.memory_space<hbm>>) target(%arg5 : memref<1536xf32, #tpu.memory_space<vmem>>) target_semaphore(%run_scoped3A : memref<!tpu.dma_semaphore, #tpu.memory_space<semaphore_mem>>)
      %dma_wait3A = tpu.memref_slice %arg2[%mul3A_9] : memref<3000000xf32, #tpu.memory_space<hbm>> -> memref<1536xf32, #tpu.memory_space<hbm>>
      %dma_wait3A_72 = tpu.memref_slice %arg2[%mul3A_9] : memref<3000000xf32, #tpu.memory_space<hbm>> -> memref<1536xf32, #tpu.memory_space<hbm>>
      tpu.wait_dma2 semaphore(%run_scoped3A : memref<!tpu.dma_semaphore, #tpu.memory_space<semaphore_mem>>) src(%dma_wait3A_72 : memref<1536xf32, #tpu.memory_space<hbm>>) dst(%arg5 : memref<1536xf32, #tpu.memory_space<vmem>>)
      tpu.yield
    }) : () -> ()
    %scan3A = arith.constant 0 : i32
    %scan3A_10 = arith.constant 0 : i32
    %scan3A_11 = arith.constant 32 : i32
    %scan3A_12 = arith.addi %scan3A_10, %scan3A_11 : i32
    %scan3A_13 = arith.constant 1 : i32
    %scan3A_14 = scf.for %scan3A_70 = %scan3A_10 to %scan3A_12 step %scan3A_13 iter_args(%scan3A_71 = %scan3A) -> (i32)  : i32 {
      %mul3A_72 = arith.constant 16 : i32
      %mul3A_73 = arith.muli %scan3A_70, %mul3A_72 : i32
      %mul3A_74 = arith.constant 3 : i32
      %mul3A_75 = vector.broadcast %mul3A_74 : i32 to vector<16xi32>
      %mul3A_76 = arith.muli %iota3A, %mul3A_75 : vector<16xi32>
      %mul3A_77 = arith.constant 3 : i32
      %mul3A_78 = arith.muli %mul3A_73, %mul3A_77 : i32
      %add3A_79 = vector.broadcast %mul3A_78 : i32 to vector<16xi32>
      %add3A_80 = arith.addi %mul3A_76, %add3A_79 : vector<16xi32>
      %add3A_81 = arith.constant 0 : i32
      %add3A_82 = vector.broadcast %add3A_81 : i32 to vector<16xi32>
      %add3A_83 = arith.addi %add3A_80, %add3A_82 : vector<16xi32>
      %gather3A = tpu.vector_load_idx %arg5[%add3A_83] : memref<1536xf32, #tpu.memory_space<vmem>>[vector<16xi32>], vector<16xf32>,
      %mul3A_84 = arith.constant 2.560000e+02 : f32
      %mul3A_85 = vector.broadcast %mul3A_84 : f32 to vector<16xf32>
      %mul3A_86 = arith.mulf %gather3A, %mul3A_85 : vector<16xf32>
      %convert_element_type3A = arith.fptosi %mul3A_86 : vector<16xf32> to vector<16xi32>
      %convert_element_type3A_87 = arith.sitofp %convert_element_type3A : vector<16xi32> to vector<16xf32>
      %sub3A = arith.subf %mul3A_86, %convert_element_type3A_87 : vector<16xf32>
      %mul3A_88 = arith.constant 2.000000e+00 : f32
      %mul3A_89 = vector.broadcast %mul3A_88 : f32 to vector<16xf32>
      %mul3A_90 = arith.mulf %mul3A_89, %sub3A : vector<16xf32>
      %sub3A_91 = arith.constant 3.000000e+00 : f32
      %sub3A_92 = vector.broadcast %sub3A_91 : f32 to vector<16xf32>
      %sub3A_93 = arith.subf %sub3A_92, %mul3A_90 : vector<16xf32>
      %mul3A_94 = arith.mulf %sub3A_93, %sub3A : vector<16xf32>
      %mul3A_95 = arith.mulf %mul3A_94, %sub3A : vector<16xf32>
      %add3A_96 = arith.constant 0 : i32
      %add3A_97 = arith.addi %add3A_96, %mul3A_73 : i32
      %swap3A = arith.index_cast %add3A_97 : i32 to index
      %swap3A_98 = tpu.vector_load %arg7[%swap3A] {strides = array<i32>} : memref<1536xf32, #tpu.memory_space<vmem>>, vector<16xf32>,
      tpu.vector_store %arg7[%swap3A], %mul3A_95 {strides = array<i32>} : memref<1536xf32, #tpu.memory_space<vmem>>, vector<16xf32>,
      %add3A_99 = arith.constant 1 : i32
      %add3A_100 = vector.broadcast %add3A_99 : i32 to vector<16xi32>
      %add3A_101 = arith.addi %add3A_80, %add3A_100 : vector<16xi32>
      %gather3A_102 = tpu.vector_load_idx %arg5[%add3A_101] : memref<1536xf32, #tpu.memory_space<vmem>>[vector<16xi32>], vector<16xf32>,
      %mul3A_103 = arith.constant 2.560000e+02 : f32
      %mul3A_104 = vector.broadcast %mul3A_103 : f32 to vector<16xf32>
      %mul3A_105 = arith.mulf %gather3A_102, %mul3A_104 : vector<16xf32>
      %convert_element_type3A_106 = arith.fptosi %mul3A_105 : vector<16xf32> to vector<16xi32>
      %convert_element_type3A_107 = arith.sitofp %convert_element_type3A_106 : vector<16xi32> to vector<16xf32>
      %sub3A_108 = arith.subf %mul3A_105, %convert_element_type3A_107 : vector<16xf32>
      %mul3A_109 = arith.constant 2.000000e+00 : f32
      %mul3A_110 = vector.broadcast %mul3A_109 : f32 to vector<16xf32>
      %mul3A_111 = arith.mulf %mul3A_110, %sub3A_108 : vector<16xf32>
      %sub3A_112 = arith.constant 3.000000e+00 : f32
      %sub3A_113 = vector.broadcast %sub3A_112 : f32 to vector<16xf32>
      %sub3A_114 = arith.subf %sub3A_113, %mul3A_111 : vector<16xf32>
      %mul3A_115 = arith.mulf %sub3A_114, %sub3A_108 : vector<16xf32>
      %mul3A_116 = arith.mulf %mul3A_115, %sub3A_108 : vector<16xf32>
      %add3A_117 = arith.constant 512 : i32
      %add3A_118 = arith.addi %add3A_117, %mul3A_73 : i32
      %swap3A_119 = arith.index_cast %add3A_118 : i32 to index
      %swap3A_120 = tpu.vector_load %arg7[%swap3A_119] {strides = array<i32>} : memref<1536xf32, #tpu.memory_space<vmem>>, vector<16xf32>,
      tpu.vector_store %arg7[%swap3A_119], %mul3A_116 {strides = array<i32>} : memref<1536xf32, #tpu.memory_space<vmem>>, vector<16xf32>,
      %add3A_121 = arith.constant 2 : i32
      %add3A_122 = vector.broadcast %add3A_121 : i32 to vector<16xi32>
      %add3A_123 = arith.addi %add3A_80, %add3A_122 : vector<16xi32>
      %gather3A_124 = tpu.vector_load_idx %arg5[%add3A_123] : memref<1536xf32, #tpu.memory_space<vmem>>[vector<16xi32>], vector<16xf32>,
      %mul3A_125 = arith.constant 2.560000e+02 : f32
      %mul3A_126 = vector.broadcast %mul3A_125 : f32 to vector<16xf32>
      %mul3A_127 = arith.mulf %gather3A_124, %mul3A_126 : vector<16xf32>
      %convert_element_type3A_128 = arith.fptosi %mul3A_127 : vector<16xf32> to vector<16xi32>
      %convert_element_type3A_129 = arith.sitofp %convert_element_type3A_128 : vector<16xi32> to vector<16xf32>
      %sub3A_130 = arith.subf %mul3A_127, %convert_element_type3A_129 : vector<16xf32>
      %mul3A_131 = arith.constant 2.000000e+00 : f32
      %mul3A_132 = vector.broadcast %mul3A_131 : f32 to vector<16xf32>
      %mul3A_133 = arith.mulf %mul3A_132, %sub3A_130 : vector<16xf32>
      %sub3A_134 = arith.constant 3.000000e+00 : f32
      %sub3A_135 = vector.broadcast %sub3A_134 : f32 to vector<16xf32>
      %sub3A_136 = arith.subf %sub3A_135, %mul3A_133 : vector<16xf32>
      %mul3A_137 = arith.mulf %sub3A_136, %sub3A_130 : vector<16xf32>
      %mul3A_138 = arith.mulf %mul3A_137, %sub3A_130 : vector<16xf32>
      %add3A_139 = arith.constant 1024 : i32
      %add3A_140 = arith.addi %add3A_139, %mul3A_73 : i32
      %swap3A_141 = arith.index_cast %add3A_140 : i32 to index
      %swap3A_142 = tpu.vector_load %arg7[%swap3A_141] {strides = array<i32>} : memref<1536xf32, #tpu.memory_space<vmem>>, vector<16xf32>,
      tpu.vector_store %arg7[%swap3A_141], %mul3A_138 {strides = array<i32>} : memref<1536xf32, #tpu.memory_space<vmem>>, vector<16xf32>,
      %mul3A_143 = arith.constant 66049 : i32
      %mul3A_144 = vector.broadcast %mul3A_143 : i32 to vector<16xi32>
      %mul3A_145 = arith.muli %convert_element_type3A, %mul3A_144 : vector<16xi32>
      %mul3A_146 = arith.constant 257 : i32
      %mul3A_147 = vector.broadcast %mul3A_146 : i32 to vector<16xi32>
      %mul3A_148 = arith.muli %convert_element_type3A_106, %mul3A_147 : vector<16xi32>
      %add3A_149 = arith.addi %mul3A_145, %mul3A_148 : vector<16xi32>
      %add3A_150 = arith.addi %add3A_149, %convert_element_type3A_128 : vector<16xi32>
      %mul3A_151 = arith.constant 4 : i32
      %mul3A_152 = vector.broadcast %mul3A_151 : i32 to vector<16xi32>
      %mul3A_153 = arith.muli %add3A_150, %mul3A_152 : vector<16xi32>
      %add3A_154 = arith.constant 0 : i32
      %add3A_155 = vector.broadcast %add3A_154 : i32 to vector<16xi32>
      %add3A_156 = arith.addi %mul3A_153, %add3A_155 : vector<16xi32>
      %add3A_157 = arith.constant 0 : i32
      %add3A_158 = arith.addi %add3A_157, %mul3A_73 : i32
      %swap3A_159 = arith.index_cast %add3A_158 : i32 to index
      %swap3A_160 = tpu.vector_load %arg6[%swap3A_159] {strides = array<i32>} : memref<16384xi32, #tpu.memory_space<vmem>>, vector<16xi32>,
      tpu.vector_store %arg6[%swap3A_159], %add3A_156 {strides = array<i32>} : memref<16384xi32, #tpu.memory_space<vmem>>, vector<16xi32>,
      %add3A_161 = arith.constant 1 : i32
      %add3A_162 = vector.broadcast %add3A_161 : i32 to vector<16xi32>
      %add3A_163 = arith.addi %mul3A_153, %add3A_162 : vector<16xi32>
      %add3A_164 = arith.constant 512 : i32
      %add3A_165 = arith.addi %add3A_164, %mul3A_73 : i32
      %swap3A_166 = arith.index_cast %add3A_165 : i32 to index
      %swap3A_167 = tpu.vector_load %arg6[%swap3A_166] {strides = array<i32>} : memref<16384xi32, #tpu.memory_space<vmem>>, vector<16xi32>,
      tpu.vector_store %arg6[%swap3A_166], %add3A_163 {strides = array<i32>} : memref<16384xi32, #tpu.memory_space<vmem>>, vector<16xi32>,
      %add3A_168 = arith.constant 2 : i32
      %add3A_169 = vector.broadcast %add3A_168 : i32 to vector<16xi32>
      %add3A_170 = arith.addi %mul3A_153, %add3A_169 : vector<16xi32>
      %add3A_171 = arith.constant 1024 : i32
      %add3A_172 = arith.addi %add3A_171, %mul3A_73 : i32
      %swap3A_173 = arith.index_cast %add3A_172 : i32 to index
      %swap3A_174 = tpu.vector_load %arg6[%swap3A_173] {strides = array<i32>} : memref<16384xi32, #tpu.memory_space<vmem>>, vector<16xi32>,
      tpu.vector_store %arg6[%swap3A_173], %add3A_170 {strides = array<i32>} : memref<16384xi32, #tpu.memory_space<vmem>>, vector<16xi32>,
      %add3A_175 = arith.constant 3 : i32
      %add3A_176 = vector.broadcast %add3A_175 : i32 to vector<16xi32>
      %add3A_177 = arith.addi %mul3A_153, %add3A_176 : vector<16xi32>
      %add3A_178 = arith.constant 1536 : i32
      %add3A_179 = arith.addi %add3A_178, %mul3A_73 : i32
      %swap3A_180 = arith.index_cast %add3A_179 : i32 to index
      %swap3A_181 = tpu.vector_load %arg6[%swap3A_180] {strides = array<i32>} : memref<16384xi32, #tpu.memory_space<vmem>>, vector<16xi32>,
      tpu.vector_store %arg6[%swap3A_180], %add3A_177 {strides = array<i32>} : memref<16384xi32, #tpu.memory_space<vmem>>, vector<16xi32>,
      %add3A_182 = arith.constant 4 : i32
      %add3A_183 = vector.broadcast %add3A_182 : i32 to vector<16xi32>
      %add3A_184 = arith.addi %mul3A_153, %add3A_183 : vector<16xi32>
      %add3A_185 = arith.constant 2048 : i32
      %add3A_186 = arith.addi %add3A_185, %mul3A_73 : i32
      %swap3A_187 = arith.index_cast %add3A_186 : i32 to index
      %swap3A_188 = tpu.vector_load %arg6[%swap3A_187] {strides = array<i32>} : memref<16384xi32, #tpu.memory_space<vmem>>, vector<16xi32>,
      tpu.vector_store %arg6[%swap3A_187], %add3A_184 {strides = array<i32>} : memref<16384xi32, #tpu.memory_space<vmem>>, vector<16xi32>,
      %add3A_189 = arith.constant 5 : i32
      %add3A_190 = vector.broadcast %add3A_189 : i32 to vector<16xi32>
      %add3A_191 = arith.addi %mul3A_153, %add3A_190 : vector<16xi32>
      %add3A_192 = arith.constant 2560 : i32
      %add3A_193 = arith.addi %add3A_192, %mul3A_73 : i32
      %swap3A_194 = arith.index_cast %add3A_193 : i32 to index
      %swap3A_195 = tpu.vector_load %arg6[%swap3A_194] {strides = array<i32>} : memref<16384xi32, #tpu.memory_space<vmem>>, vector<16xi32>,
      tpu.vector_store %arg6[%swap3A_194], %add3A_191 {strides = array<i32>} : memref<16384xi32, #tpu.memory_space<vmem>>, vector<16xi32>,
      %add3A_196 = arith.constant 6 : i32
      %add3A_197 = vector.broadcast %add3A_196 : i32 to vector<16xi32>
      %add3A_198 = arith.addi %mul3A_153, %add3A_197 : vector<16xi32>
      %add3A_199 = arith.constant 3072 : i32
      %add3A_200 = arith.addi %add3A_199, %mul3A_73 : i32
      %swap3A_201 = arith.index_cast %add3A_200 : i32 to index
      %swap3A_202 = tpu.vector_load %arg6[%swap3A_201] {strides = array<i32>} : memref<16384xi32, #tpu.memory_space<vmem>>, vector<16xi32>,
      tpu.vector_store %arg6[%swap3A_201], %add3A_198 {strides = array<i32>} : memref<16384xi32, #tpu.memory_space<vmem>>, vector<16xi32>,
      %add3A_203 = arith.constant 7 : i32
      %add3A_204 = vector.broadcast %add3A_203 : i32 to vector<16xi32>
      %add3A_205 = arith.addi %mul3A_153, %add3A_204 : vector<16xi32>
      %add3A_206 = arith.constant 3584 : i32
      %add3A_207 = arith.addi %add3A_206, %mul3A_73 : i32
      %swap3A_208 = arith.index_cast %add3A_207 : i32 to index
      %swap3A_209 = tpu.vector_load %arg6[%swap3A_208] {strides = array<i32>} : memref<16384xi32, #tpu.memory_space<vmem>>, vector<16xi32>,
      tpu.vector_store %arg6[%swap3A_208], %add3A_205 {strides = array<i32>} : memref<16384xi32, #tpu.memory_space<vmem>>, vector<16xi32>,
      %add3A_210 = arith.constant 1028 : i32
      %add3A_211 = vector.broadcast %add3A_210 : i32 to vector<16xi32>
      %add3A_212 = arith.addi %mul3A_153, %add3A_211 : vector<16xi32>
      %add3A_213 = arith.constant 4096 : i32
      %add3A_214 = arith.addi %add3A_213, %mul3A_73 : i32
      %swap3A_215 = arith.index_cast %add3A_214 : i32 to index
      %swap3A_216 = tpu.vector_load %arg6[%swap3A_215] {strides = array<i32>} : memref<16384xi32, #tpu.memory_space<vmem>>, vector<16xi32>,
      tpu.vector_store %arg6[%swap3A_215], %add3A_212 {strides = array<i32>} : memref<16384xi32, #tpu.memory_space<vmem>>, vector<16xi32>,
      %add3A_217 = arith.constant 1029 : i32
      %add3A_218 = vector.broadcast %add3A_217 : i32 to vector<16xi32>
      %add3A_219 = arith.addi %mul3A_153, %add3A_218 : vector<16xi32>
      %add3A_220 = arith.constant 4608 : i32
      %add3A_221 = arith.addi %add3A_220, %mul3A_73 : i32
      %swap3A_222 = arith.index_cast %add3A_221 : i32 to index
      %swap3A_223 = tpu.vector_load %arg6[%swap3A_222] {strides = array<i32>} : memref<16384xi32, #tpu.memory_space<vmem>>, vector<16xi32>,
      tpu.vector_store %arg6[%swap3A_222], %add3A_219 {strides = array<i32>} : memref<16384xi32, #tpu.memory_space<vmem>>, vector<16xi32>,
      %add3A_224 = arith.constant 1030 : i32
      %add3A_225 = vector.broadcast %add3A_224 : i32 to vector<16xi32>
      %add3A_226 = arith.addi %mul3A_153, %add3A_225 : vector<16xi32>
      %add3A_227 = arith.constant 5120 : i32
      %add3A_228 = arith.addi %add3A_227, %mul3A_73 : i32
      %swap3A_229 = arith.index_cast %add3A_228 : i32 to index
      %swap3A_230 = tpu.vector_load %arg6[%swap3A_229] {strides = array<i32>} : memref<16384xi32, #tpu.memory_space<vmem>>, vector<16xi32>,
      tpu.vector_store %arg6[%swap3A_229], %add3A_226 {strides = array<i32>} : memref<16384xi32, #tpu.memory_space<vmem>>, vector<16xi32>,
      %add3A_231 = arith.constant 1031 : i32
      %add3A_232 = vector.broadcast %add3A_231 : i32 to vector<16xi32>
      %add3A_233 = arith.addi %mul3A_153, %add3A_232 : vector<16xi32>
      %add3A_234 = arith.constant 5632 : i32
      %add3A_235 = arith.addi %add3A_234, %mul3A_73 : i32
      %swap3A_236 = arith.index_cast %add3A_235 : i32 to index
      %swap3A_237 = tpu.vector_load %arg6[%swap3A_236] {strides = array<i32>} : memref<16384xi32, #tpu.memory_space<vmem>>, vector<16xi32>,
      tpu.vector_store %arg6[%swap3A_236], %add3A_233 {strides = array<i32>} : memref<16384xi32, #tpu.memory_space<vmem>>, vector<16xi32>,
      %add3A_238 = arith.constant 1032 : i32
      %add3A_239 = vector.broadcast %add3A_238 : i32 to vector<16xi32>
      %add3A_240 = arith.addi %mul3A_153, %add3A_239 : vector<16xi32>
      %add3A_241 = arith.constant 6144 : i32
      %add3A_242 = arith.addi %add3A_241, %mul3A_73 : i32
      %swap3A_243 = arith.index_cast %add3A_242 : i32 to index
      %swap3A_244 = tpu.vector_load %arg6[%swap3A_243] {strides = array<i32>} : memref<16384xi32, #tpu.memory_space<vmem>>, vector<16xi32>,
      tpu.vector_store %arg6[%swap3A_243], %add3A_240 {strides = array<i32>} : memref<16384xi32, #tpu.memory_space<vmem>>, vector<16xi32>,
      %add3A_245 = arith.constant 1033 : i32
      %add3A_246 = vector.broadcast %add3A_245 : i32 to vector<16xi32>
      %add3A_247 = arith.addi %mul3A_153, %add3A_246 : vector<16xi32>
      %add3A_248 = arith.constant 6656 : i32
      %add3A_249 = arith.addi %add3A_248, %mul3A_73 : i32
      %swap3A_250 = arith.index_cast %add3A_249 : i32 to index
      %swap3A_251 = tpu.vector_load %arg6[%swap3A_250] {strides = array<i32>} : memref<16384xi32, #tpu.memory_space<vmem>>, vector<16xi32>,
      tpu.vector_store %arg6[%swap3A_250], %add3A_247 {strides = array<i32>} : memref<16384xi32, #tpu.memory_space<vmem>>, vector<16xi32>,
      %add3A_252 = arith.constant 1034 : i32
      %add3A_253 = vector.broadcast %add3A_252 : i32 to vector<16xi32>
      %add3A_254 = arith.addi %mul3A_153, %add3A_253 : vector<16xi32>
      %add3A_255 = arith.constant 7168 : i32
      %add3A_256 = arith.addi %add3A_255, %mul3A_73 : i32
      %swap3A_257 = arith.index_cast %add3A_256 : i32 to index
      %swap3A_258 = tpu.vector_load %arg6[%swap3A_257] {strides = array<i32>} : memref<16384xi32, #tpu.memory_space<vmem>>, vector<16xi32>,
      tpu.vector_store %arg6[%swap3A_257], %add3A_254 {strides = array<i32>} : memref<16384xi32, #tpu.memory_space<vmem>>, vector<16xi32>,
      %add3A_259 = arith.constant 1035 : i32
      %add3A_260 = vector.broadcast %add3A_259 : i32 to vector<16xi32>
      %add3A_261 = arith.addi %mul3A_153, %add3A_260 : vector<16xi32>
      %add3A_262 = arith.constant 7680 : i32
      %add3A_263 = arith.addi %add3A_262, %mul3A_73 : i32
      %swap3A_264 = arith.index_cast %add3A_263 : i32 to index
      %swap3A_265 = tpu.vector_load %arg6[%swap3A_264] {strides = array<i32>} : memref<16384xi32, #tpu.memory_space<vmem>>, vector<16xi32>,
      tpu.vector_store %arg6[%swap3A_264], %add3A_261 {strides = array<i32>} : memref<16384xi32, #tpu.memory_space<vmem>>, vector<16xi32>,
      %add3A_266 = arith.constant 264196 : i32
      %add3A_267 = vector.broadcast %add3A_266 : i32 to vector<16xi32>
      %add3A_268 = arith.addi %mul3A_153, %add3A_267 : vector<16xi32>
      %add3A_269 = arith.constant 8192 : i32
      %add3A_270 = arith.addi %add3A_269, %mul3A_73 : i32
      %swap3A_271 = arith.index_cast %add3A_270 : i32 to index
      %swap3A_272 = tpu.vector_load %arg6[%swap3A_271] {strides = array<i32>} : memref<16384xi32, #tpu.memory_space<vmem>>, vector<16xi32>,
      tpu.vector_store %arg6[%swap3A_271], %add3A_268 {strides = array<i32>} : memref<16384xi32, #tpu.memory_space<vmem>>, vector<16xi32>,
      %add3A_273 = arith.constant 264197 : i32
      %add3A_274 = vector.broadcast %add3A_273 : i32 to vector<16xi32>
      %add3A_275 = arith.addi %mul3A_153, %add3A_274 : vector<16xi32>
      %add3A_276 = arith.constant 8704 : i32
      %add3A_277 = arith.addi %add3A_276, %mul3A_73 : i32
      %swap3A_278 = arith.index_cast %add3A_277 : i32 to index
      %swap3A_279 = tpu.vector_load %arg6[%swap3A_278] {strides = array<i32>} : memref<16384xi32, #tpu.memory_space<vmem>>, vector<16xi32>,
      tpu.vector_store %arg6[%swap3A_278], %add3A_275 {strides = array<i32>} : memref<16384xi32, #tpu.memory_space<vmem>>, vector<16xi32>,
      %add3A_280 = arith.constant 264198 : i32
      %add3A_281 = vector.broadcast %add3A_280 : i32 to vector<16xi32>
      %add3A_282 = arith.addi %mul3A_153, %add3A_281 : vector<16xi32>
      %add3A_283 = arith.constant 9216 : i32
      %add3A_284 = arith.addi %add3A_283, %mul3A_73 : i32
      %swap3A_285 = arith.index_cast %add3A_284 : i32 to index
      %swap3A_286 = tpu.vector_load %arg6[%swap3A_285] {strides = array<i32>} : memref<16384xi32, #tpu.memory_space<vmem>>, vector<16xi32>,
      tpu.vector_store %arg6[%swap3A_285], %add3A_282 {strides = array<i32>} : memref<16384xi32, #tpu.memory_space<vmem>>, vector<16xi32>,
      %add3A_287 = arith.constant 264199 : i32
      %add3A_288 = vector.broadcast %add3A_287 : i32 to vector<16xi32>
      %add3A_289 = arith.addi %mul3A_153, %add3A_288 : vector<16xi32>
      %add3A_290 = arith.constant 9728 : i32
      %add3A_291 = arith.addi %add3A_290, %mul3A_73 : i32
      %swap3A_292 = arith.index_cast %add3A_291 : i32 to index
      %swap3A_293 = tpu.vector_load %arg6[%swap3A_292] {strides = array<i32>} : memref<16384xi32, #tpu.memory_space<vmem>>, vector<16xi32>,
      tpu.vector_store %arg6[%swap3A_292], %add3A_289 {strides = array<i32>} : memref<16384xi32, #tpu.memory_space<vmem>>, vector<16xi32>,
      %add3A_294 = arith.constant 264200 : i32
      %add3A_295 = vector.broadcast %add3A_294 : i32 to vector<16xi32>
      %add3A_296 = arith.addi %mul3A_153, %add3A_295 : vector<16xi32>
      %add3A_297 = arith.constant 10240 : i32
      %add3A_298 = arith.addi %add3A_297, %mul3A_73 : i32
      %swap3A_299 = arith.index_cast %add3A_298 : i32 to index
      %swap3A_300 = tpu.vector_load %arg6[%swap3A_299] {strides = array<i32>} : memref<16384xi32, #tpu.memory_space<vmem>>, vector<16xi32>,
      tpu.vector_store %arg6[%swap3A_299], %add3A_296 {strides = array<i32>} : memref<16384xi32, #tpu.memory_space<vmem>>, vector<16xi32>,
      %add3A_301 = arith.constant 264201 : i32
      %add3A_302 = vector.broadcast %add3A_301 : i32 to vector<16xi32>
      %add3A_303 = arith.addi %mul3A_153, %add3A_302 : vector<16xi32>
      %add3A_304 = arith.constant 10752 : i32
      %add3A_305 = arith.addi %add3A_304, %mul3A_73 : i32
      %swap3A_306 = arith.index_cast %add3A_305 : i32 to index
      %swap3A_307 = tpu.vector_load %arg6[%swap3A_306] {strides = array<i32>} : memref<16384xi32, #tpu.memory_space<vmem>>, vector<16xi32>,
      tpu.vector_store %arg6[%swap3A_306], %add3A_303 {strides = array<i32>} : memref<16384xi32, #tpu.memory_space<vmem>>, vector<16xi32>,
      %add3A_308 = arith.constant 264202 : i32
      %add3A_309 = vector.broadcast %add3A_308 : i32 to vector<16xi32>
      %add3A_310 = arith.addi %mul3A_153, %add3A_309 : vector<16xi32>
      %add3A_311 = arith.constant 11264 : i32
      %add3A_312 = arith.addi %add3A_311, %mul3A_73 : i32
      %swap3A_313 = arith.index_cast %add3A_312 : i32 to index
      %swap3A_314 = tpu.vector_load %arg6[%swap3A_313] {strides = array<i32>} : memref<16384xi32, #tpu.memory_space<vmem>>, vector<16xi32>,
      tpu.vector_store %arg6[%swap3A_313], %add3A_310 {strides = array<i32>} : memref<16384xi32, #tpu.memory_space<vmem>>, vector<16xi32>,
      %add3A_315 = arith.constant 264203 : i32
      %add3A_316 = vector.broadcast %add3A_315 : i32 to vector<16xi32>
      %add3A_317 = arith.addi %mul3A_153, %add3A_316 : vector<16xi32>
      %add3A_318 = arith.constant 11776 : i32
      %add3A_319 = arith.addi %add3A_318, %mul3A_73 : i32
      %swap3A_320 = arith.index_cast %add3A_319 : i32 to index
      %swap3A_321 = tpu.vector_load %arg6[%swap3A_320] {strides = array<i32>} : memref<16384xi32, #tpu.memory_space<vmem>>, vector<16xi32>,
      tpu.vector_store %arg6[%swap3A_320], %add3A_317 {strides = array<i32>} : memref<16384xi32, #tpu.memory_space<vmem>>, vector<16xi32>,
      %add3A_322 = arith.constant 265224 : i32
      %add3A_323 = vector.broadcast %add3A_322 : i32 to vector<16xi32>
      %add3A_324 = arith.addi %mul3A_153, %add3A_323 : vector<16xi32>
      %add3A_325 = arith.constant 12288 : i32
      %add3A_326 = arith.addi %add3A_325, %mul3A_73 : i32
      %swap3A_327 = arith.index_cast %add3A_326 : i32 to index
      %swap3A_328 = tpu.vector_load %arg6[%swap3A_327] {strides = array<i32>} : memref<16384xi32, #tpu.memory_space<vmem>>, vector<16xi32>,
      tpu.vector_store %arg6[%swap3A_327], %add3A_324 {strides = array<i32>} : memref<16384xi32, #tpu.memory_space<vmem>>, vector<16xi32>,
      %add3A_329 = arith.constant 265225 : i32
      %add3A_330 = vector.broadcast %add3A_329 : i32 to vector<16xi32>
      %add3A_331 = arith.addi %mul3A_153, %add3A_330 : vector<16xi32>
      %add3A_332 = arith.constant 12800 : i32
      %add3A_333 = arith.addi %add3A_332, %mul3A_73 : i32
      %swap3A_334 = arith.index_cast %add3A_333 : i32 to index
      %swap3A_335 = tpu.vector_load %arg6[%swap3A_334] {strides = array<i32>} : memref<16384xi32, #tpu.memory_space<vmem>>, vector<16xi32>,
      tpu.vector_store %arg6[%swap3A_334], %add3A_331 {strides = array<i32>} : memref<16384xi32, #tpu.memory_space<vmem>>, vector<16xi32>,
      %add3A_336 = arith.constant 265226 : i32
      %add3A_337 = vector.broadcast %add3A_336 : i32 to vector<16xi32>
      %add3A_338 = arith.addi %mul3A_153, %add3A_337 : vector<16xi32>
      %add3A_339 = arith.constant 13312 : i32
      %add3A_340 = arith.addi %add3A_339, %mul3A_73 : i32
      %swap3A_341 = arith.index_cast %add3A_340 : i32 to index
      %swap3A_342 = tpu.vector_load %arg6[%swap3A_341] {strides = array<i32>} : memref<16384xi32, #tpu.memory_space<vmem>>, vector<16xi32>,
      tpu.vector_store %arg6[%swap3A_341], %add3A_338 {strides = array<i32>} : memref<16384xi32, #tpu.memory_space<vmem>>, vector<16xi32>,
      %add3A_343 = arith.constant 265227 : i32
      %add3A_344 = vector.broadcast %add3A_343 : i32 to vector<16xi32>
      %add3A_345 = arith.addi %mul3A_153, %add3A_344 : vector<16xi32>
      %add3A_346 = arith.constant 13824 : i32
      %add3A_347 = arith.addi %add3A_346, %mul3A_73 : i32
      %swap3A_348 = arith.index_cast %add3A_347 : i32 to index
      %swap3A_349 = tpu.vector_load %arg6[%swap3A_348] {strides = array<i32>} : memref<16384xi32, #tpu.memory_space<vmem>>, vector<16xi32>,
      tpu.vector_store %arg6[%swap3A_348], %add3A_345 {strides = array<i32>} : memref<16384xi32, #tpu.memory_space<vmem>>, vector<16xi32>,
      %add3A_350 = arith.constant 265228 : i32
      %add3A_351 = vector.broadcast %add3A_350 : i32 to vector<16xi32>
      %add3A_352 = arith.addi %mul3A_153, %add3A_351 : vector<16xi32>
      %add3A_353 = arith.constant 14336 : i32
      %add3A_354 = arith.addi %add3A_353, %mul3A_73 : i32
      %swap3A_355 = arith.index_cast %add3A_354 : i32 to index
      %swap3A_356 = tpu.vector_load %arg6[%swap3A_355] {strides = array<i32>} : memref<16384xi32, #tpu.memory_space<vmem>>, vector<16xi32>,
      tpu.vector_store %arg6[%swap3A_355], %add3A_352 {strides = array<i32>} : memref<16384xi32, #tpu.memory_space<vmem>>, vector<16xi32>,
      %add3A_357 = arith.constant 265229 : i32
      %add3A_358 = vector.broadcast %add3A_357 : i32 to vector<16xi32>
      %add3A_359 = arith.addi %mul3A_153, %add3A_358 : vector<16xi32>
      %add3A_360 = arith.constant 14848 : i32
      %add3A_361 = arith.addi %add3A_360, %mul3A_73 : i32
      %swap3A_362 = arith.index_cast %add3A_361 : i32 to index
      %swap3A_363 = tpu.vector_load %arg6[%swap3A_362] {strides = array<i32>} : memref<16384xi32, #tpu.memory_space<vmem>>, vector<16xi32>,
      tpu.vector_store %arg6[%swap3A_362], %add3A_359 {strides = array<i32>} : memref<16384xi32, #tpu.memory_space<vmem>>, vector<16xi32>,
      %add3A_364 = arith.constant 265230 : i32
      %add3A_365 = vector.broadcast %add3A_364 : i32 to vector<16xi32>
      %add3A_366 = arith.addi %mul3A_153, %add3A_365 : vector<16xi32>
      %add3A_367 = arith.constant 15360 : i32
      %add3A_368 = arith.addi %add3A_367, %mul3A_73 : i32
      %swap3A_369 = arith.index_cast %add3A_368 : i32 to index
      %swap3A_370 = tpu.vector_load %arg6[%swap3A_369] {strides = array<i32>} : memref<16384xi32, #tpu.memory_space<vmem>>, vector<16xi32>,
      tpu.vector_store %arg6[%swap3A_369], %add3A_366 {strides = array<i32>} : memref<16384xi32, #tpu.memory_space<vmem>>, vector<16xi32>,
      %add3A_371 = arith.constant 265231 : i32
      %add3A_372 = vector.broadcast %add3A_371 : i32 to vector<16xi32>
      %add3A_373 = arith.addi %mul3A_153, %add3A_372 : vector<16xi32>
      %add3A_374 = arith.constant 15872 : i32
      %add3A_375 = arith.addi %add3A_374, %mul3A_73 : i32
      %swap3A_376 = arith.index_cast %add3A_375 : i32 to index
      %swap3A_377 = tpu.vector_load %arg6[%swap3A_376] {strides = array<i32>} : memref<16384xi32, #tpu.memory_space<vmem>>, vector<16xi32>,
      tpu.vector_store %arg6[%swap3A_376], %add3A_373 {strides = array<i32>} : memref<16384xi32, #tpu.memory_space<vmem>>, vector<16xi32>,
      %scan3A_378 = arith.constant 0 : i32
      scf.yield %scan3A_378 : i32
    }
    %scan3A_15 = arith.constant 32 : i32
    %dma_start3A = arith.constant 0 : i32
    %dma_start3A_16 = tpu.memref_slice %arg8[%dma_start3A] : memref<16384xf32, #tpu.memory_space<vmem>> -> memref<2048xf32, #tpu.memory_space<vmem>>
    %dma_start3A_17 = arith.constant 0 : i32
    %dma_start3A_18 = tpu.memref_slice %arg6[%dma_start3A_17] : memref<16384xi32, #tpu.memory_space<vmem>> -> memref<2048xi32, #tpu.memory_space<vmem>>
    %dma_start3A_19 = arith.constant 0 : i32
    %dma_start3A_20 = tpu.memref_slice %arg3[%dma_start3A_19] : memref<67898372xf32, #tpu.memory_space<hbm>> -> memref<67898372xf32, #tpu.memory_space<hbm>>
    tpu.enqueue_indirect_dma source(%dma_start3A_20 : memref<67898372xf32, #tpu.memory_space<hbm>>) target(%dma_start3A_16 : memref<2048xf32, #tpu.memory_space<vmem>>) offsets(%dma_start3A_18 : memref<2048xi32, #tpu.memory_space<vmem>>) semaphore(%arg10 : memref<!tpu.dma_semaphore, #tpu.memory_space<semaphore_mem>>)
    %dma_start3A_21 = arith.constant 2048 : i32
    %dma_start3A_22 = tpu.memref_slice %arg8[%dma_start3A_21] : memref<16384xf32, #tpu.memory_space<vmem>> -> memref<2048xf32, #tpu.memory_space<vmem>>
    %dma_start3A_23 = arith.constant 2048 : i32
    %dma_start3A_24 = tpu.memref_slice %arg6[%dma_start3A_23] : memref<16384xi32, #tpu.memory_space<vmem>> -> memref<2048xi32, #tpu.memory_space<vmem>>
    %dma_start3A_25 = arith.constant 0 : i32
    %dma_start3A_26 = tpu.memref_slice %arg3[%dma_start3A_25] : memref<67898372xf32, #tpu.memory_space<hbm>> -> memref<67898372xf32, #tpu.memory_space<hbm>>
    tpu.enqueue_indirect_dma source(%dma_start3A_26 : memref<67898372xf32, #tpu.memory_space<hbm>>) target(%dma_start3A_22 : memref<2048xf32, #tpu.memory_space<vmem>>) offsets(%dma_start3A_24 : memref<2048xi32, #tpu.memory_space<vmem>>) semaphore(%arg10 : memref<!tpu.dma_semaphore, #tpu.memory_space<semaphore_mem>>)
    %dma_start3A_27 = arith.constant 4096 : i32
    %dma_start3A_28 = tpu.memref_slice %arg8[%dma_start3A_27] : memref<16384xf32, #tpu.memory_space<vmem>> -> memref<2048xf32, #tpu.memory_space<vmem>>
    %dma_start3A_29 = arith.constant 4096 : i32
    %dma_start3A_30 = tpu.memref_slice %arg6[%dma_start3A_29] : memref<16384xi32, #tpu.memory_space<vmem>> -> memref<2048xi32, #tpu.memory_space<vmem>>
    %dma_start3A_31 = arith.constant 0 : i32
    %dma_start3A_32 = tpu.memref_slice %arg3[%dma_start3A_31] : memref<67898372xf32, #tpu.memory_space<hbm>> -> memref<67898372xf32, #tpu.memory_space<hbm>>
    tpu.enqueue_indirect_dma source(%dma_start3A_32 : memref<67898372xf32, #tpu.memory_space<hbm>>) target(%dma_start3A_28 : memref<2048xf32, #tpu.memory_space<vmem>>) offsets(%dma_start3A_30 : memref<2048xi32, #tpu.memory_space<vmem>>) semaphore(%arg10 : memref<!tpu.dma_semaphore, #tpu.memory_space<semaphore_mem>>)
    %dma_start3A_33 = arith.constant 6144 : i32
    %dma_start3A_34 = tpu.memref_slice %arg8[%dma_start3A_33] : memref<16384xf32, #tpu.memory_space<vmem>> -> memref<2048xf32, #tpu.memory_space<vmem>>
    %dma_start3A_35 = arith.constant 6144 : i32
    %dma_start3A_36 = tpu.memref_slice %arg6[%dma_start3A_35] : memref<16384xi32, #tpu.memory_space<vmem>> -> memref<2048xi32, #tpu.memory_space<vmem>>
    %dma_start3A_37 = arith.constant 0 : i32
    %dma_start3A_38 = tpu.memref_slice %arg3[%dma_start3A_37] : memref<67898372xf32, #tpu.memory_space<hbm>> -> memref<67898372xf32, #tpu.memory_space<hbm>>
    tpu.enqueue_indirect_dma source(%dma_start3A_38 : memref<67898372xf32, #tpu.memory_space<hbm>>) target(%dma_start3A_34 : memref<2048xf32, #tpu.memory_space<vmem>>) offsets(%dma_start3A_36 : memref<2048xi32, #tpu.memory_space<vmem>>) semaphore(%arg10 : memref<!tpu.dma_semaphore, #tpu.memory_space<semaphore_mem>>)
    %dma_start3A_39 = arith.constant 8192 : i32
    %dma_start3A_40 = tpu.memref_slice %arg8[%dma_start3A_39] : memref<16384xf32, #tpu.memory_space<vmem>> -> memref<2048xf32, #tpu.memory_space<vmem>>
    %dma_start3A_41 = arith.constant 8192 : i32
    %dma_start3A_42 = tpu.memref_slice %arg6[%dma_start3A_41] : memref<16384xi32, #tpu.memory_space<vmem>> -> memref<2048xi32, #tpu.memory_space<vmem>>
    %dma_start3A_43 = arith.constant 0 : i32
    %dma_start3A_44 = tpu.memref_slice %arg3[%dma_start3A_43] : memref<67898372xf32, #tpu.memory_space<hbm>> -> memref<67898372xf32, #tpu.memory_space<hbm>>
    tpu.enqueue_indirect_dma source(%dma_start3A_44 : memref<67898372xf32, #tpu.memory_space<hbm>>) target(%dma_start3A_40 : memref<2048xf32, #tpu.memory_space<vmem>>) offsets(%dma_start3A_42 : memref<2048xi32, #tpu.memory_space<vmem>>) semaphore(%arg10 : memref<!tpu.dma_semaphore, #tpu.memory_space<semaphore_mem>>)
    %dma_start3A_45 = arith.constant 10240 : i32
    %dma_start3A_46 = tpu.memref_slice %arg8[%dma_start3A_45] : memref<16384xf32, #tpu.memory_space<vmem>> -> memref<2048xf32, #tpu.memory_space<vmem>>
    %dma_start3A_47 = arith.constant 10240 : i32
    %dma_start3A_48 = tpu.memref_slice %arg6[%dma_start3A_47] : memref<16384xi32, #tpu.memory_space<vmem>> -> memref<2048xi32, #tpu.memory_space<vmem>>
    %dma_start3A_49 = arith.constant 0 : i32
    %dma_start3A_50 = tpu.memref_slice %arg3[%dma_start3A_49] : memref<67898372xf32, #tpu.memory_space<hbm>> -> memref<67898372xf32, #tpu.memory_space<hbm>>
    tpu.enqueue_indirect_dma source(%dma_start3A_50 : memref<67898372xf32, #tpu.memory_space<hbm>>) target(%dma_start3A_46 : memref<2048xf32, #tpu.memory_space<vmem>>) offsets(%dma_start3A_48 : memref<2048xi32, #tpu.memory_space<vmem>>) semaphore(%arg10 : memref<!tpu.dma_semaphore, #tpu.memory_space<semaphore_mem>>)
    %dma_start3A_51 = arith.constant 12288 : i32
    %dma_start3A_52 = tpu.memref_slice %arg8[%dma_start3A_51] : memref<16384xf32, #tpu.memory_space<vmem>> -> memref<2048xf32, #tpu.memory_space<vmem>>
    %dma_start3A_53 = arith.constant 12288 : i32
    %dma_start3A_54 = tpu.memref_slice %arg6[%dma_start3A_53] : memref<16384xi32, #tpu.memory_space<vmem>> -> memref<2048xi32, #tpu.memory_space<vmem>>
    %dma_start3A_55 = arith.constant 0 : i32
    %dma_start3A_56 = tpu.memref_slice %arg3[%dma_start3A_55] : memref<67898372xf32, #tpu.memory_space<hbm>> -> memref<67898372xf32, #tpu.memory_space<hbm>>
    tpu.enqueue_indirect_dma source(%dma_start3A_56 : memref<67898372xf32, #tpu.memory_space<hbm>>) target(%dma_start3A_52 : memref<2048xf32, #tpu.memory_space<vmem>>) offsets(%dma_start3A_54 : memref<2048xi32, #tpu.memory_space<vmem>>) semaphore(%arg10 : memref<!tpu.dma_semaphore, #tpu.memory_space<semaphore_mem>>)
    %dma_start3A_57 = arith.constant 14336 : i32
    %dma_start3A_58 = tpu.memref_slice %arg8[%dma_start3A_57] : memref<16384xf32, #tpu.memory_space<vmem>> -> memref<2048xf32, #tpu.memory_space<vmem>>
    %dma_start3A_59 = arith.constant 14336 : i32
    %dma_start3A_60 = tpu.memref_slice %arg6[%dma_start3A_59] : memref<16384xi32, #tpu.memory_space<vmem>> -> memref<2048xi32, #tpu.memory_space<vmem>>
    %dma_start3A_61 = arith.constant 0 : i32
    %dma_start3A_62 = tpu.memref_slice %arg3[%dma_start3A_61] : memref<67898372xf32, #tpu.memory_space<hbm>> -> memref<67898372xf32, #tpu.memory_space<hbm>>
    tpu.enqueue_indirect_dma source(%dma_start3A_62 : memref<67898372xf32, #tpu.memory_space<hbm>>) target(%dma_start3A_58 : memref<2048xf32, #tpu.memory_space<vmem>>) offsets(%dma_start3A_60 : memref<2048xi32, #tpu.memory_space<vmem>>) semaphore(%arg10 : memref<!tpu.dma_semaphore, #tpu.memory_space<semaphore_mem>>)
    %scan3A_63 = arith.constant 0 : i32
    %scan3A_64 = arith.constant 0 : i32
    %scan3A_65 = arith.constant 31 : i32
    %scan3A_66 = arith.addi %scan3A_64, %scan3A_65 : i32
    %scan3A_67 = arith.constant 1 : i32
    %scan3A_68 = scf.for %scan3A_70 = %scan3A_64 to %scan3A_66 step %scan3A_67 iter_args(%scan3A_71 = %scan3A_63) -> (i32)  : i32 {
      %mul3A_72 = arith.constant 2 : i32
      %mul3A_73 = arith.muli %mul3A_72, %scan3A_70 : i32
      %add3A_74 = arith.constant 1 : i32
      %add3A_75 = arith.addi %mul3A_73, %add3A_74 : i32
      %mul3A_76 = arith.constant 62 : i32
      %mul3A_77 = arith.muli %add3A, %mul3A_76 : i32
      %add3A_78 = arith.addi %mul3A_77, %add3A_75 : i32
      %mul3A_79 = arith.constant 512 : i32
      %mul3A_80 = arith.muli %add3A_78, %mul3A_79 : i32
      %min3A_81 = arith.constant 999488 : i32
      %min3A_82 = arith.minsi %mul3A_80, %min3A_81 : i32
      %mul3A_83 = arith.constant 3 : i32
      %mul3A_84 = arith.muli %min3A_82, %mul3A_83 : i32
      "tpu.region"() ({
        %run_scoped3A = tpu.sem_alloc : memref<!tpu.dma_semaphore, #tpu.memory_space<semaphore_mem>>
        %dma_start3A_186 = tpu.memref_slice %arg2[%mul3A_84] : memref<3000000xf32, #tpu.memory_space<hbm>> -> memref<1536xf32, #tpu.memory_space<hbm>>
        %dma_start3A_187 = tpu.memref_slice %arg2[%mul3A_84] : memref<3000000xf32, #tpu.memory_space<hbm>> -> memref<1536xf32, #tpu.memory_space<hbm>>
        tpu.enqueue_dma source(%dma_start3A_187 : memref<1536xf32, #tpu.memory_space<hbm>>) target(%arg11 : memref<1536xf32, #tpu.memory_space<vmem>>) target_semaphore(%run_scoped3A : memref<!tpu.dma_semaphore, #tpu.memory_space<semaphore_mem>>)
        %dma_wait3A_188 = tpu.memref_slice %arg2[%mul3A_84] : memref<3000000xf32, #tpu.memory_space<hbm>> -> memref<1536xf32, #tpu.memory_space<hbm>>
        %dma_wait3A_189 = tpu.memref_slice %arg2[%mul3A_84] : memref<3000000xf32, #tpu.memory_space<hbm>> -> memref<1536xf32, #tpu.memory_space<hbm>>
        tpu.wait_dma2 semaphore(%run_scoped3A : memref<!tpu.dma_semaphore, #tpu.memory_space<semaphore_mem>>) src(%dma_wait3A_189 : memref<1536xf32, #tpu.memory_space<hbm>>) dst(%arg11 : memref<1536xf32, #tpu.memory_space<vmem>>)
        tpu.yield
      }) : () -> ()
      %scan3A_85 = arith.constant 0 : i32
      %scan3A_86 = arith.constant 0 : i32
      %scan3A_87 = arith.constant 32 : i32
      %scan3A_88 = arith.addi %scan3A_86, %scan3A_87 : i32
      %scan3A_89 = arith.constant 1 : i32
      %scan3A_90 = scf.for %scan3A_186 = %scan3A_86 to %scan3A_88 step %scan3A_89 iter_args(%scan3A_187 = %scan3A_85) -> (i32)  : i32 {
        %mul3A_188 = arith.constant 16 : i32
        %mul3A_189 = arith.muli %scan3A_186, %mul3A_188 : i32
        %mul3A_190 = arith.constant 3 : i32
        %mul3A_191 = vector.broadcast %mul3A_190 : i32 to vector<16xi32>
        %mul3A_192 = arith.muli %iota3A, %mul3A_191 : vector<16xi32>
        %mul3A_193 = arith.constant 3 : i32
        %mul3A_194 = arith.muli %mul3A_189, %mul3A_193 : i32
        %add3A_195 = vector.broadcast %mul3A_194 : i32 to vector<16xi32>
        %add3A_196 = arith.addi %mul3A_192, %add3A_195 : vector<16xi32>
        %add3A_197 = arith.constant 0 : i32
        %add3A_198 = vector.broadcast %add3A_197 : i32 to vector<16xi32>
        %add3A_199 = arith.addi %add3A_196, %add3A_198 : vector<16xi32>
        %gather3A = tpu.vector_load_idx %arg11[%add3A_199] : memref<1536xf32, #tpu.memory_space<vmem>>[vector<16xi32>], vector<16xf32>,
        %mul3A_200 = arith.constant 2.560000e+02 : f32
        %mul3A_201 = vector.broadcast %mul3A_200 : f32 to vector<16xf32>
        %mul3A_202 = arith.mulf %gather3A, %mul3A_201 : vector<16xf32>
        %convert_element_type3A_203 = arith.fptosi %mul3A_202 : vector<16xf32> to vector<16xi32>
        %convert_element_type3A_204 = arith.sitofp %convert_element_type3A_203 : vector<16xi32> to vector<16xf32>
        %sub3A = arith.subf %mul3A_202, %convert_element_type3A_204 : vector<16xf32>
        %mul3A_205 = arith.constant 2.000000e+00 : f32
        %mul3A_206 = vector.broadcast %mul3A_205 : f32 to vector<16xf32>
        %mul3A_207 = arith.mulf %mul3A_206, %sub3A : vector<16xf32>
        %sub3A_208 = arith.constant 3.000000e+00 : f32
        %sub3A_209 = vector.broadcast %sub3A_208 : f32 to vector<16xf32>
        %sub3A_210 = arith.subf %sub3A_209, %mul3A_207 : vector<16xf32>
        %mul3A_211 = arith.mulf %sub3A_210, %sub3A : vector<16xf32>
        %mul3A_212 = arith.mulf %mul3A_211, %sub3A : vector<16xf32>
        %add3A_213 = arith.constant 0 : i32
        %add3A_214 = arith.addi %add3A_213, %mul3A_189 : i32
        %swap3A = arith.index_cast %add3A_214 : i32 to index
        %swap3A_215 = tpu.vector_load %arg13[%swap3A] {strides = array<i32>} : memref<1536xf32, #tpu.memory_space<vmem>>, vector<16xf32>,
        tpu.vector_store %arg13[%swap3A], %mul3A_212 {strides = array<i32>} : memref<1536xf32, #tpu.memory_space<vmem>>, vector<16xf32>,
        %add3A_216 = arith.constant 1 : i32
        %add3A_217 = vector.broadcast %add3A_216 : i32 to vector<16xi32>
        %add3A_218 = arith.addi %add3A_196, %add3A_217 : vector<16xi32>
        %gather3A_219 = tpu.vector_load_idx %arg11[%add3A_218] : memref<1536xf32, #tpu.memory_space<vmem>>[vector<16xi32>], vector<16xf32>,
        %mul3A_220 = arith.constant 2.560000e+02 : f32
        %mul3A_221 = vector.broadcast %mul3A_220 : f32 to vector<16xf32>
        %mul3A_222 = arith.mulf %gather3A_219, %mul3A_221 : vector<16xf32>
        %convert_element_type3A_223 = arith.fptosi %mul3A_222 : vector<16xf32> to vector<16xi32>
        %convert_element_type3A_224 = arith.sitofp %convert_element_type3A_223 : vector<16xi32> to vector<16xf32>
        %sub3A_225 = arith.subf %mul3A_222, %convert_element_type3A_224 : vector<16xf32>
        %mul3A_226 = arith.constant 2.000000e+00 : f32
        %mul3A_227 = vector.broadcast %mul3A_226 : f32 to vector<16xf32>
        %mul3A_228 = arith.mulf %mul3A_227, %sub3A_225 : vector<16xf32>
        %sub3A_229 = arith.constant 3.000000e+00 : f32
        %sub3A_230 = vector.broadcast %sub3A_229 : f32 to vector<16xf32>
        %sub3A_231 = arith.subf %sub3A_230, %mul3A_228 : vector<16xf32>
        %mul3A_232 = arith.mulf %sub3A_231, %sub3A_225 : vector<16xf32>
        %mul3A_233 = arith.mulf %mul3A_232, %sub3A_225 : vector<16xf32>
        %add3A_234 = arith.constant 512 : i32
        %add3A_235 = arith.addi %add3A_234, %mul3A_189 : i32
        %swap3A_236 = arith.index_cast %add3A_235 : i32 to index
        %swap3A_237 = tpu.vector_load %arg13[%swap3A_236] {strides = array<i32>} : memref<1536xf32, #tpu.memory_space<vmem>>, vector<16xf32>,
        tpu.vector_store %arg13[%swap3A_236], %mul3A_233 {strides = array<i32>} : memref<1536xf32, #tpu.memory_space<vmem>>, vector<16xf32>,
        %add3A_238 = arith.constant 2 : i32
        %add3A_239 = vector.broadcast %add3A_238 : i32 to vector<16xi32>
        %add3A_240 = arith.addi %add3A_196, %add3A_239 : vector<16xi32>
        %gather3A_241 = tpu.vector_load_idx %arg11[%add3A_240] : memref<1536xf32, #tpu.memory_space<vmem>>[vector<16xi32>], vector<16xf32>,
        %mul3A_242 = arith.constant 2.560000e+02 : f32
        %mul3A_243 = vector.broadcast %mul3A_242 : f32 to vector<16xf32>
        %mul3A_244 = arith.mulf %gather3A_241, %mul3A_243 : vector<16xf32>
        %convert_element_type3A_245 = arith.fptosi %mul3A_244 : vector<16xf32> to vector<16xi32>
        %convert_element_type3A_246 = arith.sitofp %convert_element_type3A_245 : vector<16xi32> to vector<16xf32>
        %sub3A_247 = arith.subf %mul3A_244, %convert_element_type3A_246 : vector<16xf32>
        %mul3A_248 = arith.constant 2.000000e+00 : f32
        %mul3A_249 = vector.broadcast %mul3A_248 : f32 to vector<16xf32>
        %mul3A_250 = arith.mulf %mul3A_249, %sub3A_247 : vector<16xf32>
        %sub3A_251 = arith.constant 3.000000e+00 : f32
        %sub3A_252 = vector.broadcast %sub3A_251 : f32 to vector<16xf32>
        %sub3A_253 = arith.subf %sub3A_252, %mul3A_250 : vector<16xf32>
        %mul3A_254 = arith.mulf %sub3A_253, %sub3A_247 : vector<16xf32>
        %mul3A_255 = arith.mulf %mul3A_254, %sub3A_247 : vector<16xf32>
        %add3A_256 = arith.constant 1024 : i32
        %add3A_257 = arith.addi %add3A_256, %mul3A_189 : i32
        %swap3A_258 = arith.index_cast %add3A_257 : i32 to index
        %swap3A_259 = tpu.vector_load %arg13[%swap3A_258] {strides = array<i32>} : memref<1536xf32, #tpu.memory_space<vmem>>, vector<16xf32>,
        tpu.vector_store %arg13[%swap3A_258], %mul3A_255 {strides = array<i32>} : memref<1536xf32, #tpu.memory_space<vmem>>, vector<16xf32>,
        %mul3A_260 = arith.constant 66049 : i32
        %mul3A_261 = vector.broadcast %mul3A_260 : i32 to vector<16xi32>
        %mul3A_262 = arith.muli %convert_element_type3A_203, %mul3A_261 : vector<16xi32>
        %mul3A_263 = arith.constant 257 : i32
        %mul3A_264 = vector.broadcast %mul3A_263 : i32 to vector<16xi32>
        %mul3A_265 = arith.muli %convert_element_type3A_223, %mul3A_264 : vector<16xi32>
        %add3A_266 = arith.addi %mul3A_262, %mul3A_265 : vector<16xi32>
        %add3A_267 = arith.addi %add3A_266, %convert_element_type3A_245 : vector<16xi32>
        %mul3A_268 = arith.constant 4 : i32
        %mul3A_269 = vector.broadcast %mul3A_268 : i32 to vector<16xi32>
        %mul3A_270 = arith.muli %add3A_267, %mul3A_269 : vector<16xi32>
        %add3A_271 = arith.constant 0 : i32
        %add3A_272 = vector.broadcast %add3A_271 : i32 to vector<16xi32>
        %add3A_273 = arith.addi %mul3A_270, %add3A_272 : vector<16xi32>
        %add3A_274 = arith.constant 0 : i32
        %add3A_275 = arith.addi %add3A_274, %mul3A_189 : i32
        %swap3A_276 = arith.index_cast %add3A_275 : i32 to index
        %swap3A_277 = tpu.vector_load %arg12[%swap3A_276] {strides = array<i32>} : memref<16384xi32, #tpu.memory_space<vmem>>, vector<16xi32>,
        tpu.vector_store %arg12[%swap3A_276], %add3A_273 {strides = array<i32>} : memref<16384xi32, #tpu.memory_space<vmem>>, vector<16xi32>,
        %add3A_278 = arith.constant 1 : i32
        %add3A_279 = vector.broadcast %add3A_278 : i32 to vector<16xi32>
        %add3A_280 = arith.addi %mul3A_270, %add3A_279 : vector<16xi32>
        %add3A_281 = arith.constant 512 : i32
        %add3A_282 = arith.addi %add3A_281, %mul3A_189 : i32
        %swap3A_283 = arith.index_cast %add3A_282 : i32 to index
        %swap3A_284 = tpu.vector_load %arg12[%swap3A_283] {strides = array<i32>} : memref<16384xi32, #tpu.memory_space<vmem>>, vector<16xi32>,
        tpu.vector_store %arg12[%swap3A_283], %add3A_280 {strides = array<i32>} : memref<16384xi32, #tpu.memory_space<vmem>>, vector<16xi32>,
        %add3A_285 = arith.constant 2 : i32
        %add3A_286 = vector.broadcast %add3A_285 : i32 to vector<16xi32>
        %add3A_287 = arith.addi %mul3A_270, %add3A_286 : vector<16xi32>
        %add3A_288 = arith.constant 1024 : i32
        %add3A_289 = arith.addi %add3A_288, %mul3A_189 : i32
        %swap3A_290 = arith.index_cast %add3A_289 : i32 to index
        %swap3A_291 = tpu.vector_load %arg12[%swap3A_290] {strides = array<i32>} : memref<16384xi32, #tpu.memory_space<vmem>>, vector<16xi32>,
        tpu.vector_store %arg12[%swap3A_290], %add3A_287 {strides = array<i32>} : memref<16384xi32, #tpu.memory_space<vmem>>, vector<16xi32>,
        %add3A_292 = arith.constant 3 : i32
        %add3A_293 = vector.broadcast %add3A_292 : i32 to vector<16xi32>
        %add3A_294 = arith.addi %mul3A_270, %add3A_293 : vector<16xi32>
        %add3A_295 = arith.constant 1536 : i32
        %add3A_296 = arith.addi %add3A_295, %mul3A_189 : i32
        %swap3A_297 = arith.index_cast %add3A_296 : i32 to index
        %swap3A_298 = tpu.vector_load %arg12[%swap3A_297] {strides = array<i32>} : memref<16384xi32, #tpu.memory_space<vmem>>, vector<16xi32>,
        tpu.vector_store %arg12[%swap3A_297], %add3A_294 {strides = array<i32>} : memref<16384xi32, #tpu.memory_space<vmem>>, vector<16xi32>,
        %add3A_299 = arith.constant 4 : i32
        %add3A_300 = vector.broadcast %add3A_299 : i32 to vector<16xi32>
        %add3A_301 = arith.addi %mul3A_270, %add3A_300 : vector<16xi32>
        %add3A_302 = arith.constant 2048 : i32
        %add3A_303 = arith.addi %add3A_302, %mul3A_189 : i32
        %swap3A_304 = arith.index_cast %add3A_303 : i32 to index
        %swap3A_305 = tpu.vector_load %arg12[%swap3A_304] {strides = array<i32>} : memref<16384xi32, #tpu.memory_space<vmem>>, vector<16xi32>,
        tpu.vector_store %arg12[%swap3A_304], %add3A_301 {strides = array<i32>} : memref<16384xi32, #tpu.memory_space<vmem>>, vector<16xi32>,
        %add3A_306 = arith.constant 5 : i32
        %add3A_307 = vector.broadcast %add3A_306 : i32 to vector<16xi32>
        %add3A_308 = arith.addi %mul3A_270, %add3A_307 : vector<16xi32>
        %add3A_309 = arith.constant 2560 : i32
        %add3A_310 = arith.addi %add3A_309, %mul3A_189 : i32
        %swap3A_311 = arith.index_cast %add3A_310 : i32 to index
        %swap3A_312 = tpu.vector_load %arg12[%swap3A_311] {strides = array<i32>} : memref<16384xi32, #tpu.memory_space<vmem>>, vector<16xi32>,
        tpu.vector_store %arg12[%swap3A_311], %add3A_308 {strides = array<i32>} : memref<16384xi32, #tpu.memory_space<vmem>>, vector<16xi32>,
        %add3A_313 = arith.constant 6 : i32
        %add3A_314 = vector.broadcast %add3A_313 : i32 to vector<16xi32>
        %add3A_315 = arith.addi %mul3A_270, %add3A_314 : vector<16xi32>
        %add3A_316 = arith.constant 3072 : i32
        %add3A_317 = arith.addi %add3A_316, %mul3A_189 : i32
        %swap3A_318 = arith.index_cast %add3A_317 : i32 to index
        %swap3A_319 = tpu.vector_load %arg12[%swap3A_318] {strides = array<i32>} : memref<16384xi32, #tpu.memory_space<vmem>>, vector<16xi32>,
        tpu.vector_store %arg12[%swap3A_318], %add3A_315 {strides = array<i32>} : memref<16384xi32, #tpu.memory_space<vmem>>, vector<16xi32>,
        %add3A_320 = arith.constant 7 : i32
        %add3A_321 = vector.broadcast %add3A_320 : i32 to vector<16xi32>
        %add3A_322 = arith.addi %mul3A_270, %add3A_321 : vector<16xi32>
        %add3A_323 = arith.constant 3584 : i32
        %add3A_324 = arith.addi %add3A_323, %mul3A_189 : i32
        %swap3A_325 = arith.index_cast %add3A_324 : i32 to index
        %swap3A_326 = tpu.vector_load %arg12[%swap3A_325] {strides = array<i32>} : memref<16384xi32, #tpu.memory_space<vmem>>, vector<16xi32>,
        tpu.vector_store %arg12[%swap3A_325], %add3A_322 {strides = array<i32>} : memref<16384xi32, #tpu.memory_space<vmem>>, vector<16xi32>,
        %add3A_327 = arith.constant 1028 : i32
        %add3A_328 = vector.broadcast %add3A_327 : i32 to vector<16xi32>
        %add3A_329 = arith.addi %mul3A_270, %add3A_328 : vector<16xi32>
        %add3A_330 = arith.constant 4096 : i32
        %add3A_331 = arith.addi %add3A_330, %mul3A_189 : i32
        %swap3A_332 = arith.index_cast %add3A_331 : i32 to index
        %swap3A_333 = tpu.vector_load %arg12[%swap3A_332] {strides = array<i32>} : memref<16384xi32, #tpu.memory_space<vmem>>, vector<16xi32>,
        tpu.vector_store %arg12[%swap3A_332], %add3A_329 {strides = array<i32>} : memref<16384xi32, #tpu.memory_space<vmem>>, vector<16xi32>,
        %add3A_334 = arith.constant 1029 : i32
        %add3A_335 = vector.broadcast %add3A_334 : i32 to vector<16xi32>
        %add3A_336 = arith.addi %mul3A_270, %add3A_335 : vector<16xi32>
        %add3A_337 = arith.constant 4608 : i32
        %add3A_338 = arith.addi %add3A_337, %mul3A_189 : i32
        %swap3A_339 = arith.index_cast %add3A_338 : i32 to index
        %swap3A_340 = tpu.vector_load %arg12[%swap3A_339] {strides = array<i32>} : memref<16384xi32, #tpu.memory_space<vmem>>, vector<16xi32>,
        tpu.vector_store %arg12[%swap3A_339], %add3A_336 {strides = array<i32>} : memref<16384xi32, #tpu.memory_space<vmem>>, vector<16xi32>,
        %add3A_341 = arith.constant 1030 : i32
        %add3A_342 = vector.broadcast %add3A_341 : i32 to vector<16xi32>
        %add3A_343 = arith.addi %mul3A_270, %add3A_342 : vector<16xi32>
        %add3A_344 = arith.constant 5120 : i32
        %add3A_345 = arith.addi %add3A_344, %mul3A_189 : i32
        %swap3A_346 = arith.index_cast %add3A_345 : i32 to index
        %swap3A_347 = tpu.vector_load %arg12[%swap3A_346] {strides = array<i32>} : memref<16384xi32, #tpu.memory_space<vmem>>, vector<16xi32>,
        tpu.vector_store %arg12[%swap3A_346], %add3A_343 {strides = array<i32>} : memref<16384xi32, #tpu.memory_space<vmem>>, vector<16xi32>,
        %add3A_348 = arith.constant 1031 : i32
        %add3A_349 = vector.broadcast %add3A_348 : i32 to vector<16xi32>
        %add3A_350 = arith.addi %mul3A_270, %add3A_349 : vector<16xi32>
        %add3A_351 = arith.constant 5632 : i32
        %add3A_352 = arith.addi %add3A_351, %mul3A_189 : i32
        %swap3A_353 = arith.index_cast %add3A_352 : i32 to index
        %swap3A_354 = tpu.vector_load %arg12[%swap3A_353] {strides = array<i32>} : memref<16384xi32, #tpu.memory_space<vmem>>, vector<16xi32>,
        tpu.vector_store %arg12[%swap3A_353], %add3A_350 {strides = array<i32>} : memref<16384xi32, #tpu.memory_space<vmem>>, vector<16xi32>,
        %add3A_355 = arith.constant 1032 : i32
        %add3A_356 = vector.broadcast %add3A_355 : i32 to vector<16xi32>
        %add3A_357 = arith.addi %mul3A_270, %add3A_356 : vector<16xi32>
        %add3A_358 = arith.constant 6144 : i32
        %add3A_359 = arith.addi %add3A_358, %mul3A_189 : i32
        %swap3A_360 = arith.index_cast %add3A_359 : i32 to index
        %swap3A_361 = tpu.vector_load %arg12[%swap3A_360] {strides = array<i32>} : memref<16384xi32, #tpu.memory_space<vmem>>, vector<16xi32>,
        tpu.vector_store %arg12[%swap3A_360], %add3A_357 {strides = array<i32>} : memref<16384xi32, #tpu.memory_space<vmem>>, vector<16xi32>,
        %add3A_362 = arith.constant 1033 : i32
        %add3A_363 = vector.broadcast %add3A_362 : i32 to vector<16xi32>
        %add3A_364 = arith.addi %mul3A_270, %add3A_363 : vector<16xi32>
        %add3A_365 = arith.constant 6656 : i32
        %add3A_366 = arith.addi %add3A_365, %mul3A_189 : i32
        %swap3A_367 = arith.index_cast %add3A_366 : i32 to index
        %swap3A_368 = tpu.vector_load %arg12[%swap3A_367] {strides = array<i32>} : memref<16384xi32, #tpu.memory_space<vmem>>, vector<16xi32>,
        tpu.vector_store %arg12[%swap3A_367], %add3A_364 {strides = array<i32>} : memref<16384xi32, #tpu.memory_space<vmem>>, vector<16xi32>,
        %add3A_369 = arith.constant 1034 : i32
        %add3A_370 = vector.broadcast %add3A_369 : i32 to vector<16xi32>
        %add3A_371 = arith.addi %mul3A_270, %add3A_370 : vector<16xi32>
        %add3A_372 = arith.constant 7168 : i32
        %add3A_373 = arith.addi %add3A_372, %mul3A_189 : i32
        %swap3A_374 = arith.index_cast %add3A_373 : i32 to index
        %swap3A_375 = tpu.vector_load %arg12[%swap3A_374] {strides = array<i32>} : memref<16384xi32, #tpu.memory_space<vmem>>, vector<16xi32>,
        tpu.vector_store %arg12[%swap3A_374], %add3A_371 {strides = array<i32>} : memref<16384xi32, #tpu.memory_space<vmem>>, vector<16xi32>,
        %add3A_376 = arith.constant 1035 : i32
        %add3A_377 = vector.broadcast %add3A_376 : i32 to vector<16xi32>
        %add3A_378 = arith.addi %mul3A_270, %add3A_377 : vector<16xi32>
        %add3A_379 = arith.constant 7680 : i32
        %add3A_380 = arith.addi %add3A_379, %mul3A_189 : i32
        %swap3A_381 = arith.index_cast %add3A_380 : i32 to index
        %swap3A_382 = tpu.vector_load %arg12[%swap3A_381] {strides = array<i32>} : memref<16384xi32, #tpu.memory_space<vmem>>, vector<16xi32>,
        tpu.vector_store %arg12[%swap3A_381], %add3A_378 {strides = array<i32>} : memref<16384xi32, #tpu.memory_space<vmem>>, vector<16xi32>,
        %add3A_383 = arith.constant 264196 : i32
        %add3A_384 = vector.broadcast %add3A_383 : i32 to vector<16xi32>
        %add3A_385 = arith.addi %mul3A_270, %add3A_384 : vector<16xi32>
        %add3A_386 = arith.constant 8192 : i32
        %add3A_387 = arith.addi %add3A_386, %mul3A_189 : i32
        %swap3A_388 = arith.index_cast %add3A_387 : i32 to index
        %swap3A_389 = tpu.vector_load %arg12[%swap3A_388] {strides = array<i32>} : memref<16384xi32, #tpu.memory_space<vmem>>, vector<16xi32>,
        tpu.vector_store %arg12[%swap3A_388], %add3A_385 {strides = array<i32>} : memref<16384xi32, #tpu.memory_space<vmem>>, vector<16xi32>,
        %add3A_390 = arith.constant 264197 : i32
        %add3A_391 = vector.broadcast %add3A_390 : i32 to vector<16xi32>
        %add3A_392 = arith.addi %mul3A_270, %add3A_391 : vector<16xi32>
        %add3A_393 = arith.constant 8704 : i32
        %add3A_394 = arith.addi %add3A_393, %mul3A_189 : i32
        %swap3A_395 = arith.index_cast %add3A_394 : i32 to index
        %swap3A_396 = tpu.vector_load %arg12[%swap3A_395] {strides = array<i32>} : memref<16384xi32, #tpu.memory_space<vmem>>, vector<16xi32>,
        tpu.vector_store %arg12[%swap3A_395], %add3A_392 {strides = array<i32>} : memref<16384xi32, #tpu.memory_space<vmem>>, vector<16xi32>,
        %add3A_397 = arith.constant 264198 : i32
        %add3A_398 = vector.broadcast %add3A_397 : i32 to vector<16xi32>
        %add3A_399 = arith.addi %mul3A_270, %add3A_398 : vector<16xi32>
        %add3A_400 = arith.constant 9216 : i32
        %add3A_401 = arith.addi %add3A_400, %mul3A_189 : i32
        %swap3A_402 = arith.index_cast %add3A_401 : i32 to index
        %swap3A_403 = tpu.vector_load %arg12[%swap3A_402] {strides = array<i32>} : memref<16384xi32, #tpu.memory_space<vmem>>, vector<16xi32>,
        tpu.vector_store %arg12[%swap3A_402], %add3A_399 {strides = array<i32>} : memref<16384xi32, #tpu.memory_space<vmem>>, vector<16xi32>,
        %add3A_404 = arith.constant 264199 : i32
        %add3A_405 = vector.broadcast %add3A_404 : i32 to vector<16xi32>
        %add3A_406 = arith.addi %mul3A_270, %add3A_405 : vector<16xi32>
        %add3A_407 = arith.constant 9728 : i32
        %add3A_408 = arith.addi %add3A_407, %mul3A_189 : i32
        %swap3A_409 = arith.index_cast %add3A_408 : i32 to index
        %swap3A_410 = tpu.vector_load %arg12[%swap3A_409] {strides = array<i32>} : memref<16384xi32, #tpu.memory_space<vmem>>, vector<16xi32>,
        tpu.vector_store %arg12[%swap3A_409], %add3A_406 {strides = array<i32>} : memref<16384xi32, #tpu.memory_space<vmem>>, vector<16xi32>,
        %add3A_411 = arith.constant 264200 : i32
        %add3A_412 = vector.broadcast %add3A_411 : i32 to vector<16xi32>
        %add3A_413 = arith.addi %mul3A_270, %add3A_412 : vector<16xi32>
        %add3A_414 = arith.constant 10240 : i32
        %add3A_415 = arith.addi %add3A_414, %mul3A_189 : i32
        %swap3A_416 = arith.index_cast %add3A_415 : i32 to index
        %swap3A_417 = tpu.vector_load %arg12[%swap3A_416] {strides = array<i32>} : memref<16384xi32, #tpu.memory_space<vmem>>, vector<16xi32>,
        tpu.vector_store %arg12[%swap3A_416], %add3A_413 {strides = array<i32>} : memref<16384xi32, #tpu.memory_space<vmem>>, vector<16xi32>,
        %add3A_418 = arith.constant 264201 : i32
        %add3A_419 = vector.broadcast %add3A_418 : i32 to vector<16xi32>
        %add3A_420 = arith.addi %mul3A_270, %add3A_419 : vector<16xi32>
        %add3A_421 = arith.constant 10752 : i32
        %add3A_422 = arith.addi %add3A_421, %mul3A_189 : i32
        %swap3A_423 = arith.index_cast %add3A_422 : i32 to index
        %swap3A_424 = tpu.vector_load %arg12[%swap3A_423] {strides = array<i32>} : memref<16384xi32, #tpu.memory_space<vmem>>, vector<16xi32>,
        tpu.vector_store %arg12[%swap3A_423], %add3A_420 {strides = array<i32>} : memref<16384xi32, #tpu.memory_space<vmem>>, vector<16xi32>,
        %add3A_425 = arith.constant 264202 : i32
        %add3A_426 = vector.broadcast %add3A_425 : i32 to vector<16xi32>
        %add3A_427 = arith.addi %mul3A_270, %add3A_426 : vector<16xi32>
        %add3A_428 = arith.constant 11264 : i32
        %add3A_429 = arith.addi %add3A_428, %mul3A_189 : i32
        %swap3A_430 = arith.index_cast %add3A_429 : i32 to index
        %swap3A_431 = tpu.vector_load %arg12[%swap3A_430] {strides = array<i32>} : memref<16384xi32, #tpu.memory_space<vmem>>, vector<16xi32>,
        tpu.vector_store %arg12[%swap3A_430], %add3A_427 {strides = array<i32>} : memref<16384xi32, #tpu.memory_space<vmem>>, vector<16xi32>,
        %add3A_432 = arith.constant 264203 : i32
        %add3A_433 = vector.broadcast %add3A_432 : i32 to vector<16xi32>
        %add3A_434 = arith.addi %mul3A_270, %add3A_433 : vector<16xi32>
        %add3A_435 = arith.constant 11776 : i32
        %add3A_436 = arith.addi %add3A_435, %mul3A_189 : i32
        %swap3A_437 = arith.index_cast %add3A_436 : i32 to index
        %swap3A_438 = tpu.vector_load %arg12[%swap3A_437] {strides = array<i32>} : memref<16384xi32, #tpu.memory_space<vmem>>, vector<16xi32>,
        tpu.vector_store %arg12[%swap3A_437], %add3A_434 {strides = array<i32>} : memref<16384xi32, #tpu.memory_space<vmem>>, vector<16xi32>,
        %add3A_439 = arith.constant 265224 : i32
        %add3A_440 = vector.broadcast %add3A_439 : i32 to vector<16xi32>
        %add3A_441 = arith.addi %mul3A_270, %add3A_440 : vector<16xi32>
        %add3A_442 = arith.constant 12288 : i32
        %add3A_443 = arith.addi %add3A_442, %mul3A_189 : i32
        %swap3A_444 = arith.index_cast %add3A_443 : i32 to index
        %swap3A_445 = tpu.vector_load %arg12[%swap3A_444] {strides = array<i32>} : memref<16384xi32, #tpu.memory_space<vmem>>, vector<16xi32>,
        tpu.vector_store %arg12[%swap3A_444], %add3A_441 {strides = array<i32>} : memref<16384xi32, #tpu.memory_space<vmem>>, vector<16xi32>,
        %add3A_446 = arith.constant 265225 : i32
        %add3A_447 = vector.broadcast %add3A_446 : i32 to vector<16xi32>
        %add3A_448 = arith.addi %mul3A_270, %add3A_447 : vector<16xi32>
        %add3A_449 = arith.constant 12800 : i32
        %add3A_450 = arith.addi %add3A_449, %mul3A_189 : i32
        %swap3A_451 = arith.index_cast %add3A_450 : i32 to index
        %swap3A_452 = tpu.vector_load %arg12[%swap3A_451] {strides = array<i32>} : memref<16384xi32, #tpu.memory_space<vmem>>, vector<16xi32>,
        tpu.vector_store %arg12[%swap3A_451], %add3A_448 {strides = array<i32>} : memref<16384xi32, #tpu.memory_space<vmem>>, vector<16xi32>,
        %add3A_453 = arith.constant 265226 : i32
        %add3A_454 = vector.broadcast %add3A_453 : i32 to vector<16xi32>
        %add3A_455 = arith.addi %mul3A_270, %add3A_454 : vector<16xi32>
        %add3A_456 = arith.constant 13312 : i32
        %add3A_457 = arith.addi %add3A_456, %mul3A_189 : i32
        %swap3A_458 = arith.index_cast %add3A_457 : i32 to index
        %swap3A_459 = tpu.vector_load %arg12[%swap3A_458] {strides = array<i32>} : memref<16384xi32, #tpu.memory_space<vmem>>, vector<16xi32>,
        tpu.vector_store %arg12[%swap3A_458], %add3A_455 {strides = array<i32>} : memref<16384xi32, #tpu.memory_space<vmem>>, vector<16xi32>,
        %add3A_460 = arith.constant 265227 : i32
        %add3A_461 = vector.broadcast %add3A_460 : i32 to vector<16xi32>
        %add3A_462 = arith.addi %mul3A_270, %add3A_461 : vector<16xi32>
        %add3A_463 = arith.constant 13824 : i32
        %add3A_464 = arith.addi %add3A_463, %mul3A_189 : i32
        %swap3A_465 = arith.index_cast %add3A_464 : i32 to index
        %swap3A_466 = tpu.vector_load %arg12[%swap3A_465] {strides = array<i32>} : memref<16384xi32, #tpu.memory_space<vmem>>, vector<16xi32>,
        tpu.vector_store %arg12[%swap3A_465], %add3A_462 {strides = array<i32>} : memref<16384xi32, #tpu.memory_space<vmem>>, vector<16xi32>,
        %add3A_467 = arith.constant 265228 : i32
        %add3A_468 = vector.broadcast %add3A_467 : i32 to vector<16xi32>
        %add3A_469 = arith.addi %mul3A_270, %add3A_468 : vector<16xi32>
        %add3A_470 = arith.constant 14336 : i32
        %add3A_471 = arith.addi %add3A_470, %mul3A_189 : i32
        %swap3A_472 = arith.index_cast %add3A_471 : i32 to index
        %swap3A_473 = tpu.vector_load %arg12[%swap3A_472] {strides = array<i32>} : memref<16384xi32, #tpu.memory_space<vmem>>, vector<16xi32>,
        tpu.vector_store %arg12[%swap3A_472], %add3A_469 {strides = array<i32>} : memref<16384xi32, #tpu.memory_space<vmem>>, vector<16xi32>,
        %add3A_474 = arith.constant 265229 : i32
        %add3A_475 = vector.broadcast %add3A_474 : i32 to vector<16xi32>
        %add3A_476 = arith.addi %mul3A_270, %add3A_475 : vector<16xi32>
        %add3A_477 = arith.constant 14848 : i32
        %add3A_478 = arith.addi %add3A_477, %mul3A_189 : i32
        %swap3A_479 = arith.index_cast %add3A_478 : i32 to index
        %swap3A_480 = tpu.vector_load %arg12[%swap3A_479] {strides = array<i32>} : memref<16384xi32, #tpu.memory_space<vmem>>, vector<16xi32>,
        tpu.vector_store %arg12[%swap3A_479], %add3A_476 {strides = array<i32>} : memref<16384xi32, #tpu.memory_space<vmem>>, vector<16xi32>,
        %add3A_481 = arith.constant 265230 : i32
        %add3A_482 = vector.broadcast %add3A_481 : i32 to vector<16xi32>
        %add3A_483 = arith.addi %mul3A_270, %add3A_482 : vector<16xi32>
        %add3A_484 = arith.constant 15360 : i32
        %add3A_485 = arith.addi %add3A_484, %mul3A_189 : i32
        %swap3A_486 = arith.index_cast %add3A_485 : i32 to index
        %swap3A_487 = tpu.vector_load %arg12[%swap3A_486] {strides = array<i32>} : memref<16384xi32, #tpu.memory_space<vmem>>, vector<16xi32>,
        tpu.vector_store %arg12[%swap3A_486], %add3A_483 {strides = array<i32>} : memref<16384xi32, #tpu.memory_space<vmem>>, vector<16xi32>,
        %add3A_488 = arith.constant 265231 : i32
        %add3A_489 = vector.broadcast %add3A_488 : i32 to vector<16xi32>
        %add3A_490 = arith.addi %mul3A_270, %add3A_489 : vector<16xi32>
        %add3A_491 = arith.constant 15872 : i32
        %add3A_492 = arith.addi %add3A_491, %mul3A_189 : i32
        %swap3A_493 = arith.index_cast %add3A_492 : i32 to index
        %swap3A_494 = tpu.vector_load %arg12[%swap3A_493] {strides = array<i32>} : memref<16384xi32, #tpu.memory_space<vmem>>, vector<16xi32>,
        tpu.vector_store %arg12[%swap3A_493], %add3A_490 {strides = array<i32>} : memref<16384xi32, #tpu.memory_space<vmem>>, vector<16xi32>,
        %scan3A_495 = arith.constant 0 : i32
        scf.yield %scan3A_495 : i32
      }
      %scan3A_91 = arith.constant 32 : i32
      %dma_start3A_92 = arith.constant 0 : i32
      %dma_start3A_93 = tpu.memref_slice %arg14[%dma_start3A_92] : memref<16384xf32, #tpu.memory_space<vmem>> -> memref<2048xf32, #tpu.memory_space<vmem>>
      %dma_start3A_94 = arith.constant 0 : i32
      %dma_start3A_95 = tpu.memref_slice %arg12[%dma_start3A_94] : memref<16384xi32, #tpu.memory_space<vmem>> -> memref<2048xi32, #tpu.memory_space<vmem>>
      %dma_start3A_96 = arith.constant 0 : i32
      %dma_start3A_97 = tpu.memref_slice %arg3[%dma_start3A_96] : memref<67898372xf32, #tpu.memory_space<hbm>> -> memref<67898372xf32, #tpu.memory_space<hbm>>
      tpu.enqueue_indirect_dma source(%dma_start3A_97 : memref<67898372xf32, #tpu.memory_space<hbm>>) target(%dma_start3A_93 : memref<2048xf32, #tpu.memory_space<vmem>>) offsets(%dma_start3A_95 : memref<2048xi32, #tpu.memory_space<vmem>>) semaphore(%arg16 : memref<!tpu.dma_semaphore, #tpu.memory_space<semaphore_mem>>)
      %dma_start3A_98 = arith.constant 2048 : i32
      %dma_start3A_99 = tpu.memref_slice %arg14[%dma_start3A_98] : memref<16384xf32, #tpu.memory_space<vmem>> -> memref<2048xf32, #tpu.memory_space<vmem>>
      %dma_start3A_100 = arith.constant 2048 : i32
      %dma_start3A_101 = tpu.memref_slice %arg12[%dma_start3A_100] : memref<16384xi32, #tpu.memory_space<vmem>> -> memref<2048xi32, #tpu.memory_space<vmem>>
      %dma_start3A_102 = arith.constant 0 : i32
      %dma_start3A_103 = tpu.memref_slice %arg3[%dma_start3A_102] : memref<67898372xf32, #tpu.memory_space<hbm>> -> memref<67898372xf32, #tpu.memory_space<hbm>>
      tpu.enqueue_indirect_dma source(%dma_start3A_103 : memref<67898372xf32, #tpu.memory_space<hbm>>) target(%dma_start3A_99 : memref<2048xf32, #tpu.memory_space<vmem>>) offsets(%dma_start3A_101 : memref<2048xi32, #tpu.memory_space<vmem>>) semaphore(%arg16 : memref<!tpu.dma_semaphore, #tpu.memory_space<semaphore_mem>>)
      %dma_start3A_104 = arith.constant 4096 : i32
      %dma_start3A_105 = tpu.memref_slice %arg14[%dma_start3A_104] : memref<16384xf32, #tpu.memory_space<vmem>> -> memref<2048xf32, #tpu.memory_space<vmem>>
      %dma_start3A_106 = arith.constant 4096 : i32
      %dma_start3A_107 = tpu.memref_slice %arg12[%dma_start3A_106] : memref<16384xi32, #tpu.memory_space<vmem>> -> memref<2048xi32, #tpu.memory_space<vmem>>
      %dma_start3A_108 = arith.constant 0 : i32
      %dma_start3A_109 = tpu.memref_slice %arg3[%dma_start3A_108] : memref<67898372xf32, #tpu.memory_space<hbm>> -> memref<67898372xf32, #tpu.memory_space<hbm>>
      tpu.enqueue_indirect_dma source(%dma_start3A_109 : memref<67898372xf32, #tpu.memory_space<hbm>>) target(%dma_start3A_105 : memref<2048xf32, #tpu.memory_space<vmem>>) offsets(%dma_start3A_107 : memref<2048xi32, #tpu.memory_space<vmem>>) semaphore(%arg16 : memref<!tpu.dma_semaphore, #tpu.memory_space<semaphore_mem>>)
      %dma_start3A_110 = arith.constant 6144 : i32
      %dma_start3A_111 = tpu.memref_slice %arg14[%dma_start3A_110] : memref<16384xf32, #tpu.memory_space<vmem>> -> memref<2048xf32, #tpu.memory_space<vmem>>
      %dma_start3A_112 = arith.constant 6144 : i32
      %dma_start3A_113 = tpu.memref_slice %arg12[%dma_start3A_112] : memref<16384xi32, #tpu.memory_space<vmem>> -> memref<2048xi32, #tpu.memory_space<vmem>>
      %dma_start3A_114 = arith.constant 0 : i32
      %dma_start3A_115 = tpu.memref_slice %arg3[%dma_start3A_114] : memref<67898372xf32, #tpu.memory_space<hbm>> -> memref<67898372xf32, #tpu.memory_space<hbm>>
      tpu.enqueue_indirect_dma source(%dma_start3A_115 : memref<67898372xf32, #tpu.memory_space<hbm>>) target(%dma_start3A_111 : memref<2048xf32, #tpu.memory_space<vmem>>) offsets(%dma_start3A_113 : memref<2048xi32, #tpu.memory_space<vmem>>) semaphore(%arg16 : memref<!tpu.dma_semaphore, #tpu.memory_space<semaphore_mem>>)
      %dma_start3A_116 = arith.constant 8192 : i32
      %dma_start3A_117 = tpu.memref_slice %arg14[%dma_start3A_116] : memref<16384xf32, #tpu.memory_space<vmem>> -> memref<2048xf32, #tpu.memory_space<vmem>>
      %dma_start3A_118 = arith.constant 8192 : i32
      %dma_start3A_119 = tpu.memref_slice %arg12[%dma_start3A_118] : memref<16384xi32, #tpu.memory_space<vmem>> -> memref<2048xi32, #tpu.memory_space<vmem>>
      %dma_start3A_120 = arith.constant 0 : i32
      %dma_start3A_121 = tpu.memref_slice %arg3[%dma_start3A_120] : memref<67898372xf32, #tpu.memory_space<hbm>> -> memref<67898372xf32, #tpu.memory_space<hbm>>
      tpu.enqueue_indirect_dma source(%dma_start3A_121 : memref<67898372xf32, #tpu.memory_space<hbm>>) target(%dma_start3A_117 : memref<2048xf32, #tpu.memory_space<vmem>>) offsets(%dma_start3A_119 : memref<2048xi32, #tpu.memory_space<vmem>>) semaphore(%arg16 : memref<!tpu.dma_semaphore, #tpu.memory_space<semaphore_mem>>)
      %dma_start3A_122 = arith.constant 10240 : i32
      %dma_start3A_123 = tpu.memref_slice %arg14[%dma_start3A_122] : memref<16384xf32, #tpu.memory_space<vmem>> -> memref<2048xf32, #tpu.memory_space<vmem>>
      %dma_start3A_124 = arith.constant 10240 : i32
      %dma_start3A_125 = tpu.memref_slice %arg12[%dma_start3A_124] : memref<16384xi32, #tpu.memory_space<vmem>> -> memref<2048xi32, #tpu.memory_space<vmem>>
      %dma_start3A_126 = arith.constant 0 : i32
      %dma_start3A_127 = tpu.memref_slice %arg3[%dma_start3A_126] : memref<67898372xf32, #tpu.memory_space<hbm>> -> memref<67898372xf32, #tpu.memory_space<hbm>>
      tpu.enqueue_indirect_dma source(%dma_start3A_127 : memref<67898372xf32, #tpu.memory_space<hbm>>) target(%dma_start3A_123 : memref<2048xf32, #tpu.memory_space<vmem>>) offsets(%dma_start3A_125 : memref<2048xi32, #tpu.memory_space<vmem>>) semaphore(%arg16 : memref<!tpu.dma_semaphore, #tpu.memory_space<semaphore_mem>>)
      %dma_start3A_128 = arith.constant 12288 : i32
      %dma_start3A_129 = tpu.memref_slice %arg14[%dma_start3A_128] : memref<16384xf32, #tpu.memory_space<vmem>> -> memref<2048xf32, #tpu.memory_space<vmem>>
      %dma_start3A_130 = arith.constant 12288 : i32
      %dma_start3A_131 = tpu.memref_slice %arg12[%dma_start3A_130] : memref<16384xi32, #tpu.memory_space<vmem>> -> memref<2048xi32, #tpu.memory_space<vmem>>
      %dma_start3A_132 = arith.constant 0 : i32
      %dma_start3A_133 = tpu.memref_slice %arg3[%dma_start3A_132] : memref<67898372xf32, #tpu.memory_space<hbm>> -> memref<67898372xf32, #tpu.memory_space<hbm>>
      tpu.enqueue_indirect_dma source(%dma_start3A_133 : memref<67898372xf32, #tpu.memory_space<hbm>>) target(%dma_start3A_129 : memref<2048xf32, #tpu.memory_space<vmem>>) offsets(%dma_start3A_131 : memref<2048xi32, #tpu.memory_space<vmem>>) semaphore(%arg16 : memref<!tpu.dma_semaphore, #tpu.memory_space<semaphore_mem>>)
      %dma_start3A_134 = arith.constant 14336 : i32
      %dma_start3A_135 = tpu.memref_slice %arg14[%dma_start3A_134] : memref<16384xf32, #tpu.memory_space<vmem>> -> memref<2048xf32, #tpu.memory_space<vmem>>
      %dma_start3A_136 = arith.constant 14336 : i32
      %dma_start3A_137 = tpu.memref_slice %arg12[%dma_start3A_136] : memref<16384xi32, #tpu.memory_space<vmem>> -> memref<2048xi32, #tpu.memory_space<vmem>>
      %dma_start3A_138 = arith.constant 0 : i32
      %dma_start3A_139 = tpu.memref_slice %arg3[%dma_start3A_138] : memref<67898372xf32, #tpu.memory_space<hbm>> -> memref<67898372xf32, #tpu.memory_space<hbm>>
      tpu.enqueue_indirect_dma source(%dma_start3A_139 : memref<67898372xf32, #tpu.memory_space<hbm>>) target(%dma_start3A_135 : memref<2048xf32, #tpu.memory_space<vmem>>) offsets(%dma_start3A_137 : memref<2048xi32, #tpu.memory_space<vmem>>) semaphore(%arg16 : memref<!tpu.dma_semaphore, #tpu.memory_space<semaphore_mem>>)
      %mul3A_140 = arith.constant 62 : i32
      %mul3A_141 = arith.muli %add3A, %mul3A_140 : i32
      %add3A_142 = arith.addi %mul3A_141, %mul3A_73 : i32
      %mul3A_143 = arith.constant 512 : i32
      %mul3A_144 = arith.muli %add3A_142, %mul3A_143 : i32
      %min3A_145 = arith.constant 999488 : i32
      %min3A_146 = arith.minsi %mul3A_144, %min3A_145 : i32
      %dma_wait3A = arith.constant 0 : i32
      %dma_wait3A_147 = tpu.memref_slice %arg3[%dma_wait3A] : memref<67898372xf32, #tpu.memory_space<hbm>> -> memref<16384xf32, #tpu.memory_space<hbm>>
      %dma_wait3A_148 = arith.constant 0 : i32
      %dma_wait3A_149 = tpu.memref_slice %arg3[%dma_wait3A_148] : memref<67898372xf32, #tpu.memory_space<hbm>> -> memref<16384xf32, #tpu.memory_space<hbm>>
      tpu.wait_dma2 semaphore(%arg10 : memref<!tpu.dma_semaphore, #tpu.memory_space<semaphore_mem>>) src(%dma_wait3A_149 : memref<16384xf32, #tpu.memory_space<hbm>>) dst(%arg8 : memref<16384xf32, #tpu.memory_space<vmem>>)
      %scan3A_150 = arith.constant 0 : i32
      %scan3A_151 = arith.constant 0 : i32
      %scan3A_152 = arith.constant 32 : i32
      %scan3A_153 = arith.addi %scan3A_151, %scan3A_152 : i32
      %scan3A_154 = arith.constant 1 : i32
      %scan3A_155 = scf.for %scan3A_186 = %scan3A_151 to %scan3A_153 step %scan3A_154 iter_args(%scan3A_187 = %scan3A_150) -> (i32)  : i32 {
        %mul3A_188 = arith.constant 16 : i32
        %mul3A_189 = arith.muli %scan3A_186, %mul3A_188 : i32
        %mul3A_190 = arith.constant 4 : i32
        %mul3A_191 = vector.broadcast %mul3A_190 : i32 to vector<16xi32>
        %mul3A_192 = arith.muli %iota3A, %mul3A_191 : vector<16xi32>
        %mul3A_193 = arith.constant 4 : i32
        %mul3A_194 = arith.muli %mul3A_189, %mul3A_193 : i32
        %add3A_195 = vector.broadcast %mul3A_194 : i32 to vector<16xi32>
        %add3A_196 = arith.addi %mul3A_192, %add3A_195 : vector<16xi32>
        %get3A = arith.index_cast %mul3A_189 : i32 to index
        %get3A_197 = tpu.vector_load %arg7[%get3A] {strides = array<i32>} : memref<1536xf32, #tpu.memory_space<vmem>>, vector<16xf32>,
        %add3A_198 = arith.constant 512 : i32
        %add3A_199 = arith.addi %add3A_198, %mul3A_189 : i32
        %get3A_200 = arith.index_cast %add3A_199 : i32 to index
        %get3A_201 = tpu.vector_load %arg7[%get3A_200] {strides = array<i32>} : memref<1536xf32, #tpu.memory_space<vmem>>, vector<16xf32>,
        %add3A_202 = arith.constant 1024 : i32
        %add3A_203 = arith.addi %add3A_202, %mul3A_189 : i32
        %get3A_204 = arith.index_cast %add3A_203 : i32 to index
        %get3A_205 = tpu.vector_load %arg7[%get3A_204] {strides = array<i32>} : memref<1536xf32, #tpu.memory_space<vmem>>, vector<16xf32>,
        %add3A_206 = arith.constant 0 : i32
        %add3A_207 = arith.addi %add3A_206, %mul3A_189 : i32
        %get3A_208 = arith.index_cast %add3A_207 : i32 to index
        %get3A_209 = tpu.vector_load %arg8[%get3A_208] {strides = array<i32>} : memref<16384xf32, #tpu.memory_space<vmem>>, vector<16xf32>,
        %add3A_210 = arith.constant 2048 : i32
        %add3A_211 = arith.addi %add3A_210, %mul3A_189 : i32
        %get3A_212 = arith.index_cast %add3A_211 : i32 to index
        %get3A_213 = tpu.vector_load %arg8[%get3A_212] {strides = array<i32>} : memref<16384xf32, #tpu.memory_space<vmem>>, vector<16xf32>,
        %add3A_214 = arith.constant 4096 : i32
        %add3A_215 = arith.addi %add3A_214, %mul3A_189 : i32
        %get3A_216 = arith.index_cast %add3A_215 : i32 to index
        %get3A_217 = tpu.vector_load %arg8[%get3A_216] {strides = array<i32>} : memref<16384xf32, #tpu.memory_space<vmem>>, vector<16xf32>,
        %add3A_218 = arith.constant 6144 : i32
        %add3A_219 = arith.addi %add3A_218, %mul3A_189 : i32
        %get3A_220 = arith.index_cast %add3A_219 : i32 to index
        %get3A_221 = tpu.vector_load %arg8[%get3A_220] {strides = array<i32>} : memref<16384xf32, #tpu.memory_space<vmem>>, vector<16xf32>,
        %add3A_222 = arith.constant 8192 : i32
        %add3A_223 = arith.addi %add3A_222, %mul3A_189 : i32
        %get3A_224 = arith.index_cast %add3A_223 : i32 to index
        %get3A_225 = tpu.vector_load %arg8[%get3A_224] {strides = array<i32>} : memref<16384xf32, #tpu.memory_space<vmem>>, vector<16xf32>,
        %add3A_226 = arith.constant 10240 : i32
        %add3A_227 = arith.addi %add3A_226, %mul3A_189 : i32
        %get3A_228 = arith.index_cast %add3A_227 : i32 to index
        %get3A_229 = tpu.vector_load %arg8[%get3A_228] {strides = array<i32>} : memref<16384xf32, #tpu.memory_space<vmem>>, vector<16xf32>,
        %add3A_230 = arith.constant 12288 : i32
        %add3A_231 = arith.addi %add3A_230, %mul3A_189 : i32
        %get3A_232 = arith.index_cast %add3A_231 : i32 to index
        %get3A_233 = tpu.vector_load %arg8[%get3A_232] {strides = array<i32>} : memref<16384xf32, #tpu.memory_space<vmem>>, vector<16xf32>,
        %add3A_234 = arith.constant 14336 : i32
        %add3A_235 = arith.addi %add3A_234, %mul3A_189 : i32
        %get3A_236 = arith.index_cast %add3A_235 : i32 to index
        %get3A_237 = tpu.vector_load %arg8[%get3A_236] {strides = array<i32>} : memref<16384xf32, #tpu.memory_space<vmem>>, vector<16xf32>,
        %sub3A = arith.subf %get3A_213, %get3A_209 : vector<16xf32>
        %mul3A_238 = arith.mulf %get3A_205, %sub3A : vector<16xf32>
        %add3A_239 = arith.addf %get3A_209, %mul3A_238 : vector<16xf32>
        %sub3A_240 = arith.subf %get3A_221, %get3A_217 : vector<16xf32>
        %mul3A_241 = arith.mulf %get3A_205, %sub3A_240 : vector<16xf32>
        %add3A_242 = arith.addf %get3A_217, %mul3A_241 : vector<16xf32>
        %sub3A_243 = arith.subf %get3A_229, %get3A_225 : vector<16xf32>
        %mul3A_244 = arith.mulf %get3A_205, %sub3A_243 : vector<16xf32>
        %add3A_245 = arith.addf %get3A_225, %mul3A_244 : vector<16xf32>
        %sub3A_246 = arith.subf %get3A_237, %get3A_233 : vector<16xf32>
        %mul3A_247 = arith.mulf %get3A_205, %sub3A_246 : vector<16xf32>
        %add3A_248 = arith.addf %get3A_233, %mul3A_247 : vector<16xf32>
        %sub3A_249 = arith.subf %add3A_242, %add3A_239 : vector<16xf32>
        %mul3A_250 = arith.mulf %get3A_201, %sub3A_249 : vector<16xf32>
        %add3A_251 = arith.addf %add3A_239, %mul3A_250 : vector<16xf32>
        %sub3A_252 = arith.subf %add3A_248, %add3A_245 : vector<16xf32>
        %mul3A_253 = arith.mulf %get3A_201, %sub3A_252 : vector<16xf32>
        %add3A_254 = arith.addf %add3A_245, %mul3A_253 : vector<16xf32>
        %add3A_255 = arith.constant 0 : i32
        %add3A_256 = vector.broadcast %add3A_255 : i32 to vector<16xi32>
        %add3A_257 = arith.addi %add3A_196, %add3A_256 : vector<16xi32>
        %sub3A_258 = arith.subf %add3A_254, %add3A_251 : vector<16xf32>
        %mul3A_259 = arith.mulf %get3A_197, %sub3A_258 : vector<16xf32>
        %add3A_260 = arith.addf %add3A_251, %mul3A_259 : vector<16xf32>
        tpu.vector_store_idx %arg9[%add3A_257], %add3A_260 : memref<2048xf32, #tpu.memory_space<vmem>>[vector<16xi32>], vector<16xf32>,
        %add3A_261 = arith.constant 512 : i32
        %add3A_262 = arith.addi %add3A_261, %mul3A_189 : i32
        %get3A_263 = arith.index_cast %add3A_262 : i32 to index
        %get3A_264 = tpu.vector_load %arg8[%get3A_263] {strides = array<i32>} : memref<16384xf32, #tpu.memory_space<vmem>>, vector<16xf32>,
        %add3A_265 = arith.constant 2560 : i32
        %add3A_266 = arith.addi %add3A_265, %mul3A_189 : i32
        %get3A_267 = arith.index_cast %add3A_266 : i32 to index
        %get3A_268 = tpu.vector_load %arg8[%get3A_267] {strides = array<i32>} : memref<16384xf32, #tpu.memory_space<vmem>>, vector<16xf32>,
        %add3A_269 = arith.constant 4608 : i32
        %add3A_270 = arith.addi %add3A_269, %mul3A_189 : i32
        %get3A_271 = arith.index_cast %add3A_270 : i32 to index
        %get3A_272 = tpu.vector_load %arg8[%get3A_271] {strides = array<i32>} : memref<16384xf32, #tpu.memory_space<vmem>>, vector<16xf32>,
        %add3A_273 = arith.constant 6656 : i32
        %add3A_274 = arith.addi %add3A_273, %mul3A_189 : i32
        %get3A_275 = arith.index_cast %add3A_274 : i32 to index
        %get3A_276 = tpu.vector_load %arg8[%get3A_275] {strides = array<i32>} : memref<16384xf32, #tpu.memory_space<vmem>>, vector<16xf32>,
        %add3A_277 = arith.constant 8704 : i32
        %add3A_278 = arith.addi %add3A_277, %mul3A_189 : i32
        %get3A_279 = arith.index_cast %add3A_278 : i32 to index
        %get3A_280 = tpu.vector_load %arg8[%get3A_279] {strides = array<i32>} : memref<16384xf32, #tpu.memory_space<vmem>>, vector<16xf32>,
        %add3A_281 = arith.constant 10752 : i32
        %add3A_282 = arith.addi %add3A_281, %mul3A_189 : i32
        %get3A_283 = arith.index_cast %add3A_282 : i32 to index
        %get3A_284 = tpu.vector_load %arg8[%get3A_283] {strides = array<i32>} : memref<16384xf32, #tpu.memory_space<vmem>>, vector<16xf32>,
        %add3A_285 = arith.constant 12800 : i32
        %add3A_286 = arith.addi %add3A_285, %mul3A_189 : i32
        %get3A_287 = arith.index_cast %add3A_286 : i32 to index
        %get3A_288 = tpu.vector_load %arg8[%get3A_287] {strides = array<i32>} : memref<16384xf32, #tpu.memory_space<vmem>>, vector<16xf32>,
        %add3A_289 = arith.constant 14848 : i32
        %add3A_290 = arith.addi %add3A_289, %mul3A_189 : i32
        %get3A_291 = arith.index_cast %add3A_290 : i32 to index
        %get3A_292 = tpu.vector_load %arg8[%get3A_291] {strides = array<i32>} : memref<16384xf32, #tpu.memory_space<vmem>>, vector<16xf32>,
        %sub3A_293 = arith.subf %get3A_268, %get3A_264 : vector<16xf32>
        %mul3A_294 = arith.mulf %get3A_205, %sub3A_293 : vector<16xf32>
        %add3A_295 = arith.addf %get3A_264, %mul3A_294 : vector<16xf32>
        %sub3A_296 = arith.subf %get3A_276, %get3A_272 : vector<16xf32>
        %mul3A_297 = arith.mulf %get3A_205, %sub3A_296 : vector<16xf32>
        %add3A_298 = arith.addf %get3A_272, %mul3A_297 : vector<16xf32>
        %sub3A_299 = arith.subf %get3A_284, %get3A_280 : vector<16xf32>
        %mul3A_300 = arith.mulf %get3A_205, %sub3A_299 : vector<16xf32>
        %add3A_301 = arith.addf %get3A_280, %mul3A_300 : vector<16xf32>
        %sub3A_302 = arith.subf %get3A_292, %get3A_288 : vector<16xf32>
        %mul3A_303 = arith.mulf %get3A_205, %sub3A_302 : vector<16xf32>
        %add3A_304 = arith.addf %get3A_288, %mul3A_303 : vector<16xf32>
        %sub3A_305 = arith.subf %add3A_298, %add3A_295 : vector<16xf32>
        %mul3A_306 = arith.mulf %get3A_201, %sub3A_305 : vector<16xf32>
        %add3A_307 = arith.addf %add3A_295, %mul3A_306 : vector<16xf32>
        %sub3A_308 = arith.subf %add3A_304, %add3A_301 : vector<16xf32>
        %mul3A_309 = arith.mulf %get3A_201, %sub3A_308 : vector<16xf32>
        %add3A_310 = arith.addf %add3A_301, %mul3A_309 : vector<16xf32>
        %add3A_311 = arith.constant 1 : i32
        %add3A_312 = vector.broadcast %add3A_311 : i32 to vector<16xi32>
        %add3A_313 = arith.addi %add3A_196, %add3A_312 : vector<16xi32>
        %sub3A_314 = arith.subf %add3A_310, %add3A_307 : vector<16xf32>
        %mul3A_315 = arith.mulf %get3A_197, %sub3A_314 : vector<16xf32>
        %add3A_316 = arith.addf %add3A_307, %mul3A_315 : vector<16xf32>
        tpu.vector_store_idx %arg9[%add3A_313], %add3A_316 : memref<2048xf32, #tpu.memory_space<vmem>>[vector<16xi32>], vector<16xf32>,
        %add3A_317 = arith.constant 1024 : i32
        %add3A_318 = arith.addi %add3A_317, %mul3A_189 : i32
        %get3A_319 = arith.index_cast %add3A_318 : i32 to index
        %get3A_320 = tpu.vector_load %arg8[%get3A_319] {strides = array<i32>} : memref<16384xf32, #tpu.memory_space<vmem>>, vector<16xf32>,
        %add3A_321 = arith.constant 3072 : i32
        %add3A_322 = arith.addi %add3A_321, %mul3A_189 : i32
        %get3A_323 = arith.index_cast %add3A_322 : i32 to index
        %get3A_324 = tpu.vector_load %arg8[%get3A_323] {strides = array<i32>} : memref<16384xf32, #tpu.memory_space<vmem>>, vector<16xf32>,
        %add3A_325 = arith.constant 5120 : i32
        %add3A_326 = arith.addi %add3A_325, %mul3A_189 : i32
        %get3A_327 = arith.index_cast %add3A_326 : i32 to index
        %get3A_328 = tpu.vector_load %arg8[%get3A_327] {strides = array<i32>} : memref<16384xf32, #tpu.memory_space<vmem>>, vector<16xf32>,
        %add3A_329 = arith.constant 7168 : i32
        %add3A_330 = arith.addi %add3A_329, %mul3A_189 : i32
        %get3A_331 = arith.index_cast %add3A_330 : i32 to index
        %get3A_332 = tpu.vector_load %arg8[%get3A_331] {strides = array<i32>} : memref<16384xf32, #tpu.memory_space<vmem>>, vector<16xf32>,
        %add3A_333 = arith.constant 9216 : i32
        %add3A_334 = arith.addi %add3A_333, %mul3A_189 : i32
        %get3A_335 = arith.index_cast %add3A_334 : i32 to index
        %get3A_336 = tpu.vector_load %arg8[%get3A_335] {strides = array<i32>} : memref<16384xf32, #tpu.memory_space<vmem>>, vector<16xf32>,
        %add3A_337 = arith.constant 11264 : i32
        %add3A_338 = arith.addi %add3A_337, %mul3A_189 : i32
        %get3A_339 = arith.index_cast %add3A_338 : i32 to index
        %get3A_340 = tpu.vector_load %arg8[%get3A_339] {strides = array<i32>} : memref<16384xf32, #tpu.memory_space<vmem>>, vector<16xf32>,
        %add3A_341 = arith.constant 13312 : i32
        %add3A_342 = arith.addi %add3A_341, %mul3A_189 : i32
        %get3A_343 = arith.index_cast %add3A_342 : i32 to index
        %get3A_344 = tpu.vector_load %arg8[%get3A_343] {strides = array<i32>} : memref<16384xf32, #tpu.memory_space<vmem>>, vector<16xf32>,
        %add3A_345 = arith.constant 15360 : i32
        %add3A_346 = arith.addi %add3A_345, %mul3A_189 : i32
        %get3A_347 = arith.index_cast %add3A_346 : i32 to index
        %get3A_348 = tpu.vector_load %arg8[%get3A_347] {strides = array<i32>} : memref<16384xf32, #tpu.memory_space<vmem>>, vector<16xf32>,
        %sub3A_349 = arith.subf %get3A_324, %get3A_320 : vector<16xf32>
        %mul3A_350 = arith.mulf %get3A_205, %sub3A_349 : vector<16xf32>
        %add3A_351 = arith.addf %get3A_320, %mul3A_350 : vector<16xf32>
        %sub3A_352 = arith.subf %get3A_332, %get3A_328 : vector<16xf32>
        %mul3A_353 = arith.mulf %get3A_205, %sub3A_352 : vector<16xf32>
        %add3A_354 = arith.addf %get3A_328, %mul3A_353 : vector<16xf32>
        %sub3A_355 = arith.subf %get3A_340, %get3A_336 : vector<16xf32>
        %mul3A_356 = arith.mulf %get3A_205, %sub3A_355 : vector<16xf32>
        %add3A_357 = arith.addf %get3A_336, %mul3A_356 : vector<16xf32>
        %sub3A_358 = arith.subf %get3A_348, %get3A_344 : vector<16xf32>
        %mul3A_359 = arith.mulf %get3A_205, %sub3A_358 : vector<16xf32>
        %add3A_360 = arith.addf %get3A_344, %mul3A_359 : vector<16xf32>
        %sub3A_361 = arith.subf %add3A_354, %add3A_351 : vector<16xf32>
        %mul3A_362 = arith.mulf %get3A_201, %sub3A_361 : vector<16xf32>
        %add3A_363 = arith.addf %add3A_351, %mul3A_362 : vector<16xf32>
        %sub3A_364 = arith.subf %add3A_360, %add3A_357 : vector<16xf32>
        %mul3A_365 = arith.mulf %get3A_201, %sub3A_364 : vector<16xf32>
        %add3A_366 = arith.addf %add3A_357, %mul3A_365 : vector<16xf32>
        %add3A_367 = arith.constant 2 : i32
        %add3A_368 = vector.broadcast %add3A_367 : i32 to vector<16xi32>
        %add3A_369 = arith.addi %add3A_196, %add3A_368 : vector<16xi32>
        %sub3A_370 = arith.subf %add3A_366, %add3A_363 : vector<16xf32>
        %mul3A_371 = arith.mulf %get3A_197, %sub3A_370 : vector<16xf32>
        %add3A_372 = arith.addf %add3A_363, %mul3A_371 : vector<16xf32>
        tpu.vector_store_idx %arg9[%add3A_369], %add3A_372 : memref<2048xf32, #tpu.memory_space<vmem>>[vector<16xi32>], vector<16xf32>,
        %add3A_373 = arith.constant 1536 : i32
        %add3A_374 = arith.addi %add3A_373, %mul3A_189 : i32
        %get3A_375 = arith.index_cast %add3A_374 : i32 to index
        %get3A_376 = tpu.vector_load %arg8[%get3A_375] {strides = array<i32>} : memref<16384xf32, #tpu.memory_space<vmem>>, vector<16xf32>,
        %add3A_377 = arith.constant 3584 : i32
        %add3A_378 = arith.addi %add3A_377, %mul3A_189 : i32
        %get3A_379 = arith.index_cast %add3A_378 : i32 to index
        %get3A_380 = tpu.vector_load %arg8[%get3A_379] {strides = array<i32>} : memref<16384xf32, #tpu.memory_space<vmem>>, vector<16xf32>,
        %add3A_381 = arith.constant 5632 : i32
        %add3A_382 = arith.addi %add3A_381, %mul3A_189 : i32
        %get3A_383 = arith.index_cast %add3A_382 : i32 to index
        %get3A_384 = tpu.vector_load %arg8[%get3A_383] {strides = array<i32>} : memref<16384xf32, #tpu.memory_space<vmem>>, vector<16xf32>,
        %add3A_385 = arith.constant 7680 : i32
        %add3A_386 = arith.addi %add3A_385, %mul3A_189 : i32
        %get3A_387 = arith.index_cast %add3A_386 : i32 to index
        %get3A_388 = tpu.vector_load %arg8[%get3A_387] {strides = array<i32>} : memref<16384xf32, #tpu.memory_space<vmem>>, vector<16xf32>,
        %add3A_389 = arith.constant 9728 : i32
        %add3A_390 = arith.addi %add3A_389, %mul3A_189 : i32
        %get3A_391 = arith.index_cast %add3A_390 : i32 to index
        %get3A_392 = tpu.vector_load %arg8[%get3A_391] {strides = array<i32>} : memref<16384xf32, #tpu.memory_space<vmem>>, vector<16xf32>,
        %add3A_393 = arith.constant 11776 : i32
        %add3A_394 = arith.addi %add3A_393, %mul3A_189 : i32
        %get3A_395 = arith.index_cast %add3A_394 : i32 to index
        %get3A_396 = tpu.vector_load %arg8[%get3A_395] {strides = array<i32>} : memref<16384xf32, #tpu.memory_space<vmem>>, vector<16xf32>,
        %add3A_397 = arith.constant 13824 : i32
        %add3A_398 = arith.addi %add3A_397, %mul3A_189 : i32
        %get3A_399 = arith.index_cast %add3A_398 : i32 to index
        %get3A_400 = tpu.vector_load %arg8[%get3A_399] {strides = array<i32>} : memref<16384xf32, #tpu.memory_space<vmem>>, vector<16xf32>,
        %add3A_401 = arith.constant 15872 : i32
        %add3A_402 = arith.addi %add3A_401, %mul3A_189 : i32
        %get3A_403 = arith.index_cast %add3A_402 : i32 to index
        %get3A_404 = tpu.vector_load %arg8[%get3A_403] {strides = array<i32>} : memref<16384xf32, #tpu.memory_space<vmem>>, vector<16xf32>,
        %sub3A_405 = arith.subf %get3A_380, %get3A_376 : vector<16xf32>
        %mul3A_406 = arith.mulf %get3A_205, %sub3A_405 : vector<16xf32>
        %add3A_407 = arith.addf %get3A_376, %mul3A_406 : vector<16xf32>
        %sub3A_408 = arith.subf %get3A_388, %get3A_384 : vector<16xf32>
        %mul3A_409 = arith.mulf %get3A_205, %sub3A_408 : vector<16xf32>
        %add3A_410 = arith.addf %get3A_384, %mul3A_409 : vector<16xf32>
        %sub3A_411 = arith.subf %get3A_396, %get3A_392 : vector<16xf32>
        %mul3A_412 = arith.mulf %get3A_205, %sub3A_411 : vector<16xf32>
        %add3A_413 = arith.addf %get3A_392, %mul3A_412 : vector<16xf32>
        %sub3A_414 = arith.subf %get3A_404, %get3A_400 : vector<16xf32>
        %mul3A_415 = arith.mulf %get3A_205, %sub3A_414 : vector<16xf32>
        %add3A_416 = arith.addf %get3A_400, %mul3A_415 : vector<16xf32>
        %sub3A_417 = arith.subf %add3A_410, %add3A_407 : vector<16xf32>
        %mul3A_418 = arith.mulf %get3A_201, %sub3A_417 : vector<16xf32>
        %add3A_419 = arith.addf %add3A_407, %mul3A_418 : vector<16xf32>
        %sub3A_420 = arith.subf %add3A_416, %add3A_413 : vector<16xf32>
        %mul3A_421 = arith.mulf %get3A_201, %sub3A_420 : vector<16xf32>
        %add3A_422 = arith.addf %add3A_413, %mul3A_421 : vector<16xf32>
        %add3A_423 = arith.constant 3 : i32
        %add3A_424 = vector.broadcast %add3A_423 : i32 to vector<16xi32>
        %add3A_425 = arith.addi %add3A_196, %add3A_424 : vector<16xi32>
        %sub3A_426 = arith.subf %add3A_422, %add3A_419 : vector<16xf32>
        %mul3A_427 = arith.mulf %get3A_197, %sub3A_426 : vector<16xf32>
        %add3A_428 = arith.addf %add3A_419, %mul3A_427 : vector<16xf32>
        tpu.vector_store_idx %arg9[%add3A_425], %add3A_428 : memref<2048xf32, #tpu.memory_space<vmem>>[vector<16xi32>], vector<16xf32>,
        %scan3A_429 = arith.constant 0 : i32
        scf.yield %scan3A_429 : i32
      }
      %scan3A_156 = arith.constant 32 : i32
      %mul3A_157 = arith.constant 4 : i32
      %mul3A_158 = arith.muli %min3A_146, %mul3A_157 : i32
      "tpu.region"() ({
        %run_scoped3A = tpu.sem_alloc : memref<!tpu.dma_semaphore, #tpu.memory_space<semaphore_mem>>
        %dma_start3A_186 = tpu.memref_slice %arg4[%mul3A_158] : memref<4000000xf32, #tpu.memory_space<hbm>> -> memref<2048xf32, #tpu.memory_space<hbm>>
        %dma_start3A_187 = tpu.memref_slice %arg4[%mul3A_158] : memref<4000000xf32, #tpu.memory_space<hbm>> -> memref<2048xf32, #tpu.memory_space<hbm>>
        tpu.enqueue_dma source(%arg9 : memref<2048xf32, #tpu.memory_space<vmem>>) target(%dma_start3A_187 : memref<2048xf32, #tpu.memory_space<hbm>>) target_semaphore(%run_scoped3A : memref<!tpu.dma_semaphore, #tpu.memory_space<semaphore_mem>>)
        %dma_wait3A_188 = tpu.memref_slice %arg4[%mul3A_158] : memref<4000000xf32, #tpu.memory_space<hbm>> -> memref<2048xf32, #tpu.memory_space<hbm>>
        %dma_wait3A_189 = tpu.memref_slice %arg4[%mul3A_158] : memref<4000000xf32, #tpu.memory_space<hbm>> -> memref<2048xf32, #tpu.memory_space<hbm>>
        tpu.wait_dma2 semaphore(%run_scoped3A : memref<!tpu.dma_semaphore, #tpu.memory_space<semaphore_mem>>) src(%arg9 : memref<2048xf32, #tpu.memory_space<vmem>>) dst(%dma_wait3A_189 : memref<2048xf32, #tpu.memory_space<hbm>>)
        tpu.yield
      }) : () -> ()
      %add3A_159 = arith.constant 1 : i32
      %add3A_160 = arith.addi %scan3A_70, %add3A_159 : i32
      %lt3A = arith.constant 31 : i32
      %lt3A_161 = arith.cmpi slt, %add3A_160, %lt3A : i32
      %convert_element_type3A = arith.extui %lt3A_161 : i1 to i32
      %cond3A = arith.constant 0 : i32
      %cond3A_162 = arith.cmpi ne, %convert_element_type3A, %cond3A : i32
      scf.if %cond3A_162 {
        %add3A_186 = arith.constant 2 : i32
        %add3A_187 = arith.addi %mul3A_73, %add3A_186 : i32
        %mul3A_188 = arith.constant 62 : i32
        %mul3A_189 = arith.muli %add3A, %mul3A_188 : i32
        %add3A_190 = arith.addi %mul3A_189, %add3A_187 : i32
        %mul3A_191 = arith.constant 512 : i32
        %mul3A_192 = arith.muli %add3A_190, %mul3A_191 : i32
        %min3A_193 = arith.constant 999488 : i32
        %min3A_194 = arith.minsi %mul3A_192, %min3A_193 : i32
        %mul3A_195 = arith.constant 3 : i32
        %mul3A_196 = arith.muli %min3A_194, %mul3A_195 : i32
        "tpu.region"() ({
          %run_scoped3A = tpu.sem_alloc : memref<!tpu.dma_semaphore, #tpu.memory_space<semaphore_mem>>
          %dma_start3A_252 = tpu.memref_slice %arg2[%mul3A_196] : memref<3000000xf32, #tpu.memory_space<hbm>> -> memref<1536xf32, #tpu.memory_space<hbm>>
          %dma_start3A_253 = tpu.memref_slice %arg2[%mul3A_196] : memref<3000000xf32, #tpu.memory_space<hbm>> -> memref<1536xf32, #tpu.memory_space<hbm>>
          tpu.enqueue_dma source(%dma_start3A_253 : memref<1536xf32, #tpu.memory_space<hbm>>) target(%arg5 : memref<1536xf32, #tpu.memory_space<vmem>>) target_semaphore(%run_scoped3A : memref<!tpu.dma_semaphore, #tpu.memory_space<semaphore_mem>>)
          %dma_wait3A_254 = tpu.memref_slice %arg2[%mul3A_196] : memref<3000000xf32, #tpu.memory_space<hbm>> -> memref<1536xf32, #tpu.memory_space<hbm>>
          %dma_wait3A_255 = tpu.memref_slice %arg2[%mul3A_196] : memref<3000000xf32, #tpu.memory_space<hbm>> -> memref<1536xf32, #tpu.memory_space<hbm>>
          tpu.wait_dma2 semaphore(%run_scoped3A : memref<!tpu.dma_semaphore, #tpu.memory_space<semaphore_mem>>) src(%dma_wait3A_255 : memref<1536xf32, #tpu.memory_space<hbm>>) dst(%arg5 : memref<1536xf32, #tpu.memory_space<vmem>>)
          tpu.yield
        }) : () -> ()
        %scan3A_197 = arith.constant 0 : i32
        %scan3A_198 = arith.constant 0 : i32
        %scan3A_199 = arith.constant 32 : i32
        %scan3A_200 = arith.addi %scan3A_198, %scan3A_199 : i32
        %scan3A_201 = arith.constant 1 : i32
        %scan3A_202 = scf.for %scan3A_252 = %scan3A_198 to %scan3A_200 step %scan3A_201 iter_args(%scan3A_253 = %scan3A_197) -> (i32)  : i32 {
          %mul3A_254 = arith.constant 16 : i32
          %mul3A_255 = arith.muli %scan3A_252, %mul3A_254 : i32
          %mul3A_256 = arith.constant 3 : i32
          %mul3A_257 = vector.broadcast %mul3A_256 : i32 to vector<16xi32>
          %mul3A_258 = arith.muli %iota3A, %mul3A_257 : vector<16xi32>
          %mul3A_259 = arith.constant 3 : i32
          %mul3A_260 = arith.muli %mul3A_255, %mul3A_259 : i32
          %add3A_261 = vector.broadcast %mul3A_260 : i32 to vector<16xi32>
          %add3A_262 = arith.addi %mul3A_258, %add3A_261 : vector<16xi32>
          %add3A_263 = arith.constant 0 : i32
          %add3A_264 = vector.broadcast %add3A_263 : i32 to vector<16xi32>
          %add3A_265 = arith.addi %add3A_262, %add3A_264 : vector<16xi32>
          %gather3A = tpu.vector_load_idx %arg5[%add3A_265] : memref<1536xf32, #tpu.memory_space<vmem>>[vector<16xi32>], vector<16xf32>,
          %mul3A_266 = arith.constant 2.560000e+02 : f32
          %mul3A_267 = vector.broadcast %mul3A_266 : f32 to vector<16xf32>
          %mul3A_268 = arith.mulf %gather3A, %mul3A_267 : vector<16xf32>
          %convert_element_type3A_269 = arith.fptosi %mul3A_268 : vector<16xf32> to vector<16xi32>
          %convert_element_type3A_270 = arith.sitofp %convert_element_type3A_269 : vector<16xi32> to vector<16xf32>
          %sub3A = arith.subf %mul3A_268, %convert_element_type3A_270 : vector<16xf32>
          %mul3A_271 = arith.constant 2.000000e+00 : f32
          %mul3A_272 = vector.broadcast %mul3A_271 : f32 to vector<16xf32>
          %mul3A_273 = arith.mulf %mul3A_272, %sub3A : vector<16xf32>
          %sub3A_274 = arith.constant 3.000000e+00 : f32
          %sub3A_275 = vector.broadcast %sub3A_274 : f32 to vector<16xf32>
          %sub3A_276 = arith.subf %sub3A_275, %mul3A_273 : vector<16xf32>
          %mul3A_277 = arith.mulf %sub3A_276, %sub3A : vector<16xf32>
          %mul3A_278 = arith.mulf %mul3A_277, %sub3A : vector<16xf32>
          %add3A_279 = arith.constant 0 : i32
          %add3A_280 = arith.addi %add3A_279, %mul3A_255 : i32
          %swap3A = arith.index_cast %add3A_280 : i32 to index
          %swap3A_281 = tpu.vector_load %arg7[%swap3A] {strides = array<i32>} : memref<1536xf32, #tpu.memory_space<vmem>>, vector<16xf32>,
          tpu.vector_store %arg7[%swap3A], %mul3A_278 {strides = array<i32>} : memref<1536xf32, #tpu.memory_space<vmem>>, vector<16xf32>,
          %add3A_282 = arith.constant 1 : i32
          %add3A_283 = vector.broadcast %add3A_282 : i32 to vector<16xi32>
          %add3A_284 = arith.addi %add3A_262, %add3A_283 : vector<16xi32>
          %gather3A_285 = tpu.vector_load_idx %arg5[%add3A_284] : memref<1536xf32, #tpu.memory_space<vmem>>[vector<16xi32>], vector<16xf32>,
          %mul3A_286 = arith.constant 2.560000e+02 : f32
          %mul3A_287 = vector.broadcast %mul3A_286 : f32 to vector<16xf32>
          %mul3A_288 = arith.mulf %gather3A_285, %mul3A_287 : vector<16xf32>
          %convert_element_type3A_289 = arith.fptosi %mul3A_288 : vector<16xf32> to vector<16xi32>
          %convert_element_type3A_290 = arith.sitofp %convert_element_type3A_289 : vector<16xi32> to vector<16xf32>
          %sub3A_291 = arith.subf %mul3A_288, %convert_element_type3A_290 : vector<16xf32>
          %mul3A_292 = arith.constant 2.000000e+00 : f32
          %mul3A_293 = vector.broadcast %mul3A_292 : f32 to vector<16xf32>
          %mul3A_294 = arith.mulf %mul3A_293, %sub3A_291 : vector<16xf32>
          %sub3A_295 = arith.constant 3.000000e+00 : f32
          %sub3A_296 = vector.broadcast %sub3A_295 : f32 to vector<16xf32>
          %sub3A_297 = arith.subf %sub3A_296, %mul3A_294 : vector<16xf32>
          %mul3A_298 = arith.mulf %sub3A_297, %sub3A_291 : vector<16xf32>
          %mul3A_299 = arith.mulf %mul3A_298, %sub3A_291 : vector<16xf32>
          %add3A_300 = arith.constant 512 : i32
          %add3A_301 = arith.addi %add3A_300, %mul3A_255 : i32
          %swap3A_302 = arith.index_cast %add3A_301 : i32 to index
          %swap3A_303 = tpu.vector_load %arg7[%swap3A_302] {strides = array<i32>} : memref<1536xf32, #tpu.memory_space<vmem>>, vector<16xf32>,
          tpu.vector_store %arg7[%swap3A_302], %mul3A_299 {strides = array<i32>} : memref<1536xf32, #tpu.memory_space<vmem>>, vector<16xf32>,
          %add3A_304 = arith.constant 2 : i32
          %add3A_305 = vector.broadcast %add3A_304 : i32 to vector<16xi32>
          %add3A_306 = arith.addi %add3A_262, %add3A_305 : vector<16xi32>
          %gather3A_307 = tpu.vector_load_idx %arg5[%add3A_306] : memref<1536xf32, #tpu.memory_space<vmem>>[vector<16xi32>], vector<16xf32>,
          %mul3A_308 = arith.constant 2.560000e+02 : f32
          %mul3A_309 = vector.broadcast %mul3A_308 : f32 to vector<16xf32>
          %mul3A_310 = arith.mulf %gather3A_307, %mul3A_309 : vector<16xf32>
          %convert_element_type3A_311 = arith.fptosi %mul3A_310 : vector<16xf32> to vector<16xi32>
          %convert_element_type3A_312 = arith.sitofp %convert_element_type3A_311 : vector<16xi32> to vector<16xf32>
          %sub3A_313 = arith.subf %mul3A_310, %convert_element_type3A_312 : vector<16xf32>
          %mul3A_314 = arith.constant 2.000000e+00 : f32
          %mul3A_315 = vector.broadcast %mul3A_314 : f32 to vector<16xf32>
          %mul3A_316 = arith.mulf %mul3A_315, %sub3A_313 : vector<16xf32>
          %sub3A_317 = arith.constant 3.000000e+00 : f32
          %sub3A_318 = vector.broadcast %sub3A_317 : f32 to vector<16xf32>
          %sub3A_319 = arith.subf %sub3A_318, %mul3A_316 : vector<16xf32>
          %mul3A_320 = arith.mulf %sub3A_319, %sub3A_313 : vector<16xf32>
          %mul3A_321 = arith.mulf %mul3A_320, %sub3A_313 : vector<16xf32>
          %add3A_322 = arith.constant 1024 : i32
          %add3A_323 = arith.addi %add3A_322, %mul3A_255 : i32
          %swap3A_324 = arith.index_cast %add3A_323 : i32 to index
          %swap3A_325 = tpu.vector_load %arg7[%swap3A_324] {strides = array<i32>} : memref<1536xf32, #tpu.memory_space<vmem>>, vector<16xf32>,
          tpu.vector_store %arg7[%swap3A_324], %mul3A_321 {strides = array<i32>} : memref<1536xf32, #tpu.memory_space<vmem>>, vector<16xf32>,
          %mul3A_326 = arith.constant 66049 : i32
          %mul3A_327 = vector.broadcast %mul3A_326 : i32 to vector<16xi32>
          %mul3A_328 = arith.muli %convert_element_type3A_269, %mul3A_327 : vector<16xi32>
          %mul3A_329 = arith.constant 257 : i32
          %mul3A_330 = vector.broadcast %mul3A_329 : i32 to vector<16xi32>
          %mul3A_331 = arith.muli %convert_element_type3A_289, %mul3A_330 : vector<16xi32>
          %add3A_332 = arith.addi %mul3A_328, %mul3A_331 : vector<16xi32>
          %add3A_333 = arith.addi %add3A_332, %convert_element_type3A_311 : vector<16xi32>
          %mul3A_334 = arith.constant 4 : i32
          %mul3A_335 = vector.broadcast %mul3A_334 : i32 to vector<16xi32>
          %mul3A_336 = arith.muli %add3A_333, %mul3A_335 : vector<16xi32>
          %add3A_337 = arith.constant 0 : i32
          %add3A_338 = vector.broadcast %add3A_337 : i32 to vector<16xi32>
          %add3A_339 = arith.addi %mul3A_336, %add3A_338 : vector<16xi32>
          %add3A_340 = arith.constant 0 : i32
          %add3A_341 = arith.addi %add3A_340, %mul3A_255 : i32
          %swap3A_342 = arith.index_cast %add3A_341 : i32 to index
          %swap3A_343 = tpu.vector_load %arg6[%swap3A_342] {strides = array<i32>} : memref<16384xi32, #tpu.memory_space<vmem>>, vector<16xi32>,
          tpu.vector_store %arg6[%swap3A_342], %add3A_339 {strides = array<i32>} : memref<16384xi32, #tpu.memory_space<vmem>>, vector<16xi32>,
          %add3A_344 = arith.constant 1 : i32
          %add3A_345 = vector.broadcast %add3A_344 : i32 to vector<16xi32>
          %add3A_346 = arith.addi %mul3A_336, %add3A_345 : vector<16xi32>
          %add3A_347 = arith.constant 512 : i32
          %add3A_348 = arith.addi %add3A_347, %mul3A_255 : i32
          %swap3A_349 = arith.index_cast %add3A_348 : i32 to index
          %swap3A_350 = tpu.vector_load %arg6[%swap3A_349] {strides = array<i32>} : memref<16384xi32, #tpu.memory_space<vmem>>, vector<16xi32>,
          tpu.vector_store %arg6[%swap3A_349], %add3A_346 {strides = array<i32>} : memref<16384xi32, #tpu.memory_space<vmem>>, vector<16xi32>,
          %add3A_351 = arith.constant 2 : i32
          %add3A_352 = vector.broadcast %add3A_351 : i32 to vector<16xi32>
          %add3A_353 = arith.addi %mul3A_336, %add3A_352 : vector<16xi32>
          %add3A_354 = arith.constant 1024 : i32
          %add3A_355 = arith.addi %add3A_354, %mul3A_255 : i32
          %swap3A_356 = arith.index_cast %add3A_355 : i32 to index
          %swap3A_357 = tpu.vector_load %arg6[%swap3A_356] {strides = array<i32>} : memref<16384xi32, #tpu.memory_space<vmem>>, vector<16xi32>,
          tpu.vector_store %arg6[%swap3A_356], %add3A_353 {strides = array<i32>} : memref<16384xi32, #tpu.memory_space<vmem>>, vector<16xi32>,
          %add3A_358 = arith.constant 3 : i32
          %add3A_359 = vector.broadcast %add3A_358 : i32 to vector<16xi32>
          %add3A_360 = arith.addi %mul3A_336, %add3A_359 : vector<16xi32>
          %add3A_361 = arith.constant 1536 : i32
          %add3A_362 = arith.addi %add3A_361, %mul3A_255 : i32
          %swap3A_363 = arith.index_cast %add3A_362 : i32 to index
          %swap3A_364 = tpu.vector_load %arg6[%swap3A_363] {strides = array<i32>} : memref<16384xi32, #tpu.memory_space<vmem>>, vector<16xi32>,
          tpu.vector_store %arg6[%swap3A_363], %add3A_360 {strides = array<i32>} : memref<16384xi32, #tpu.memory_space<vmem>>, vector<16xi32>,
          %add3A_365 = arith.constant 4 : i32
          %add3A_366 = vector.broadcast %add3A_365 : i32 to vector<16xi32>
          %add3A_367 = arith.addi %mul3A_336, %add3A_366 : vector<16xi32>
          %add3A_368 = arith.constant 2048 : i32
          %add3A_369 = arith.addi %add3A_368, %mul3A_255 : i32
          %swap3A_370 = arith.index_cast %add3A_369 : i32 to index
          %swap3A_371 = tpu.vector_load %arg6[%swap3A_370] {strides = array<i32>} : memref<16384xi32, #tpu.memory_space<vmem>>, vector<16xi32>,
          tpu.vector_store %arg6[%swap3A_370], %add3A_367 {strides = array<i32>} : memref<16384xi32, #tpu.memory_space<vmem>>, vector<16xi32>,
          %add3A_372 = arith.constant 5 : i32
          %add3A_373 = vector.broadcast %add3A_372 : i32 to vector<16xi32>
          %add3A_374 = arith.addi %mul3A_336, %add3A_373 : vector<16xi32>
          %add3A_375 = arith.constant 2560 : i32
          %add3A_376 = arith.addi %add3A_375, %mul3A_255 : i32
          %swap3A_377 = arith.index_cast %add3A_376 : i32 to index
          %swap3A_378 = tpu.vector_load %arg6[%swap3A_377] {strides = array<i32>} : memref<16384xi32, #tpu.memory_space<vmem>>, vector<16xi32>,
          tpu.vector_store %arg6[%swap3A_377], %add3A_374 {strides = array<i32>} : memref<16384xi32, #tpu.memory_space<vmem>>, vector<16xi32>,
          %add3A_379 = arith.constant 6 : i32
          %add3A_380 = vector.broadcast %add3A_379 : i32 to vector<16xi32>
          %add3A_381 = arith.addi %mul3A_336, %add3A_380 : vector<16xi32>
          %add3A_382 = arith.constant 3072 : i32
          %add3A_383 = arith.addi %add3A_382, %mul3A_255 : i32
          %swap3A_384 = arith.index_cast %add3A_383 : i32 to index
          %swap3A_385 = tpu.vector_load %arg6[%swap3A_384] {strides = array<i32>} : memref<16384xi32, #tpu.memory_space<vmem>>, vector<16xi32>,
          tpu.vector_store %arg6[%swap3A_384], %add3A_381 {strides = array<i32>} : memref<16384xi32, #tpu.memory_space<vmem>>, vector<16xi32>,
          %add3A_386 = arith.constant 7 : i32
          %add3A_387 = vector.broadcast %add3A_386 : i32 to vector<16xi32>
          %add3A_388 = arith.addi %mul3A_336, %add3A_387 : vector<16xi32>
          %add3A_389 = arith.constant 3584 : i32
          %add3A_390 = arith.addi %add3A_389, %mul3A_255 : i32
          %swap3A_391 = arith.index_cast %add3A_390 : i32 to index
          %swap3A_392 = tpu.vector_load %arg6[%swap3A_391] {strides = array<i32>} : memref<16384xi32, #tpu.memory_space<vmem>>, vector<16xi32>,
          tpu.vector_store %arg6[%swap3A_391], %add3A_388 {strides = array<i32>} : memref<16384xi32, #tpu.memory_space<vmem>>, vector<16xi32>,
          %add3A_393 = arith.constant 1028 : i32
          %add3A_394 = vector.broadcast %add3A_393 : i32 to vector<16xi32>
          %add3A_395 = arith.addi %mul3A_336, %add3A_394 : vector<16xi32>
          %add3A_396 = arith.constant 4096 : i32
          %add3A_397 = arith.addi %add3A_396, %mul3A_255 : i32
          %swap3A_398 = arith.index_cast %add3A_397 : i32 to index
          %swap3A_399 = tpu.vector_load %arg6[%swap3A_398] {strides = array<i32>} : memref<16384xi32, #tpu.memory_space<vmem>>, vector<16xi32>,
          tpu.vector_store %arg6[%swap3A_398], %add3A_395 {strides = array<i32>} : memref<16384xi32, #tpu.memory_space<vmem>>, vector<16xi32>,
          %add3A_400 = arith.constant 1029 : i32
          %add3A_401 = vector.broadcast %add3A_400 : i32 to vector<16xi32>
          %add3A_402 = arith.addi %mul3A_336, %add3A_401 : vector<16xi32>
          %add3A_403 = arith.constant 4608 : i32
          %add3A_404 = arith.addi %add3A_403, %mul3A_255 : i32
          %swap3A_405 = arith.index_cast %add3A_404 : i32 to index
          %swap3A_406 = tpu.vector_load %arg6[%swap3A_405] {strides = array<i32>} : memref<16384xi32, #tpu.memory_space<vmem>>, vector<16xi32>,
          tpu.vector_store %arg6[%swap3A_405], %add3A_402 {strides = array<i32>} : memref<16384xi32, #tpu.memory_space<vmem>>, vector<16xi32>,
          %add3A_407 = arith.constant 1030 : i32
          %add3A_408 = vector.broadcast %add3A_407 : i32 to vector<16xi32>
          %add3A_409 = arith.addi %mul3A_336, %add3A_408 : vector<16xi32>
          %add3A_410 = arith.constant 5120 : i32
          %add3A_411 = arith.addi %add3A_410, %mul3A_255 : i32
          %swap3A_412 = arith.index_cast %add3A_411 : i32 to index
          %swap3A_413 = tpu.vector_load %arg6[%swap3A_412] {strides = array<i32>} : memref<16384xi32, #tpu.memory_space<vmem>>, vector<16xi32>,
          tpu.vector_store %arg6[%swap3A_412], %add3A_409 {strides = array<i32>} : memref<16384xi32, #tpu.memory_space<vmem>>, vector<16xi32>,
          %add3A_414 = arith.constant 1031 : i32
          %add3A_415 = vector.broadcast %add3A_414 : i32 to vector<16xi32>
          %add3A_416 = arith.addi %mul3A_336, %add3A_415 : vector<16xi32>
          %add3A_417 = arith.constant 5632 : i32
          %add3A_418 = arith.addi %add3A_417, %mul3A_255 : i32
          %swap3A_419 = arith.index_cast %add3A_418 : i32 to index
          %swap3A_420 = tpu.vector_load %arg6[%swap3A_419] {strides = array<i32>} : memref<16384xi32, #tpu.memory_space<vmem>>, vector<16xi32>,
          tpu.vector_store %arg6[%swap3A_419], %add3A_416 {strides = array<i32>} : memref<16384xi32, #tpu.memory_space<vmem>>, vector<16xi32>,
          %add3A_421 = arith.constant 1032 : i32
          %add3A_422 = vector.broadcast %add3A_421 : i32 to vector<16xi32>
          %add3A_423 = arith.addi %mul3A_336, %add3A_422 : vector<16xi32>
          %add3A_424 = arith.constant 6144 : i32
          %add3A_425 = arith.addi %add3A_424, %mul3A_255 : i32
          %swap3A_426 = arith.index_cast %add3A_425 : i32 to index
          %swap3A_427 = tpu.vector_load %arg6[%swap3A_426] {strides = array<i32>} : memref<16384xi32, #tpu.memory_space<vmem>>, vector<16xi32>,
          tpu.vector_store %arg6[%swap3A_426], %add3A_423 {strides = array<i32>} : memref<16384xi32, #tpu.memory_space<vmem>>, vector<16xi32>,
          %add3A_428 = arith.constant 1033 : i32
          %add3A_429 = vector.broadcast %add3A_428 : i32 to vector<16xi32>
          %add3A_430 = arith.addi %mul3A_336, %add3A_429 : vector<16xi32>
          %add3A_431 = arith.constant 6656 : i32
          %add3A_432 = arith.addi %add3A_431, %mul3A_255 : i32
          %swap3A_433 = arith.index_cast %add3A_432 : i32 to index
          %swap3A_434 = tpu.vector_load %arg6[%swap3A_433] {strides = array<i32>} : memref<16384xi32, #tpu.memory_space<vmem>>, vector<16xi32>,
          tpu.vector_store %arg6[%swap3A_433], %add3A_430 {strides = array<i32>} : memref<16384xi32, #tpu.memory_space<vmem>>, vector<16xi32>,
          %add3A_435 = arith.constant 1034 : i32
          %add3A_436 = vector.broadcast %add3A_435 : i32 to vector<16xi32>
          %add3A_437 = arith.addi %mul3A_336, %add3A_436 : vector<16xi32>
          %add3A_438 = arith.constant 7168 : i32
          %add3A_439 = arith.addi %add3A_438, %mul3A_255 : i32
          %swap3A_440 = arith.index_cast %add3A_439 : i32 to index
          %swap3A_441 = tpu.vector_load %arg6[%swap3A_440] {strides = array<i32>} : memref<16384xi32, #tpu.memory_space<vmem>>, vector<16xi32>,
          tpu.vector_store %arg6[%swap3A_440], %add3A_437 {strides = array<i32>} : memref<16384xi32, #tpu.memory_space<vmem>>, vector<16xi32>,
          %add3A_442 = arith.constant 1035 : i32
          %add3A_443 = vector.broadcast %add3A_442 : i32 to vector<16xi32>
          %add3A_444 = arith.addi %mul3A_336, %add3A_443 : vector<16xi32>
          %add3A_445 = arith.constant 7680 : i32
          %add3A_446 = arith.addi %add3A_445, %mul3A_255 : i32
          %swap3A_447 = arith.index_cast %add3A_446 : i32 to index
          %swap3A_448 = tpu.vector_load %arg6[%swap3A_447] {strides = array<i32>} : memref<16384xi32, #tpu.memory_space<vmem>>, vector<16xi32>,
          tpu.vector_store %arg6[%swap3A_447], %add3A_444 {strides = array<i32>} : memref<16384xi32, #tpu.memory_space<vmem>>, vector<16xi32>,
          %add3A_449 = arith.constant 264196 : i32
          %add3A_450 = vector.broadcast %add3A_449 : i32 to vector<16xi32>
          %add3A_451 = arith.addi %mul3A_336, %add3A_450 : vector<16xi32>
          %add3A_452 = arith.constant 8192 : i32
          %add3A_453 = arith.addi %add3A_452, %mul3A_255 : i32
          %swap3A_454 = arith.index_cast %add3A_453 : i32 to index
          %swap3A_455 = tpu.vector_load %arg6[%swap3A_454] {strides = array<i32>} : memref<16384xi32, #tpu.memory_space<vmem>>, vector<16xi32>,
          tpu.vector_store %arg6[%swap3A_454], %add3A_451 {strides = array<i32>} : memref<16384xi32, #tpu.memory_space<vmem>>, vector<16xi32>,
          %add3A_456 = arith.constant 264197 : i32
          %add3A_457 = vector.broadcast %add3A_456 : i32 to vector<16xi32>
          %add3A_458 = arith.addi %mul3A_336, %add3A_457 : vector<16xi32>
          %add3A_459 = arith.constant 8704 : i32
          %add3A_460 = arith.addi %add3A_459, %mul3A_255 : i32
          %swap3A_461 = arith.index_cast %add3A_460 : i32 to index
          %swap3A_462 = tpu.vector_load %arg6[%swap3A_461] {strides = array<i32>} : memref<16384xi32, #tpu.memory_space<vmem>>, vector<16xi32>,
          tpu.vector_store %arg6[%swap3A_461], %add3A_458 {strides = array<i32>} : memref<16384xi32, #tpu.memory_space<vmem>>, vector<16xi32>,
          %add3A_463 = arith.constant 264198 : i32
          %add3A_464 = vector.broadcast %add3A_463 : i32 to vector<16xi32>
          %add3A_465 = arith.addi %mul3A_336, %add3A_464 : vector<16xi32>
          %add3A_466 = arith.constant 9216 : i32
          %add3A_467 = arith.addi %add3A_466, %mul3A_255 : i32
          %swap3A_468 = arith.index_cast %add3A_467 : i32 to index
          %swap3A_469 = tpu.vector_load %arg6[%swap3A_468] {strides = array<i32>} : memref<16384xi32, #tpu.memory_space<vmem>>, vector<16xi32>,
          tpu.vector_store %arg6[%swap3A_468], %add3A_465 {strides = array<i32>} : memref<16384xi32, #tpu.memory_space<vmem>>, vector<16xi32>,
          %add3A_470 = arith.constant 264199 : i32
          %add3A_471 = vector.broadcast %add3A_470 : i32 to vector<16xi32>
          %add3A_472 = arith.addi %mul3A_336, %add3A_471 : vector<16xi32>
          %add3A_473 = arith.constant 9728 : i32
          %add3A_474 = arith.addi %add3A_473, %mul3A_255 : i32
          %swap3A_475 = arith.index_cast %add3A_474 : i32 to index
          %swap3A_476 = tpu.vector_load %arg6[%swap3A_475] {strides = array<i32>} : memref<16384xi32, #tpu.memory_space<vmem>>, vector<16xi32>,
          tpu.vector_store %arg6[%swap3A_475], %add3A_472 {strides = array<i32>} : memref<16384xi32, #tpu.memory_space<vmem>>, vector<16xi32>,
          %add3A_477 = arith.constant 264200 : i32
          %add3A_478 = vector.broadcast %add3A_477 : i32 to vector<16xi32>
          %add3A_479 = arith.addi %mul3A_336, %add3A_478 : vector<16xi32>
          %add3A_480 = arith.constant 10240 : i32
          %add3A_481 = arith.addi %add3A_480, %mul3A_255 : i32
          %swap3A_482 = arith.index_cast %add3A_481 : i32 to index
          %swap3A_483 = tpu.vector_load %arg6[%swap3A_482] {strides = array<i32>} : memref<16384xi32, #tpu.memory_space<vmem>>, vector<16xi32>,
          tpu.vector_store %arg6[%swap3A_482], %add3A_479 {strides = array<i32>} : memref<16384xi32, #tpu.memory_space<vmem>>, vector<16xi32>,
          %add3A_484 = arith.constant 264201 : i32
          %add3A_485 = vector.broadcast %add3A_484 : i32 to vector<16xi32>
          %add3A_486 = arith.addi %mul3A_336, %add3A_485 : vector<16xi32>
          %add3A_487 = arith.constant 10752 : i32
          %add3A_488 = arith.addi %add3A_487, %mul3A_255 : i32
          %swap3A_489 = arith.index_cast %add3A_488 : i32 to index
          %swap3A_490 = tpu.vector_load %arg6[%swap3A_489] {strides = array<i32>} : memref<16384xi32, #tpu.memory_space<vmem>>, vector<16xi32>,
          tpu.vector_store %arg6[%swap3A_489], %add3A_486 {strides = array<i32>} : memref<16384xi32, #tpu.memory_space<vmem>>, vector<16xi32>,
          %add3A_491 = arith.constant 264202 : i32
          %add3A_492 = vector.broadcast %add3A_491 : i32 to vector<16xi32>
          %add3A_493 = arith.addi %mul3A_336, %add3A_492 : vector<16xi32>
          %add3A_494 = arith.constant 11264 : i32
          %add3A_495 = arith.addi %add3A_494, %mul3A_255 : i32
          %swap3A_496 = arith.index_cast %add3A_495 : i32 to index
          %swap3A_497 = tpu.vector_load %arg6[%swap3A_496] {strides = array<i32>} : memref<16384xi32, #tpu.memory_space<vmem>>, vector<16xi32>,
          tpu.vector_store %arg6[%swap3A_496], %add3A_493 {strides = array<i32>} : memref<16384xi32, #tpu.memory_space<vmem>>, vector<16xi32>,
          %add3A_498 = arith.constant 264203 : i32
          %add3A_499 = vector.broadcast %add3A_498 : i32 to vector<16xi32>
          %add3A_500 = arith.addi %mul3A_336, %add3A_499 : vector<16xi32>
          %add3A_501 = arith.constant 11776 : i32
          %add3A_502 = arith.addi %add3A_501, %mul3A_255 : i32
          %swap3A_503 = arith.index_cast %add3A_502 : i32 to index
          %swap3A_504 = tpu.vector_load %arg6[%swap3A_503] {strides = array<i32>} : memref<16384xi32, #tpu.memory_space<vmem>>, vector<16xi32>,
          tpu.vector_store %arg6[%swap3A_503], %add3A_500 {strides = array<i32>} : memref<16384xi32, #tpu.memory_space<vmem>>, vector<16xi32>,
          %add3A_505 = arith.constant 265224 : i32
          %add3A_506 = vector.broadcast %add3A_505 : i32 to vector<16xi32>
          %add3A_507 = arith.addi %mul3A_336, %add3A_506 : vector<16xi32>
          %add3A_508 = arith.constant 12288 : i32
          %add3A_509 = arith.addi %add3A_508, %mul3A_255 : i32
          %swap3A_510 = arith.index_cast %add3A_509 : i32 to index
          %swap3A_511 = tpu.vector_load %arg6[%swap3A_510] {strides = array<i32>} : memref<16384xi32, #tpu.memory_space<vmem>>, vector<16xi32>,
          tpu.vector_store %arg6[%swap3A_510], %add3A_507 {strides = array<i32>} : memref<16384xi32, #tpu.memory_space<vmem>>, vector<16xi32>,
          %add3A_512 = arith.constant 265225 : i32
          %add3A_513 = vector.broadcast %add3A_512 : i32 to vector<16xi32>
          %add3A_514 = arith.addi %mul3A_336, %add3A_513 : vector<16xi32>
          %add3A_515 = arith.constant 12800 : i32
          %add3A_516 = arith.addi %add3A_515, %mul3A_255 : i32
          %swap3A_517 = arith.index_cast %add3A_516 : i32 to index
          %swap3A_518 = tpu.vector_load %arg6[%swap3A_517] {strides = array<i32>} : memref<16384xi32, #tpu.memory_space<vmem>>, vector<16xi32>,
          tpu.vector_store %arg6[%swap3A_517], %add3A_514 {strides = array<i32>} : memref<16384xi32, #tpu.memory_space<vmem>>, vector<16xi32>,
          %add3A_519 = arith.constant 265226 : i32
          %add3A_520 = vector.broadcast %add3A_519 : i32 to vector<16xi32>
          %add3A_521 = arith.addi %mul3A_336, %add3A_520 : vector<16xi32>
          %add3A_522 = arith.constant 13312 : i32
          %add3A_523 = arith.addi %add3A_522, %mul3A_255 : i32
          %swap3A_524 = arith.index_cast %add3A_523 : i32 to index
          %swap3A_525 = tpu.vector_load %arg6[%swap3A_524] {strides = array<i32>} : memref<16384xi32, #tpu.memory_space<vmem>>, vector<16xi32>,
          tpu.vector_store %arg6[%swap3A_524], %add3A_521 {strides = array<i32>} : memref<16384xi32, #tpu.memory_space<vmem>>, vector<16xi32>,
          %add3A_526 = arith.constant 265227 : i32
          %add3A_527 = vector.broadcast %add3A_526 : i32 to vector<16xi32>
          %add3A_528 = arith.addi %mul3A_336, %add3A_527 : vector<16xi32>
          %add3A_529 = arith.constant 13824 : i32
          %add3A_530 = arith.addi %add3A_529, %mul3A_255 : i32
          %swap3A_531 = arith.index_cast %add3A_530 : i32 to index
          %swap3A_532 = tpu.vector_load %arg6[%swap3A_531] {strides = array<i32>} : memref<16384xi32, #tpu.memory_space<vmem>>, vector<16xi32>,
          tpu.vector_store %arg6[%swap3A_531], %add3A_528 {strides = array<i32>} : memref<16384xi32, #tpu.memory_space<vmem>>, vector<16xi32>,
          %add3A_533 = arith.constant 265228 : i32
          %add3A_534 = vector.broadcast %add3A_533 : i32 to vector<16xi32>
          %add3A_535 = arith.addi %mul3A_336, %add3A_534 : vector<16xi32>
          %add3A_536 = arith.constant 14336 : i32
          %add3A_537 = arith.addi %add3A_536, %mul3A_255 : i32
          %swap3A_538 = arith.index_cast %add3A_537 : i32 to index
          %swap3A_539 = tpu.vector_load %arg6[%swap3A_538] {strides = array<i32>} : memref<16384xi32, #tpu.memory_space<vmem>>, vector<16xi32>,
          tpu.vector_store %arg6[%swap3A_538], %add3A_535 {strides = array<i32>} : memref<16384xi32, #tpu.memory_space<vmem>>, vector<16xi32>,
          %add3A_540 = arith.constant 265229 : i32
          %add3A_541 = vector.broadcast %add3A_540 : i32 to vector<16xi32>
          %add3A_542 = arith.addi %mul3A_336, %add3A_541 : vector<16xi32>
          %add3A_543 = arith.constant 14848 : i32
          %add3A_544 = arith.addi %add3A_543, %mul3A_255 : i32
          %swap3A_545 = arith.index_cast %add3A_544 : i32 to index
          %swap3A_546 = tpu.vector_load %arg6[%swap3A_545] {strides = array<i32>} : memref<16384xi32, #tpu.memory_space<vmem>>, vector<16xi32>,
          tpu.vector_store %arg6[%swap3A_545], %add3A_542 {strides = array<i32>} : memref<16384xi32, #tpu.memory_space<vmem>>, vector<16xi32>,
          %add3A_547 = arith.constant 265230 : i32
          %add3A_548 = vector.broadcast %add3A_547 : i32 to vector<16xi32>
          %add3A_549 = arith.addi %mul3A_336, %add3A_548 : vector<16xi32>
          %add3A_550 = arith.constant 15360 : i32
          %add3A_551 = arith.addi %add3A_550, %mul3A_255 : i32
          %swap3A_552 = arith.index_cast %add3A_551 : i32 to index
          %swap3A_553 = tpu.vector_load %arg6[%swap3A_552] {strides = array<i32>} : memref<16384xi32, #tpu.memory_space<vmem>>, vector<16xi32>,
          tpu.vector_store %arg6[%swap3A_552], %add3A_549 {strides = array<i32>} : memref<16384xi32, #tpu.memory_space<vmem>>, vector<16xi32>,
          %add3A_554 = arith.constant 265231 : i32
          %add3A_555 = vector.broadcast %add3A_554 : i32 to vector<16xi32>
          %add3A_556 = arith.addi %mul3A_336, %add3A_555 : vector<16xi32>
          %add3A_557 = arith.constant 15872 : i32
          %add3A_558 = arith.addi %add3A_557, %mul3A_255 : i32
          %swap3A_559 = arith.index_cast %add3A_558 : i32 to index
          %swap3A_560 = tpu.vector_load %arg6[%swap3A_559] {strides = array<i32>} : memref<16384xi32, #tpu.memory_space<vmem>>, vector<16xi32>,
          tpu.vector_store %arg6[%swap3A_559], %add3A_556 {strides = array<i32>} : memref<16384xi32, #tpu.memory_space<vmem>>, vector<16xi32>,
          %scan3A_561 = arith.constant 0 : i32
          scf.yield %scan3A_561 : i32
        }
        %scan3A_203 = arith.constant 32 : i32
        %dma_start3A_204 = arith.constant 0 : i32
        %dma_start3A_205 = tpu.memref_slice %arg8[%dma_start3A_204] : memref<16384xf32, #tpu.memory_space<vmem>> -> memref<2048xf32, #tpu.memory_space<vmem>>
        %dma_start3A_206 = arith.constant 0 : i32
        %dma_start3A_207 = tpu.memref_slice %arg6[%dma_start3A_206] : memref<16384xi32, #tpu.memory_space<vmem>> -> memref<2048xi32, #tpu.memory_space<vmem>>
        %dma_start3A_208 = arith.constant 0 : i32
        %dma_start3A_209 = tpu.memref_slice %arg3[%dma_start3A_208] : memref<67898372xf32, #tpu.memory_space<hbm>> -> memref<67898372xf32, #tpu.memory_space<hbm>>
        tpu.enqueue_indirect_dma source(%dma_start3A_209 : memref<67898372xf32, #tpu.memory_space<hbm>>) target(%dma_start3A_205 : memref<2048xf32, #tpu.memory_space<vmem>>) offsets(%dma_start3A_207 : memref<2048xi32, #tpu.memory_space<vmem>>) semaphore(%arg10 : memref<!tpu.dma_semaphore, #tpu.memory_space<semaphore_mem>>)
        %dma_start3A_210 = arith.constant 2048 : i32
        %dma_start3A_211 = tpu.memref_slice %arg8[%dma_start3A_210] : memref<16384xf32, #tpu.memory_space<vmem>> -> memref<2048xf32, #tpu.memory_space<vmem>>
        %dma_start3A_212 = arith.constant 2048 : i32
        %dma_start3A_213 = tpu.memref_slice %arg6[%dma_start3A_212] : memref<16384xi32, #tpu.memory_space<vmem>> -> memref<2048xi32, #tpu.memory_space<vmem>>
        %dma_start3A_214 = arith.constant 0 : i32
        %dma_start3A_215 = tpu.memref_slice %arg3[%dma_start3A_214] : memref<67898372xf32, #tpu.memory_space<hbm>> -> memref<67898372xf32, #tpu.memory_space<hbm>>
        tpu.enqueue_indirect_dma source(%dma_start3A_215 : memref<67898372xf32, #tpu.memory_space<hbm>>) target(%dma_start3A_211 : memref<2048xf32, #tpu.memory_space<vmem>>) offsets(%dma_start3A_213 : memref<2048xi32, #tpu.memory_space<vmem>>) semaphore(%arg10 : memref<!tpu.dma_semaphore, #tpu.memory_space<semaphore_mem>>)
        %dma_start3A_216 = arith.constant 4096 : i32
        %dma_start3A_217 = tpu.memref_slice %arg8[%dma_start3A_216] : memref<16384xf32, #tpu.memory_space<vmem>> -> memref<2048xf32, #tpu.memory_space<vmem>>
        %dma_start3A_218 = arith.constant 4096 : i32
        %dma_start3A_219 = tpu.memref_slice %arg6[%dma_start3A_218] : memref<16384xi32, #tpu.memory_space<vmem>> -> memref<2048xi32, #tpu.memory_space<vmem>>
        %dma_start3A_220 = arith.constant 0 : i32
        %dma_start3A_221 = tpu.memref_slice %arg3[%dma_start3A_220] : memref<67898372xf32, #tpu.memory_space<hbm>> -> memref<67898372xf32, #tpu.memory_space<hbm>>
        tpu.enqueue_indirect_dma source(%dma_start3A_221 : memref<67898372xf32, #tpu.memory_space<hbm>>) target(%dma_start3A_217 : memref<2048xf32, #tpu.memory_space<vmem>>) offsets(%dma_start3A_219 : memref<2048xi32, #tpu.memory_space<vmem>>) semaphore(%arg10 : memref<!tpu.dma_semaphore, #tpu.memory_space<semaphore_mem>>)
        %dma_start3A_222 = arith.constant 6144 : i32
        %dma_start3A_223 = tpu.memref_slice %arg8[%dma_start3A_222] : memref<16384xf32, #tpu.memory_space<vmem>> -> memref<2048xf32, #tpu.memory_space<vmem>>
        %dma_start3A_224 = arith.constant 6144 : i32
        %dma_start3A_225 = tpu.memref_slice %arg6[%dma_start3A_224] : memref<16384xi32, #tpu.memory_space<vmem>> -> memref<2048xi32, #tpu.memory_space<vmem>>
        %dma_start3A_226 = arith.constant 0 : i32
        %dma_start3A_227 = tpu.memref_slice %arg3[%dma_start3A_226] : memref<67898372xf32, #tpu.memory_space<hbm>> -> memref<67898372xf32, #tpu.memory_space<hbm>>
        tpu.enqueue_indirect_dma source(%dma_start3A_227 : memref<67898372xf32, #tpu.memory_space<hbm>>) target(%dma_start3A_223 : memref<2048xf32, #tpu.memory_space<vmem>>) offsets(%dma_start3A_225 : memref<2048xi32, #tpu.memory_space<vmem>>) semaphore(%arg10 : memref<!tpu.dma_semaphore, #tpu.memory_space<semaphore_mem>>)
        %dma_start3A_228 = arith.constant 8192 : i32
        %dma_start3A_229 = tpu.memref_slice %arg8[%dma_start3A_228] : memref<16384xf32, #tpu.memory_space<vmem>> -> memref<2048xf32, #tpu.memory_space<vmem>>
        %dma_start3A_230 = arith.constant 8192 : i32
        %dma_start3A_231 = tpu.memref_slice %arg6[%dma_start3A_230] : memref<16384xi32, #tpu.memory_space<vmem>> -> memref<2048xi32, #tpu.memory_space<vmem>>
        %dma_start3A_232 = arith.constant 0 : i32
        %dma_start3A_233 = tpu.memref_slice %arg3[%dma_start3A_232] : memref<67898372xf32, #tpu.memory_space<hbm>> -> memref<67898372xf32, #tpu.memory_space<hbm>>
        tpu.enqueue_indirect_dma source(%dma_start3A_233 : memref<67898372xf32, #tpu.memory_space<hbm>>) target(%dma_start3A_229 : memref<2048xf32, #tpu.memory_space<vmem>>) offsets(%dma_start3A_231 : memref<2048xi32, #tpu.memory_space<vmem>>) semaphore(%arg10 : memref<!tpu.dma_semaphore, #tpu.memory_space<semaphore_mem>>)
        %dma_start3A_234 = arith.constant 10240 : i32
        %dma_start3A_235 = tpu.memref_slice %arg8[%dma_start3A_234] : memref<16384xf32, #tpu.memory_space<vmem>> -> memref<2048xf32, #tpu.memory_space<vmem>>
        %dma_start3A_236 = arith.constant 10240 : i32
        %dma_start3A_237 = tpu.memref_slice %arg6[%dma_start3A_236] : memref<16384xi32, #tpu.memory_space<vmem>> -> memref<2048xi32, #tpu.memory_space<vmem>>
        %dma_start3A_238 = arith.constant 0 : i32
        %dma_start3A_239 = tpu.memref_slice %arg3[%dma_start3A_238] : memref<67898372xf32, #tpu.memory_space<hbm>> -> memref<67898372xf32, #tpu.memory_space<hbm>>
        tpu.enqueue_indirect_dma source(%dma_start3A_239 : memref<67898372xf32, #tpu.memory_space<hbm>>) target(%dma_start3A_235 : memref<2048xf32, #tpu.memory_space<vmem>>) offsets(%dma_start3A_237 : memref<2048xi32, #tpu.memory_space<vmem>>) semaphore(%arg10 : memref<!tpu.dma_semaphore, #tpu.memory_space<semaphore_mem>>)
        %dma_start3A_240 = arith.constant 12288 : i32
        %dma_start3A_241 = tpu.memref_slice %arg8[%dma_start3A_240] : memref<16384xf32, #tpu.memory_space<vmem>> -> memref<2048xf32, #tpu.memory_space<vmem>>
        %dma_start3A_242 = arith.constant 12288 : i32
        %dma_start3A_243 = tpu.memref_slice %arg6[%dma_start3A_242] : memref<16384xi32, #tpu.memory_space<vmem>> -> memref<2048xi32, #tpu.memory_space<vmem>>
        %dma_start3A_244 = arith.constant 0 : i32
        %dma_start3A_245 = tpu.memref_slice %arg3[%dma_start3A_244] : memref<67898372xf32, #tpu.memory_space<hbm>> -> memref<67898372xf32, #tpu.memory_space<hbm>>
        tpu.enqueue_indirect_dma source(%dma_start3A_245 : memref<67898372xf32, #tpu.memory_space<hbm>>) target(%dma_start3A_241 : memref<2048xf32, #tpu.memory_space<vmem>>) offsets(%dma_start3A_243 : memref<2048xi32, #tpu.memory_space<vmem>>) semaphore(%arg10 : memref<!tpu.dma_semaphore, #tpu.memory_space<semaphore_mem>>)
        %dma_start3A_246 = arith.constant 14336 : i32
        %dma_start3A_247 = tpu.memref_slice %arg8[%dma_start3A_246] : memref<16384xf32, #tpu.memory_space<vmem>> -> memref<2048xf32, #tpu.memory_space<vmem>>
        %dma_start3A_248 = arith.constant 14336 : i32
        %dma_start3A_249 = tpu.memref_slice %arg6[%dma_start3A_248] : memref<16384xi32, #tpu.memory_space<vmem>> -> memref<2048xi32, #tpu.memory_space<vmem>>
        %dma_start3A_250 = arith.constant 0 : i32
        %dma_start3A_251 = tpu.memref_slice %arg3[%dma_start3A_250] : memref<67898372xf32, #tpu.memory_space<hbm>> -> memref<67898372xf32, #tpu.memory_space<hbm>>
        tpu.enqueue_indirect_dma source(%dma_start3A_251 : memref<67898372xf32, #tpu.memory_space<hbm>>) target(%dma_start3A_247 : memref<2048xf32, #tpu.memory_space<vmem>>) offsets(%dma_start3A_249 : memref<2048xi32, #tpu.memory_space<vmem>>) semaphore(%arg10 : memref<!tpu.dma_semaphore, #tpu.memory_space<semaphore_mem>>)
      } else {
      }
      %add3A_163 = arith.constant 1 : i32
      %add3A_164 = arith.addi %mul3A_73, %add3A_163 : i32
      %mul3A_165 = arith.constant 62 : i32
      %mul3A_166 = arith.muli %add3A, %mul3A_165 : i32
      %add3A_167 = arith.addi %mul3A_166, %add3A_164 : i32
      %mul3A_168 = arith.constant 512 : i32
      %mul3A_169 = arith.muli %add3A_167, %mul3A_168 : i32
      %min3A_170 = arith.constant 999488 : i32
      %min3A_171 = arith.minsi %mul3A_169, %min3A_170 : i32
      %dma_wait3A_172 = arith.constant 0 : i32
      %dma_wait3A_173 = tpu.memref_slice %arg3[%dma_wait3A_172] : memref<67898372xf32, #tpu.memory_space<hbm>> -> memref<16384xf32, #tpu.memory_space<hbm>>
      %dma_wait3A_174 = arith.constant 0 : i32
      %dma_wait3A_175 = tpu.memref_slice %arg3[%dma_wait3A_174] : memref<67898372xf32, #tpu.memory_space<hbm>> -> memref<16384xf32, #tpu.memory_space<hbm>>
      tpu.wait_dma2 semaphore(%arg16 : memref<!tpu.dma_semaphore, #tpu.memory_space<semaphore_mem>>) src(%dma_wait3A_175 : memref<16384xf32, #tpu.memory_space<hbm>>) dst(%arg14 : memref<16384xf32, #tpu.memory_space<vmem>>)
      %scan3A_176 = arith.constant 0 : i32
      %scan3A_177 = arith.constant 0 : i32
      %scan3A_178 = arith.constant 32 : i32
      %scan3A_179 = arith.addi %scan3A_177, %scan3A_178 : i32
      %scan3A_180 = arith.constant 1 : i32
      %scan3A_181 = scf.for %scan3A_186 = %scan3A_177 to %scan3A_179 step %scan3A_180 iter_args(%scan3A_187 = %scan3A_176) -> (i32)  : i32 {
        %mul3A_188 = arith.constant 16 : i32
        %mul3A_189 = arith.muli %scan3A_186, %mul3A_188 : i32
        %mul3A_190 = arith.constant 4 : i32
        %mul3A_191 = vector.broadcast %mul3A_190 : i32 to vector<16xi32>
        %mul3A_192 = arith.muli %iota3A, %mul3A_191 : vector<16xi32>
        %mul3A_193 = arith.constant 4 : i32
        %mul3A_194 = arith.muli %mul3A_189, %mul3A_193 : i32
        %add3A_195 = vector.broadcast %mul3A_194 : i32 to vector<16xi32>
        %add3A_196 = arith.addi %mul3A_192, %add3A_195 : vector<16xi32>
        %get3A = arith.index_cast %mul3A_189 : i32 to index
        %get3A_197 = tpu.vector_load %arg13[%get3A] {strides = array<i32>} : memref<1536xf32, #tpu.memory_space<vmem>>, vector<16xf32>,
        %add3A_198 = arith.constant 512 : i32
        %add3A_199 = arith.addi %add3A_198, %mul3A_189 : i32
        %get3A_200 = arith.index_cast %add3A_199 : i32 to index
        %get3A_201 = tpu.vector_load %arg13[%get3A_200] {strides = array<i32>} : memref<1536xf32, #tpu.memory_space<vmem>>, vector<16xf32>,
        %add3A_202 = arith.constant 1024 : i32
        %add3A_203 = arith.addi %add3A_202, %mul3A_189 : i32
        %get3A_204 = arith.index_cast %add3A_203 : i32 to index
        %get3A_205 = tpu.vector_load %arg13[%get3A_204] {strides = array<i32>} : memref<1536xf32, #tpu.memory_space<vmem>>, vector<16xf32>,
        %add3A_206 = arith.constant 0 : i32
        %add3A_207 = arith.addi %add3A_206, %mul3A_189 : i32
        %get3A_208 = arith.index_cast %add3A_207 : i32 to index
        %get3A_209 = tpu.vector_load %arg14[%get3A_208] {strides = array<i32>} : memref<16384xf32, #tpu.memory_space<vmem>>, vector<16xf32>,
        %add3A_210 = arith.constant 2048 : i32
        %add3A_211 = arith.addi %add3A_210, %mul3A_189 : i32
        %get3A_212 = arith.index_cast %add3A_211 : i32 to index
        %get3A_213 = tpu.vector_load %arg14[%get3A_212] {strides = array<i32>} : memref<16384xf32, #tpu.memory_space<vmem>>, vector<16xf32>,
        %add3A_214 = arith.constant 4096 : i32
        %add3A_215 = arith.addi %add3A_214, %mul3A_189 : i32
        %get3A_216 = arith.index_cast %add3A_215 : i32 to index
        %get3A_217 = tpu.vector_load %arg14[%get3A_216] {strides = array<i32>} : memref<16384xf32, #tpu.memory_space<vmem>>, vector<16xf32>,
        %add3A_218 = arith.constant 6144 : i32
        %add3A_219 = arith.addi %add3A_218, %mul3A_189 : i32
        %get3A_220 = arith.index_cast %add3A_219 : i32 to index
        %get3A_221 = tpu.vector_load %arg14[%get3A_220] {strides = array<i32>} : memref<16384xf32, #tpu.memory_space<vmem>>, vector<16xf32>,
        %add3A_222 = arith.constant 8192 : i32
        %add3A_223 = arith.addi %add3A_222, %mul3A_189 : i32
        %get3A_224 = arith.index_cast %add3A_223 : i32 to index
        %get3A_225 = tpu.vector_load %arg14[%get3A_224] {strides = array<i32>} : memref<16384xf32, #tpu.memory_space<vmem>>, vector<16xf32>,
        %add3A_226 = arith.constant 10240 : i32
        %add3A_227 = arith.addi %add3A_226, %mul3A_189 : i32
        %get3A_228 = arith.index_cast %add3A_227 : i32 to index
        %get3A_229 = tpu.vector_load %arg14[%get3A_228] {strides = array<i32>} : memref<16384xf32, #tpu.memory_space<vmem>>, vector<16xf32>,
        %add3A_230 = arith.constant 12288 : i32
        %add3A_231 = arith.addi %add3A_230, %mul3A_189 : i32
        %get3A_232 = arith.index_cast %add3A_231 : i32 to index
        %get3A_233 = tpu.vector_load %arg14[%get3A_232] {strides = array<i32>} : memref<16384xf32, #tpu.memory_space<vmem>>, vector<16xf32>,
        %add3A_234 = arith.constant 14336 : i32
        %add3A_235 = arith.addi %add3A_234, %mul3A_189 : i32
        %get3A_236 = arith.index_cast %add3A_235 : i32 to index
        %get3A_237 = tpu.vector_load %arg14[%get3A_236] {strides = array<i32>} : memref<16384xf32, #tpu.memory_space<vmem>>, vector<16xf32>,
        %sub3A = arith.subf %get3A_213, %get3A_209 : vector<16xf32>
        %mul3A_238 = arith.mulf %get3A_205, %sub3A : vector<16xf32>
        %add3A_239 = arith.addf %get3A_209, %mul3A_238 : vector<16xf32>
        %sub3A_240 = arith.subf %get3A_221, %get3A_217 : vector<16xf32>
        %mul3A_241 = arith.mulf %get3A_205, %sub3A_240 : vector<16xf32>
        %add3A_242 = arith.addf %get3A_217, %mul3A_241 : vector<16xf32>
        %sub3A_243 = arith.subf %get3A_229, %get3A_225 : vector<16xf32>
        %mul3A_244 = arith.mulf %get3A_205, %sub3A_243 : vector<16xf32>
        %add3A_245 = arith.addf %get3A_225, %mul3A_244 : vector<16xf32>
        %sub3A_246 = arith.subf %get3A_237, %get3A_233 : vector<16xf32>
        %mul3A_247 = arith.mulf %get3A_205, %sub3A_246 : vector<16xf32>
        %add3A_248 = arith.addf %get3A_233, %mul3A_247 : vector<16xf32>
        %sub3A_249 = arith.subf %add3A_242, %add3A_239 : vector<16xf32>
        %mul3A_250 = arith.mulf %get3A_201, %sub3A_249 : vector<16xf32>
        %add3A_251 = arith.addf %add3A_239, %mul3A_250 : vector<16xf32>
        %sub3A_252 = arith.subf %add3A_248, %add3A_245 : vector<16xf32>
        %mul3A_253 = arith.mulf %get3A_201, %sub3A_252 : vector<16xf32>
        %add3A_254 = arith.addf %add3A_245, %mul3A_253 : vector<16xf32>
        %add3A_255 = arith.constant 0 : i32
        %add3A_256 = vector.broadcast %add3A_255 : i32 to vector<16xi32>
        %add3A_257 = arith.addi %add3A_196, %add3A_256 : vector<16xi32>
        %sub3A_258 = arith.subf %add3A_254, %add3A_251 : vector<16xf32>
        %mul3A_259 = arith.mulf %get3A_197, %sub3A_258 : vector<16xf32>
        %add3A_260 = arith.addf %add3A_251, %mul3A_259 : vector<16xf32>
        tpu.vector_store_idx %arg15[%add3A_257], %add3A_260 : memref<2048xf32, #tpu.memory_space<vmem>>[vector<16xi32>], vector<16xf32>,
        %add3A_261 = arith.constant 512 : i32
        %add3A_262 = arith.addi %add3A_261, %mul3A_189 : i32
        %get3A_263 = arith.index_cast %add3A_262 : i32 to index
        %get3A_264 = tpu.vector_load %arg14[%get3A_263] {strides = array<i32>} : memref<16384xf32, #tpu.memory_space<vmem>>, vector<16xf32>,
        %add3A_265 = arith.constant 2560 : i32
        %add3A_266 = arith.addi %add3A_265, %mul3A_189 : i32
        %get3A_267 = arith.index_cast %add3A_266 : i32 to index
        %get3A_268 = tpu.vector_load %arg14[%get3A_267] {strides = array<i32>} : memref<16384xf32, #tpu.memory_space<vmem>>, vector<16xf32>,
        %add3A_269 = arith.constant 4608 : i32
        %add3A_270 = arith.addi %add3A_269, %mul3A_189 : i32
        %get3A_271 = arith.index_cast %add3A_270 : i32 to index
        %get3A_272 = tpu.vector_load %arg14[%get3A_271] {strides = array<i32>} : memref<16384xf32, #tpu.memory_space<vmem>>, vector<16xf32>,
        %add3A_273 = arith.constant 6656 : i32
        %add3A_274 = arith.addi %add3A_273, %mul3A_189 : i32
        %get3A_275 = arith.index_cast %add3A_274 : i32 to index
        %get3A_276 = tpu.vector_load %arg14[%get3A_275] {strides = array<i32>} : memref<16384xf32, #tpu.memory_space<vmem>>, vector<16xf32>,
        %add3A_277 = arith.constant 8704 : i32
        %add3A_278 = arith.addi %add3A_277, %mul3A_189 : i32
        %get3A_279 = arith.index_cast %add3A_278 : i32 to index
        %get3A_280 = tpu.vector_load %arg14[%get3A_279] {strides = array<i32>} : memref<16384xf32, #tpu.memory_space<vmem>>, vector<16xf32>,
        %add3A_281 = arith.constant 10752 : i32
        %add3A_282 = arith.addi %add3A_281, %mul3A_189 : i32
        %get3A_283 = arith.index_cast %add3A_282 : i32 to index
        %get3A_284 = tpu.vector_load %arg14[%get3A_283] {strides = array<i32>} : memref<16384xf32, #tpu.memory_space<vmem>>, vector<16xf32>,
        %add3A_285 = arith.constant 12800 : i32
        %add3A_286 = arith.addi %add3A_285, %mul3A_189 : i32
        %get3A_287 = arith.index_cast %add3A_286 : i32 to index
        %get3A_288 = tpu.vector_load %arg14[%get3A_287] {strides = array<i32>} : memref<16384xf32, #tpu.memory_space<vmem>>, vector<16xf32>,
        %add3A_289 = arith.constant 14848 : i32
        %add3A_290 = arith.addi %add3A_289, %mul3A_189 : i32
        %get3A_291 = arith.index_cast %add3A_290 : i32 to index
        %get3A_292 = tpu.vector_load %arg14[%get3A_291] {strides = array<i32>} : memref<16384xf32, #tpu.memory_space<vmem>>, vector<16xf32>,
        %sub3A_293 = arith.subf %get3A_268, %get3A_264 : vector<16xf32>
        %mul3A_294 = arith.mulf %get3A_205, %sub3A_293 : vector<16xf32>
        %add3A_295 = arith.addf %get3A_264, %mul3A_294 : vector<16xf32>
        %sub3A_296 = arith.subf %get3A_276, %get3A_272 : vector<16xf32>
        %mul3A_297 = arith.mulf %get3A_205, %sub3A_296 : vector<16xf32>
        %add3A_298 = arith.addf %get3A_272, %mul3A_297 : vector<16xf32>
        %sub3A_299 = arith.subf %get3A_284, %get3A_280 : vector<16xf32>
        %mul3A_300 = arith.mulf %get3A_205, %sub3A_299 : vector<16xf32>
        %add3A_301 = arith.addf %get3A_280, %mul3A_300 : vector<16xf32>
        %sub3A_302 = arith.subf %get3A_292, %get3A_288 : vector<16xf32>
        %mul3A_303 = arith.mulf %get3A_205, %sub3A_302 : vector<16xf32>
        %add3A_304 = arith.addf %get3A_288, %mul3A_303 : vector<16xf32>
        %sub3A_305 = arith.subf %add3A_298, %add3A_295 : vector<16xf32>
        %mul3A_306 = arith.mulf %get3A_201, %sub3A_305 : vector<16xf32>
        %add3A_307 = arith.addf %add3A_295, %mul3A_306 : vector<16xf32>
        %sub3A_308 = arith.subf %add3A_304, %add3A_301 : vector<16xf32>
        %mul3A_309 = arith.mulf %get3A_201, %sub3A_308 : vector<16xf32>
        %add3A_310 = arith.addf %add3A_301, %mul3A_309 : vector<16xf32>
        %add3A_311 = arith.constant 1 : i32
        %add3A_312 = vector.broadcast %add3A_311 : i32 to vector<16xi32>
        %add3A_313 = arith.addi %add3A_196, %add3A_312 : vector<16xi32>
        %sub3A_314 = arith.subf %add3A_310, %add3A_307 : vector<16xf32>
        %mul3A_315 = arith.mulf %get3A_197, %sub3A_314 : vector<16xf32>
        %add3A_316 = arith.addf %add3A_307, %mul3A_315 : vector<16xf32>
        tpu.vector_store_idx %arg15[%add3A_313], %add3A_316 : memref<2048xf32, #tpu.memory_space<vmem>>[vector<16xi32>], vector<16xf32>,
        %add3A_317 = arith.constant 1024 : i32
        %add3A_318 = arith.addi %add3A_317, %mul3A_189 : i32
        %get3A_319 = arith.index_cast %add3A_318 : i32 to index
        %get3A_320 = tpu.vector_load %arg14[%get3A_319] {strides = array<i32>} : memref<16384xf32, #tpu.memory_space<vmem>>, vector<16xf32>,
        %add3A_321 = arith.constant 3072 : i32
        %add3A_322 = arith.addi %add3A_321, %mul3A_189 : i32
        %get3A_323 = arith.index_cast %add3A_322 : i32 to index
        %get3A_324 = tpu.vector_load %arg14[%get3A_323] {strides = array<i32>} : memref<16384xf32, #tpu.memory_space<vmem>>, vector<16xf32>,
        %add3A_325 = arith.constant 5120 : i32
        %add3A_326 = arith.addi %add3A_325, %mul3A_189 : i32
        %get3A_327 = arith.index_cast %add3A_326 : i32 to index
        %get3A_328 = tpu.vector_load %arg14[%get3A_327] {strides = array<i32>} : memref<16384xf32, #tpu.memory_space<vmem>>, vector<16xf32>,
        %add3A_329 = arith.constant 7168 : i32
        %add3A_330 = arith.addi %add3A_329, %mul3A_189 : i32
        %get3A_331 = arith.index_cast %add3A_330 : i32 to index
        %get3A_332 = tpu.vector_load %arg14[%get3A_331] {strides = array<i32>} : memref<16384xf32, #tpu.memory_space<vmem>>, vector<16xf32>,
        %add3A_333 = arith.constant 9216 : i32
        %add3A_334 = arith.addi %add3A_333, %mul3A_189 : i32
        %get3A_335 = arith.index_cast %add3A_334 : i32 to index
        %get3A_336 = tpu.vector_load %arg14[%get3A_335] {strides = array<i32>} : memref<16384xf32, #tpu.memory_space<vmem>>, vector<16xf32>,
        %add3A_337 = arith.constant 11264 : i32
        %add3A_338 = arith.addi %add3A_337, %mul3A_189 : i32
        %get3A_339 = arith.index_cast %add3A_338 : i32 to index
        %get3A_340 = tpu.vector_load %arg14[%get3A_339] {strides = array<i32>} : memref<16384xf32, #tpu.memory_space<vmem>>, vector<16xf32>,
        %add3A_341 = arith.constant 13312 : i32
        %add3A_342 = arith.addi %add3A_341, %mul3A_189 : i32
        %get3A_343 = arith.index_cast %add3A_342 : i32 to index
        %get3A_344 = tpu.vector_load %arg14[%get3A_343] {strides = array<i32>} : memref<16384xf32, #tpu.memory_space<vmem>>, vector<16xf32>,
        %add3A_345 = arith.constant 15360 : i32
        %add3A_346 = arith.addi %add3A_345, %mul3A_189 : i32
        %get3A_347 = arith.index_cast %add3A_346 : i32 to index
        %get3A_348 = tpu.vector_load %arg14[%get3A_347] {strides = array<i32>} : memref<16384xf32, #tpu.memory_space<vmem>>, vector<16xf32>,
        %sub3A_349 = arith.subf %get3A_324, %get3A_320 : vector<16xf32>
        %mul3A_350 = arith.mulf %get3A_205, %sub3A_349 : vector<16xf32>
        %add3A_351 = arith.addf %get3A_320, %mul3A_350 : vector<16xf32>
        %sub3A_352 = arith.subf %get3A_332, %get3A_328 : vector<16xf32>
        %mul3A_353 = arith.mulf %get3A_205, %sub3A_352 : vector<16xf32>
        %add3A_354 = arith.addf %get3A_328, %mul3A_353 : vector<16xf32>
        %sub3A_355 = arith.subf %get3A_340, %get3A_336 : vector<16xf32>
        %mul3A_356 = arith.mulf %get3A_205, %sub3A_355 : vector<16xf32>
        %add3A_357 = arith.addf %get3A_336, %mul3A_356 : vector<16xf32>
        %sub3A_358 = arith.subf %get3A_348, %get3A_344 : vector<16xf32>
        %mul3A_359 = arith.mulf %get3A_205, %sub3A_358 : vector<16xf32>
        %add3A_360 = arith.addf %get3A_344, %mul3A_359 : vector<16xf32>
        %sub3A_361 = arith.subf %add3A_354, %add3A_351 : vector<16xf32>
        %mul3A_362 = arith.mulf %get3A_201, %sub3A_361 : vector<16xf32>
        %add3A_363 = arith.addf %add3A_351, %mul3A_362 : vector<16xf32>
        %sub3A_364 = arith.subf %add3A_360, %add3A_357 : vector<16xf32>
        %mul3A_365 = arith.mulf %get3A_201, %sub3A_364 : vector<16xf32>
        %add3A_366 = arith.addf %add3A_357, %mul3A_365 : vector<16xf32>
        %add3A_367 = arith.constant 2 : i32
        %add3A_368 = vector.broadcast %add3A_367 : i32 to vector<16xi32>
        %add3A_369 = arith.addi %add3A_196, %add3A_368 : vector<16xi32>
        %sub3A_370 = arith.subf %add3A_366, %add3A_363 : vector<16xf32>
        %mul3A_371 = arith.mulf %get3A_197, %sub3A_370 : vector<16xf32>
        %add3A_372 = arith.addf %add3A_363, %mul3A_371 : vector<16xf32>
        tpu.vector_store_idx %arg15[%add3A_369], %add3A_372 : memref<2048xf32, #tpu.memory_space<vmem>>[vector<16xi32>], vector<16xf32>,
        %add3A_373 = arith.constant 1536 : i32
        %add3A_374 = arith.addi %add3A_373, %mul3A_189 : i32
        %get3A_375 = arith.index_cast %add3A_374 : i32 to index
        %get3A_376 = tpu.vector_load %arg14[%get3A_375] {strides = array<i32>} : memref<16384xf32, #tpu.memory_space<vmem>>, vector<16xf32>,
        %add3A_377 = arith.constant 3584 : i32
        %add3A_378 = arith.addi %add3A_377, %mul3A_189 : i32
        %get3A_379 = arith.index_cast %add3A_378 : i32 to index
        %get3A_380 = tpu.vector_load %arg14[%get3A_379] {strides = array<i32>} : memref<16384xf32, #tpu.memory_space<vmem>>, vector<16xf32>,
        %add3A_381 = arith.constant 5632 : i32
        %add3A_382 = arith.addi %add3A_381, %mul3A_189 : i32
        %get3A_383 = arith.index_cast %add3A_382 : i32 to index
        %get3A_384 = tpu.vector_load %arg14[%get3A_383] {strides = array<i32>} : memref<16384xf32, #tpu.memory_space<vmem>>, vector<16xf32>,
        %add3A_385 = arith.constant 7680 : i32
        %add3A_386 = arith.addi %add3A_385, %mul3A_189 : i32
        %get3A_387 = arith.index_cast %add3A_386 : i32 to index
        %get3A_388 = tpu.vector_load %arg14[%get3A_387] {strides = array<i32>} : memref<16384xf32, #tpu.memory_space<vmem>>, vector<16xf32>,
        %add3A_389 = arith.constant 9728 : i32
        %add3A_390 = arith.addi %add3A_389, %mul3A_189 : i32
        %get3A_391 = arith.index_cast %add3A_390 : i32 to index
        %get3A_392 = tpu.vector_load %arg14[%get3A_391] {strides = array<i32>} : memref<16384xf32, #tpu.memory_space<vmem>>, vector<16xf32>,
        %add3A_393 = arith.constant 11776 : i32
        %add3A_394 = arith.addi %add3A_393, %mul3A_189 : i32
        %get3A_395 = arith.index_cast %add3A_394 : i32 to index
        %get3A_396 = tpu.vector_load %arg14[%get3A_395] {strides = array<i32>} : memref<16384xf32, #tpu.memory_space<vmem>>, vector<16xf32>,
        %add3A_397 = arith.constant 13824 : i32
        %add3A_398 = arith.addi %add3A_397, %mul3A_189 : i32
        %get3A_399 = arith.index_cast %add3A_398 : i32 to index
        %get3A_400 = tpu.vector_load %arg14[%get3A_399] {strides = array<i32>} : memref<16384xf32, #tpu.memory_space<vmem>>, vector<16xf32>,
        %add3A_401 = arith.constant 15872 : i32
        %add3A_402 = arith.addi %add3A_401, %mul3A_189 : i32
        %get3A_403 = arith.index_cast %add3A_402 : i32 to index
        %get3A_404 = tpu.vector_load %arg14[%get3A_403] {strides = array<i32>} : memref<16384xf32, #tpu.memory_space<vmem>>, vector<16xf32>,
        %sub3A_405 = arith.subf %get3A_380, %get3A_376 : vector<16xf32>
        %mul3A_406 = arith.mulf %get3A_205, %sub3A_405 : vector<16xf32>
        %add3A_407 = arith.addf %get3A_376, %mul3A_406 : vector<16xf32>
        %sub3A_408 = arith.subf %get3A_388, %get3A_384 : vector<16xf32>
        %mul3A_409 = arith.mulf %get3A_205, %sub3A_408 : vector<16xf32>
        %add3A_410 = arith.addf %get3A_384, %mul3A_409 : vector<16xf32>
        %sub3A_411 = arith.subf %get3A_396, %get3A_392 : vector<16xf32>
        %mul3A_412 = arith.mulf %get3A_205, %sub3A_411 : vector<16xf32>
        %add3A_413 = arith.addf %get3A_392, %mul3A_412 : vector<16xf32>
        %sub3A_414 = arith.subf %get3A_404, %get3A_400 : vector<16xf32>
        %mul3A_415 = arith.mulf %get3A_205, %sub3A_414 : vector<16xf32>
        %add3A_416 = arith.addf %get3A_400, %mul3A_415 : vector<16xf32>
        %sub3A_417 = arith.subf %add3A_410, %add3A_407 : vector<16xf32>
        %mul3A_418 = arith.mulf %get3A_201, %sub3A_417 : vector<16xf32>
        %add3A_419 = arith.addf %add3A_407, %mul3A_418 : vector<16xf32>
        %sub3A_420 = arith.subf %add3A_416, %add3A_413 : vector<16xf32>
        %mul3A_421 = arith.mulf %get3A_201, %sub3A_420 : vector<16xf32>
        %add3A_422 = arith.addf %add3A_413, %mul3A_421 : vector<16xf32>
        %add3A_423 = arith.constant 3 : i32
        %add3A_424 = vector.broadcast %add3A_423 : i32 to vector<16xi32>
        %add3A_425 = arith.addi %add3A_196, %add3A_424 : vector<16xi32>
        %sub3A_426 = arith.subf %add3A_422, %add3A_419 : vector<16xf32>
        %mul3A_427 = arith.mulf %get3A_197, %sub3A_426 : vector<16xf32>
        %add3A_428 = arith.addf %add3A_419, %mul3A_427 : vector<16xf32>
        tpu.vector_store_idx %arg15[%add3A_425], %add3A_428 : memref<2048xf32, #tpu.memory_space<vmem>>[vector<16xi32>], vector<16xf32>,
        %scan3A_429 = arith.constant 0 : i32
        scf.yield %scan3A_429 : i32
      }
      %scan3A_182 = arith.constant 32 : i32
      %mul3A_183 = arith.constant 4 : i32
      %mul3A_184 = arith.muli %min3A_171, %mul3A_183 : i32
      "tpu.region"() ({
        %run_scoped3A = tpu.sem_alloc : memref<!tpu.dma_semaphore, #tpu.memory_space<semaphore_mem>>
        %dma_start3A_186 = tpu.memref_slice %arg4[%mul3A_184] : memref<4000000xf32, #tpu.memory_space<hbm>> -> memref<2048xf32, #tpu.memory_space<hbm>>
        %dma_start3A_187 = tpu.memref_slice %arg4[%mul3A_184] : memref<4000000xf32, #tpu.memory_space<hbm>> -> memref<2048xf32, #tpu.memory_space<hbm>>
        tpu.enqueue_dma source(%arg15 : memref<2048xf32, #tpu.memory_space<vmem>>) target(%dma_start3A_187 : memref<2048xf32, #tpu.memory_space<hbm>>) target_semaphore(%run_scoped3A : memref<!tpu.dma_semaphore, #tpu.memory_space<semaphore_mem>>)
        %dma_wait3A_188 = tpu.memref_slice %arg4[%mul3A_184] : memref<4000000xf32, #tpu.memory_space<hbm>> -> memref<2048xf32, #tpu.memory_space<hbm>>
        %dma_wait3A_189 = tpu.memref_slice %arg4[%mul3A_184] : memref<4000000xf32, #tpu.memory_space<hbm>> -> memref<2048xf32, #tpu.memory_space<hbm>>
        tpu.wait_dma2 semaphore(%run_scoped3A : memref<!tpu.dma_semaphore, #tpu.memory_space<semaphore_mem>>) src(%arg15 : memref<2048xf32, #tpu.memory_space<vmem>>) dst(%dma_wait3A_189 : memref<2048xf32, #tpu.memory_space<hbm>>)
        tpu.yield
      }) : () -> ()
      %scan3A_185 = arith.constant 0 : i32
      scf.yield %scan3A_185 : i32
    }
    %scan3A_69 = arith.constant 31 : i32
    return
  }
}

</mosaic_0001>

<sc_bundles>
// kernel: _run.3.cloned.1.call-start
scs
__scs_entry_jumppad:
0x0: {  	(pc) =	sbr.rel $0x88, $3  }
0x1: {  	(tag) =	ssettag $0x0;
	lr =	simm.s32 $0x1  }
0x2: {  	[smem:$0x3F9F] =	sst lr;
	_ =	strace $0xD0000000  }
0x3: {  	_ = 	snop  }
0x4: {  	_ = 	snop  }
0x5: {  	_ = 	snop  }
0x6: {  	_ = 	snop  }
0x7: {  	_ = 	snop  }
__scs_overlays_trampoline_lowered:
0x8: {  	[smem:$0x3FAE] =	sst s0  }
0x9: {  	[smem:$0x3FAF] =	sst s1  }
0xa: {  	[smem:$0x3FB0] =	sst s2  }
0xb: {  	[smem:$0x3FB1] =	sst s3  }
0xc: {  	[smem:$0x3FB2] =	sst s4  }
0xd: {  	[smem:$0x3FB3] =	sst s5  }
0xe: {  	[smem:$0x3FB4] =	sst s6  }
0xf: {  	[smem:$0x3FB5] =	sst s7  }
0x10: {  	[smem:$0x3FB6] =	sst s8  }
0x11: {  	[smem:$0x3FB7] =	sst s9;
	s0 =	simm.s32 @!p0 $0x0  }
0x12: {  	s1 =	sld [smem:$0x3F9D];
	s0 =	simm.s32 @p0 $0x1  }
0x13: {  	[smem:$0x3FB8] =	sst s0;
	s0 =	simm.s32 @!p1 $0x0  }
0x14: {  	s2 =	sld [smem:$0x3F9C];
	s0 =	simm.s32 @p1 $0x1  }
0x15: {  	[smem:$0x3FB9] =	sst s0;
	s0 =	simm.s32 @!p2 $0x0  }
0x16: {  	s3 =	sld [smem:$0x3FDB];
	s0 =	simm.s32 @p2 $0x1  }
0x17: {  	s4 =	simm.s32 $0x1BF5;
	[smem:$0x3FBB] =	sst s0  }
0x18: {  	s0 =	sld [smem:$0x3F9E];
	_ =	swait.ge [sflag:s4], $0x0  }
0x19: {  	s7 =	sld [smem:$0x3F9F]  }
0x1a: {  	s8 =	sadd.s32 $0xFFFFE003, lr  }
0x1b: {  	s9 =	sadd.s32 $0xFFFFFEF7, lr;
	s5 =	simm.s32 $0xFFFFFFFF;
	p2 =	slt.u32 s8, $0xFFFFF086  }
0x1c: {  	p1 =	slt.u32 s9, $0xF7A;
	s5 =	simm.s32 @!p2 $0x0  }
0x1d: {  	s5 =	simm.s32 @p1 $0x1;
	p0 =	seq.s32 s7, s2  }
0x1e: {  	s7 =	smul.u32 @!p0 $0xF7A, s2;
	p2 =	seq.s32 @!p0 s5, $0x0  }
0x1f: {  	s9 =	smul.u32 $0xF7A, s1;
	s8 =	simm.s32 @!p0 $0x1BF5;
	p2 =	por !p2, p0  }
0x20: {  	[sflag:s8] =	ssyncset.s32 @!p0 $0xFFFFF086;
	s6 =	sadd.s32 @!p0 s3, s7;
	s7 =	simm.s32 @!p0 $0x108  }
0x21: {  	s3 =	sadd.s32 s3, s9;
	s6 =	sadd.s32 @!p0 $0x88, s6;
	s7 =	simm.s32 @p2 $0x1082  }
0x22: {  	[simem:s7], [sflag:s8] =	dma.local @!p0 [hbm:s6], $0xF7A  }
0x23: {  	s9 =	sor.u32 $0xD0000000, s2;
	s6 =	simm.s32 $0x108;
	_ =	swait.ge @!p0 [sflag:s8], $0x0  }
0x24: {  	s3 =	sadd.s32 $0x88, s3;
	s6 =	simm.s32 @!p1 $0x1082;
	[sflag:s4] =	ssyncset.s32 $0xFFFFF086  }
0x25: {  	[simem:s6], [sflag:s4] =	dma.local [hbm:s3], $0xF7A  }
0x26: {  	[smem:$0x3F9F] =	sst s1;
	(tag) =	ssettag s2;
	_ =	strace s9  }
0x27: {  	s1 =	sld [smem:$0x3FAF]  }
0x28: {  	s2 =	sld [smem:$0x3FB0]  }
0x29: {  	s4 =	sld [smem:$0x3FB2]  }
0x2a: {  	p0 =	seq.s32 s5, $0x0;
	s5 =	sld [smem:$0x3FB3]  }
0x2b: {  	s6 =	sld [smem:$0x3FB4]  }
0x2c: {  	s7 =	sld [smem:$0x3FB5]  }
0x2d: {  	s3 =	simm.s32 $0x108;
	s8 =	sld [smem:$0x3FB6]  }
0x2e: {  	s3 =	simm.s32 @!p0 $0x1082;
	s9 =	sld [smem:$0x3FB7]  }
0x2f: {  	lr =	sadd.s32 s0, s3;
	s0 =	sld [smem:$0x3FAE]  }
0x30: {  	s3 =	sld [smem:$0x3FB1]  }
0x31: {  	[smem:$0x3FBA] =	sst s10  }
0x32: {  	s10 =	sld [smem:$0x3FB8];
	_ =	sdelay $0x3  }
0x33: {  	p0 =	seq.s32 s10, $0x1;
	s10 =	sld [smem:$0x3FBA];
	_ =	sdelay $0x3  }
0x34: {  	[smem:$0x3FBA] =	sst s10  }
0x35: {  	s10 =	sld [smem:$0x3FB9];
	_ =	sdelay $0x3  }
0x36: {  	p1 =	seq.s32 s10, $0x1;
	s10 =	sld [smem:$0x3FBA];
	_ =	sdelay $0x3  }
0x37: {  	[smem:$0x3FBA] =	sst s10  }
0x38: {  	s10 =	sld [smem:$0x3FBB]  }
0x39: {  	_ = 	snop;
	(pc) =	sbr.ind lr, $3  }
0x3a: {  	_ = 	snop  }
0x3b: {  	_ = 	snop  }
0x3c: {  	p2 =	seq.s32 s10, $0x1;
	s10 =	sld [smem:$0x3FBA]  }
0x3d: {  	_ =	shalt  }
0x3e: {  	_ =	shalt  }
0x3f: {  	_ =	shalt  }
0x40: {  	_ =	shalt  }
0x41: {  	_ =	shalt  }
0x42: {  	_ =	shalt  }
0x43: {  	_ =	shalt  }
0x44: {  	_ =	shalt  }
0x45: {  	_ =	shalt  }
0x46: {  	_ =	shalt  }
0x47: {  	_ =	shalt  }
0x48: {  	_ =	shalt  }
0x49: {  	_ =	shalt  }
0x4a: {  	_ =	shalt  }
0x4b: {  	_ =	shalt  }
0x4c: {  	_ =	shalt  }
0x4d: {  	_ =	shalt  }
0x4e: {  	_ =	shalt  }
0x4f: {  	_ =	shalt  }
0x50: {  	_ =	shalt  }
0x51: {  	_ =	shalt  }
0x52: {  	_ =	shalt  }
0x53: {  	_ =	shalt  }
0x54: {  	_ =	shalt  }
0x55: {  	_ =	shalt  }
0x56: {  	_ =	shalt  }
0x57: {  	_ =	shalt  }
0x58: {  	_ =	shalt  }
0x59: {  	_ =	shalt  }
0x5a: {  	_ =	shalt  }
0x5b: {  	_ =	shalt  }
0x5c: {  	_ =	shalt  }
0x5d: {  	_ =	shalt  }
0x5e: {  	_ =	shalt  }
0x5f: {  	_ =	shalt  }
0x60: {  	_ =	shalt  }
0x61: {  	_ =	shalt  }
0x62: {  	_ =	shalt  }
0x63: {  	_ =	shalt  }
0x64: {  	_ =	shalt  }
0x65: {  	_ =	shalt  }
0x66: {  	_ =	shalt  }
0x67: {  	_ =	shalt  }
0x68: {  	_ =	shalt  }
0x69: {  	_ =	shalt  }
0x6a: {  	_ =	shalt  }
0x6b: {  	_ =	shalt  }
0x6c: {  	_ =	shalt  }
0x6d: {  	_ =	shalt  }
0x6e: {  	_ =	shalt  }
0x6f: {  	_ =	shalt  }
0x70: {  	_ =	shalt  }
0x71: {  	_ =	shalt  }
0x72: {  	_ =	shalt  }
0x73: {  	_ =	shalt  }
0x74: {  	_ =	shalt  }
0x75: {  	_ =	shalt  }
0x76: {  	_ =	shalt  }
0x77: {  	_ =	shalt  }
0x78: {  	_ =	shalt  }
0x79: {  	_ =	shalt  }
0x7a: {  	_ =	shalt  }
0x7b: {  	_ =	shalt  }
0x7c: {  	_ =	shalt  }
0x7d: {  	_ =	shalt  }
0x7e: {  	_ =	shalt  }
0x7f: {  	_ =	shalt  }
0x80: {  	_ =	shalt  }
0x81: {  	_ =	shalt  }
0x82: {  	_ =	shalt  }
0x83: {  	_ =	shalt  }
0x84: {  	_ =	shalt  }
0x85: {  	_ =	shalt  }
0x86: {  	_ =	shalt  }
0x87: {  	_ =	shalt  }
.Lfunc_end0:
.L_simem_size_0:
called_computation_lowered:
.L_overlay_start_0:
0x88: {  	s2 =	sld [smem:$0x3FD9]  }
0x89: {  	s3 =	sld [smem:$0x3FFE];
	_ =	sdelay $0x1  }
0x8a: {  	s1 =	srdreg.scid  }
0x8b: {  	s0 =	sand.u32 $0x1, s1  }
0x8c: {  	s18 =	sshll.u32 s0, $0xA;
	s2 =	sadd.s32 s3, s2  }
0x8d: {  	s2 =	sadd.s32 s2, s18  }
0x8e: {  	[smem:$0x3FC6] =	sst s2  }
0x8f: {  	_ = 	snop  }
0x90: {  	s2 =	sld [smem:$0x3FC9]  }
0x91: {  	s19 =	sld [smem:$0x3FC8]  }
0x92: {  	s4 =	sld [smem:$0x3FD0];
	(tm) =	ssettm $0x1  }
0x93: {  	s5 =	sld [smem:$0x3FFB];
	_ =	sdelay $0x3  }
0x94: {  	_ =	strace s5  }
0x95: {  	s5 =	sld [smem:$0x3FFC];
	_ =	sdelay $0x3  }
0x96: {  	_ =	strace s5  }
0x97: {  	s5 =	sld [smem:$0x3FFD];
	_ =	sdelay $0x3  }
0x98: {  	_ =	strace s5  }
0x99: {  	_ =	strace $0x8FFFFFFF  }
0x9a: {  	s20 =	sld [smem:$0x3FDB];
	_ =	sdelay $0x1  }
0x9b: {  	s6 =	simm.s32 $_scs_section_size  }
0x9c: {  	s7 =	simm.s32 $_size__tile_overlayer_lowered;
	s8 =	simm.s32 $_tile_overlayer_lowered  }
0x9d: {  	s23 =	simm.s32 $0x1BFF;
	s22 =	sshll.u32 s8, $0x1;
	s5 =	sadd.s32 s6, s20  }
0x9e: {  	s9 =	simm.s32 $0x0;
	s21 =	sshll.u32 s7, $0x1;
	s7 =	sadd.s32 s22, s5  }
0x9f: {  	[timem:s9], [sflag:s23] =	dma.local [hbm:s7], s21  }
0xa0: {  	_ =	swait.ge [sflag:s23], s21  }
0xa1: {  	s6 =	ssub.s32 $0x0, s21;
	[sflag:s23] =	ssyncset.done $0x0  }
0xa2: {  	[sflag:s23] =	ssyncadd.s32 s6;
	_ =	sdelay $0x1  }
0xa3: {  	s24 =	simm.s32 $0x1B8B  }
0xa4: {  	_ =	swait.ge [sflag:s24], $0x1  }
0xa5: {  	[sflag:s24] =	ssyncset.done $0x0  }
0xa6: {  	s25 =	simm.s32 $0x1B8E;
	[sflag:s24] =	ssyncadd.s32 $0xFFFFFFFF  }
0xa7: {  	s26 =	simm.s32 $execute0_lowered;
	[smem:$0x3FD2] =	sst s25  }
0xa8: {  	s6 =	sshll.u32 s26, $0x1;
	_ =	strace $0x80000046;
	[dreg:$0x1] =	wrdreg $0xFFFFFFFF  }
0xa9: {  	s28 =	simm.s32 $_size_execute0_lowered;
	s5 =	sadd.s32 s5, s6;
	[dreg:$0x0] =	wrdreg $0x0  }
0xaa: {  	s6 =	sshll.u32 s28, $0x1;
	[dreg:$0x2] =	wrdreg s5  }
0xab: {  	[dreg:$0x3] =	wrdreg s6  }
0xac: {  	[dreg:$0x4] =	wrdreg $0xC0  }
0xad: {  	_ =	task [dreg:s9], $0x5FFFF  }
0xae: {  	[dreg:$0x1] =	wrdreg $0xFFFFFFFF  }
0xaf: {  	[dreg:$0x0] =	wrdreg $0x60  }
0xb0: {  	[dreg:$0x2] =	wrdreg s2  }
0xb1: {  	[dreg:$0x3] =	wrdreg s19  }
0xb2: {  	[dreg:$0x4] =	wrdreg s4  }
0xb3: {  	[dreg:$0x5] =	wrdreg $0x9  }
0xb4: {  	_ =	task.clear_ibuf [dreg:s9], $0x6FFFF;
	_ =	strace $0x90000046  }
0xb5: {  	s29 =	simm.s32 $0x9;
	_ =	strace $0x80000048  }
0xb6: {  	_ =	swait.ge [sflag:s29], $0x1  }
0xb7: {  	[sflag:s29] =	ssyncadd.s32 $0xFFFFFFFF  }
0xb8: {  	_ =	strace $0x90000048  }
0xb9: {  	_ =	sfence  }
0xba: {  	s30 =	sld [smem:$0x0];
	_ =	sdelay $0x2  }
0xbb: {  	s31 =	sshll.u32 s1, $0xD;
	s1 =	sshrl.u32 s1, $0x2  }
0xbc: {  	s3 =	sand.u32 $0x4000, s31;
	s1 =	sadd.s32 s1, s30  }
0xbd: {  	s0 =	sor.u32 s3, s0;
	s1 =	sshll.u32 s1, $0x11  }
0xbe: {  	s0 =	sor.u32 s1, s0  }
0xbf: {  	s0 =	sadd.s32 $0x8F2B, s0  }
0xc0: {  	[sflag:s0] =	ssyncadd.remote.s32 $0x1  }
0xc1: {  	_ =	sfence.sel $0xFFFF  }
0xc2: {  	[dreg:$0x0] =	wrdreg $0xFFFFFFFF;
	(pc) =	sbr.abs _section_cstart, $3  }
0xc3: {  	[dreg:$0x1] =	wrdreg $0xFFFFFFFF  }
0xc4: {  	_ =	task.clear_ibuf [dreg:s9], $0x2FFFF;
	_ =	strace $0x9FFFFFFF  }
0xc5: {  	(tm) =	ssettm $0x7FFFFFFF  }
tec
execute0_lowered:
.L_overlay_start_1:
0x0: {  	(tag) =	ssettag $0x1  }
0x1: {  	s1 =	rddreg [dreg:$0x0]  }
0x2: {  	s0 =	srdreg.scid;
	s3 =	rddreg [dreg:$0x1]  }
0x3: {  	s2 =	stileid.u32;
	s4 =	rddreg [dreg:$0x2]  }
0x4: {  	s5 =	simm.s32 $0x0;
	s11 =	simm.s32 $0x3;
	s12 =	simm.s32 $0x800  }
0x5: {  	s30 =	simm.s32 $0x9400;
	s18 =	simm.s32 $0xC200;
	s19 =	simm.s32 $0x10800  }
0x6: {  	s20 =	simm.s32 $0xCA00;
	s21 =	simm.s32 $0x11000;
	s22 =	simm.s32 $0xD200  }
0x7: {  	s23 =	simm.s32 $0x11800;
	s0 =	sand.u32 $0x1, s0;
	s2 =	sshll.u32 s2, $0x1  }
0x8: {  	s24 =	simm.s32 $0x1;
	s28 =	simm.s32 $0x12000;
	s2 =	sor.u32 s0, s2  }
0x9: {  	s29 =	simm.s32 $0x0;
	[smem:$0x7FF] =	sst s5;
	s7 =	smul.u32 $0x2E80, s2  }
0xa: {  	v1 =	vlaneseq.u32;
	s0 =	ssub.s32 $0x2, s0;
	_ =	strace $0x80000047;
	s6 =	smul.u32 $0x3E, s2  }
0xb: {  	v0 =	vmul.u32 $0x3, v1;
	s25 =	sshrl.u32 s0, $0x1;
	s2 =	simm.s32 $0x0;
	s26 =	sadd.s32 s1, s7  }
0xc: {  	v1 =	vmul.u32 $0x4, v1;
	s0 =	ssub.s32 s0, s25;
	s31 =	sadd.s32 $0x2, s6;
	[dreg:$0x4] =	wrdreg s26  }
0xd: {  	v2 =	vadd.s32 $0x1, v0;
	v3 =	vadd.s32 $0x2, v0;
	s25 =	simm.s32 $0x8C00;
	s0 =	smax.u32 s0, $0x1;
	[dreg:$0x5] =	wrdreg s31  }
0xe: {  	v4 =	vor.u32 $0x1, v1;
	v5 =	vor.u32 $0x2, v1;
	v6 =	vor.u32 $0x3, v1;
	s8 =	sor.u32 $0x1, s6;
	[dreg:$0x6] =	wrdreg s0;
	s26 =	simm.s32 $0x2  }
.LBB2_1:
0xf: {  	[dreg:$0x7] =	wrdreg s2  }
0x10: {  	v7 =	vadd.s32 s5, v0;
	s0 =	rddreg [dreg:$0x4]  }
0x11: {  	[tilespmem:s5], [sflag:$0x3] =	stream.linear.gather [hbm4b:s0+s5], $0x600, $0x38;
	[tilespmem:$0x12800] =	vst v63  }
0x12: {  	_ =	swait.ge [sflag:s11], $0x600  }
0x13: {  	[sflag:s11] =	ssyncset.done $0x0  }
0x14: {  	[sflag:s11] =	ssyncadd.s32 $0xFFFFFA00  }
0x15: {  	v7 =	vld.idx.msk [tilespmem:v7+s5+$0x0], $0xffff;
	_ =	sdelay $0x4  }
0x16: {  	v7 =	vmul.f32 $2.560000000e+02, v7;
	_ =	sdelay $0x1  }
0x17: {  	v8 =	vtrunc.f32 v7  }
0x18: {  	v8 =	vcvt.f32.s32 v8;
	_ =	sdelay $0x1  }
0x19: {  	v9 =	vcvt.s32.f32 v8;
	_ =	sdelay $0x1  }
0x1a: {  	v7 =	vsub.f32 v7, v9;
	_ =	sdelay $0x1  }
0x1b: {  	v9 =	vadd.f32 v7, v7;
	_ =	sdelay $0x1  }
0x1c: {  	v9 =	vsub.f32 $3.000000000e+00, v9;
	_ =	sdelay $0x1  }
0x1d: {  	v10 =	vadd.s32 s5, v2;
	v9 =	vmul.f32 v9, v7;
	_ =	sdelay $0x1  }
0x1e: {  	v7 =	vmul.f32 v9, v7  }
0x1f: {  	s0 =	simm.s32 $0x4800  }
0x20: {  	[tilespmem:s0+$0xFFFFFE00] =	vst v7  }
0x21: {  	v7 =	vld.idx.msk [tilespmem:v10+s5+$0x0], $0xffff;
	_ =	sdelay $0x4  }
0x22: {  	v7 =	vmul.f32 $2.560000000e+02, v7;
	_ =	sdelay $0x1  }
0x23: {  	v9 =	vtrunc.f32 v7  }
0x24: {  	v9 =	vcvt.f32.s32 v9;
	_ =	sdelay $0x1  }
0x25: {  	v10 =	vcvt.s32.f32 v9;
	_ =	sdelay $0x1  }
0x26: {  	v7 =	vsub.f32 v7, v10;
	_ =	sdelay $0x1  }
0x27: {  	v10 =	vadd.f32 v7, v7;
	_ =	sdelay $0x1  }
0x28: {  	v10 =	vsub.f32 $3.000000000e+00, v10;
	_ =	sdelay $0x1  }
0x29: {  	v11 =	vadd.s32 s5, v3;
	v10 =	vmul.f32 v10, v7;
	_ =	sdelay $0x1  }
0x2a: {  	v7 =	vmul.f32 v10, v7;
	_ =	sdelay $0x1  }
0x2b: {  	[tilespmem:s0+$0x0] =	vst v7  }
0x2c: {  	v7 =	vld.idx.msk [tilespmem:v11+s5+$0x0], $0xffff;
	_ =	sdelay $0x4  }
0x2d: {  	v7 =	vmul.f32 $2.560000000e+02, v7;
	_ =	sdelay $0x1  }
0x2e: {  	v10 =	vtrunc.f32 v7  }
0x2f: {  	v10 =	vcvt.f32.s32 v10;
	_ =	sdelay $0x1  }
0x30: {  	v11 =	vcvt.s32.f32 v10;
	_ =	sdelay $0x1  }
0x31: {  	v7 =	vsub.f32 v7, v11;
	_ =	sdelay $0x1  }
0x32: {  	v11 =	vadd.f32 v7, v7;
	_ =	sdelay $0x1  }
0x33: {  	v11 =	vsub.f32 $3.000000000e+00, v11  }
0x34: {  	v8 =	vmul.u32 $0x10201, v8;
	v9 =	vmul.u32 $0x101, v9  }
0x35: {  	v11 =	vmul.f32 v11, v7  }
0x36: {  	v8 =	vadd.s32 v8, v9  }
0x37: {  	v8 =	vadd.s32 v10, v8;
	v9 =	vmul.f32 v11, v7  }
0x38: {  	v7 =	vshll.u32 v8, $0x2  }
0x39: {  	s2 =	simm.s32 $0x10;
	s9 =	simm.s32 $0x800;
	[tilespmem:s0+$0x200] =	vst v9;
	v9 =	vor.u32 $0x2, v7  }
0x3a: {  	s7 =	simm.s32 $0x0;
	s10 =	simm.s32 $0x800;
	s13 =	simm.s32 $0x0;
	v8 =	vor.u32 $0x1, v7;
	[tilespmem:s12+$0x200] =	vst v9  }
.LBB2_2:
0x3b: {  	s7 =	sadd.s32 $0x30, s7  }
0x3c: {  	[tilespmem:s9+$0xFFFFFE00] =	vst v7;
	s0 =	sadd.s32 $0x10, s0;
	s10 =	sadd.s32 $0x10, s10;
	s15 =	smov.u32 s2  }
0x3d: {  	p0 =	sne.s32 s2, $0x1F0;
	s2 =	sadd.s32 $0x10, s2;
	s14 =	sand.u32 $0x1F0, s13;
	[tilespmem:s9+$0x0] =	vst v8;
	v8 =	vor.u32 $0x3, v7  }
0x3e: {  	s9 =	smov.u32 s10;
	s13 =	smov.u32 s15;
	[tilespmem:s14+$0xC00] =	vst v8;
	v8 =	vadd.s32 $0x40C0F, v7  }
0x3f: {  	v9 =	vadd.s32 $0x40C0E, v7;
	[tilespmem:s14+$0x4400] =	vst v8  }
0x40: {  	v8 =	vadd.s32 $0x40C0D, v7;
	[tilespmem:s14+$0x4200] =	vst v9  }
0x41: {  	v9 =	vadd.s32 $0x40C0C, v7;
	[tilespmem:s14+$0x4000] =	vst v8  }
0x42: {  	v8 =	vadd.s32 $0x40C0B, v7;
	[tilespmem:s14+$0x3E00] =	vst v9  }
0x43: {  	v9 =	vadd.s32 $0x40C0A, v7;
	[tilespmem:s14+$0x3C00] =	vst v8  }
0x44: {  	v8 =	vadd.s32 $0x40C09, v7;
	[tilespmem:s14+$0x3A00] =	vst v9  }
0x45: {  	v9 =	vadd.s32 $0x40C08, v7;
	[tilespmem:s14+$0x3800] =	vst v8  }
0x46: {  	v8 =	vadd.s32 $0x4080B, v7;
	[tilespmem:s14+$0x3600] =	vst v9  }
0x47: {  	v9 =	vadd.s32 $0x4080A, v7;
	[tilespmem:s14+$0x3400] =	vst v8  }
0x48: {  	v8 =	vadd.s32 $0x40809, v7;
	[tilespmem:s14+$0x3200] =	vst v9  }
0x49: {  	v9 =	vadd.s32 $0x40808, v7;
	[tilespmem:s14+$0x3000] =	vst v8  }
0x4a: {  	v8 =	vadd.s32 $0x40807, v7;
	[tilespmem:s14+$0x2E00] =	vst v9  }
0x4b: {  	v9 =	vadd.s32 $0x40806, v7;
	[tilespmem:s14+$0x2C00] =	vst v8  }
0x4c: {  	v8 =	vadd.s32 $0x40805, v7;
	[tilespmem:s14+$0x2A00] =	vst v9  }
0x4d: {  	v9 =	vadd.s32 $0x40804, v7;
	[tilespmem:s14+$0x2800] =	vst v8  }
0x4e: {  	v8 =	vadd.s32 $0x40B, v7;
	[tilespmem:s14+$0x2600] =	vst v9  }
0x4f: {  	v9 =	vadd.s32 $0x40A, v7;
	[tilespmem:s14+$0x2400] =	vst v8  }
0x50: {  	v8 =	vadd.s32 $0x409, v7;
	[tilespmem:s14+$0x2200] =	vst v9  }
0x51: {  	v9 =	vadd.s32 $0x408, v7;
	[tilespmem:s14+$0x2000] =	vst v8  }
0x52: {  	v8 =	vadd.s32 $0x407, v7;
	[tilespmem:s14+$0x1E00] =	vst v9  }
0x53: {  	v9 =	vadd.s32 $0x406, v7;
	[tilespmem:s14+$0x1C00] =	vst v8  }
0x54: {  	v8 =	vadd.s32 $0x405, v7;
	[tilespmem:s14+$0x1A00] =	vst v9  }
0x55: {  	v9 =	vadd.s32 $0x404, v7;
	[tilespmem:s14+$0x1800] =	vst v8  }
0x56: {  	v10 =	vadd.s32 $0x7, v7;
	v8 =	vadd.s32 s7, v0;
	[tilespmem:s14+$0x1600] =	vst v9  }
0x57: {  	v9 =	vadd.s32 $0x6, v7;
	[tilespmem:s14+$0x1400] =	vst v10  }
0x58: {  	v10 =	vadd.s32 $0x4, v7;
	v7 =	vadd.s32 $0x5, v7;
	[tilespmem:s14+$0x1200] =	vst v9  }
0x59: {  	[tilespmem:s14+$0x1000] =	vst v7  }
0x5a: {  	[tilespmem:s14+$0xE00] =	vst v10  }
0x5b: {  	v7 =	vld.idx.msk [tilespmem:v8+s5+$0x0], $0xffff;
	_ =	sdelay $0x5  }
0x5c: {  	v7 =	vmul.f32 $2.560000000e+02, v7;
	_ =	sdelay $0x1  }
0x5d: {  	v8 =	vtrunc.f32 v7  }
0x5e: {  	v8 =	vcvt.f32.s32 v8;
	_ =	sdelay $0x1  }
0x5f: {  	v9 =	vcvt.s32.f32 v8;
	_ =	sdelay $0x1  }
0x60: {  	v7 =	vsub.f32 v7, v9;
	_ =	sdelay $0x1  }
0x61: {  	v9 =	vadd.f32 v7, v7;
	_ =	sdelay $0x1  }
0x62: {  	v9 =	vsub.f32 $3.000000000e+00, v9;
	_ =	sdelay $0x1  }
0x63: {  	v10 =	vadd.s32 s7, v2;
	v9 =	vmul.f32 v9, v7;
	_ =	sdelay $0x1  }
0x64: {  	v7 =	vmul.f32 v9, v7;
	_ =	sdelay $0x1  }
0x65: {  	[tilespmem:s0+$0xFFFFFE00] =	vst v7  }
0x66: {  	v7 =	vld.idx.msk [tilespmem:v10+s5+$0x0], $0xffff;
	_ =	sdelay $0x5  }
0x67: {  	v7 =	vmul.f32 $2.560000000e+02, v7;
	_ =	sdelay $0x1  }
0x68: {  	v9 =	vtrunc.f32 v7  }
0x69: {  	v9 =	vcvt.f32.s32 v9;
	_ =	sdelay $0x1  }
0x6a: {  	v10 =	vcvt.s32.f32 v9;
	v9 =	vmul.u32 $0x101, v9;
	_ =	sdelay $0x1  }
0x6b: {  	v7 =	vsub.f32 v7, v10;
	_ =	sdelay $0x1  }
0x6c: {  	v10 =	vadd.f32 v7, v7;
	_ =	sdelay $0x1  }
0x6d: {  	v10 =	vsub.f32 $3.000000000e+00, v10;
	_ =	sdelay $0x1  }
0x6e: {  	v11 =	vadd.s32 s7, v3;
	v10 =	vmul.f32 v10, v7;
	_ =	sdelay $0x1  }
0x6f: {  	v7 =	vmul.f32 v10, v7;
	_ =	sdelay $0x1  }
0x70: {  	[tilespmem:s0+$0x0] =	vst v7  }
0x71: {  	v7 =	vld.idx.msk [tilespmem:v11+s5+$0x0], $0xffff;
	_ =	sdelay $0x5  }
0x72: {  	v7 =	vmul.f32 $2.560000000e+02, v7;
	_ =	sdelay $0x1  }
0x73: {  	v8 =	vmul.u32 $0x10201, v8;
	v10 =	vtrunc.f32 v7  }
0x74: {  	v10 =	vcvt.f32.s32 v10  }
0x75: {  	v8 =	vadd.s32 v8, v9  }
0x76: {  	v9 =	vcvt.s32.f32 v10;
	v8 =	vadd.s32 v10, v8;
	_ =	sdelay $0x1  }
0x77: {  	v7 =	vsub.f32 v7, v9;
	_ =	sdelay $0x1  }
0x78: {  	v9 =	vadd.f32 v7, v7;
	_ =	sdelay $0x1  }
0x79: {  	v9 =	vsub.f32 $3.000000000e+00, v9;
	_ =	sdelay $0x1  }
0x7a: {  	v9 =	vmul.f32 v9, v7  }
.Ltmp0:
0x7b: {  	(pc) =	sbr.rel @p0 .LBB2_2-.Ltmp0, $4  }
0x7c: {  	v9 =	vmul.f32 v9, v7  }
0x7d: {  	v7 =	vshll.u32 v8, $0x2  }
0x7e: {  	v8 =	vor.u32 $0x1, v7;
	[tilespmem:s0+$0x200] =	vst v9;
	v9 =	vor.u32 $0x2, v7  }
0x7f: {  	[tilespmem:s10+$0x200] =	vst v9  }
0x80: {  	[tilespmem:s9+$0xFFFFFE00] =	vst v7  }
0x81: {  	[tilespmem:s9+$0x0] =	vst v8;
	v8 =	vor.u32 $0x3, v7;
	s0 =	sand.u32 $0x1F0, s13  }
0x82: {  	v9 =	vadd.s32 $0x40C0E, v7;
	[tilespmem:s0+$0xC00] =	vst v8  }
0x83: {  	v52 =	vadd.s32 $0x40C0C, v7;
	[tilespmem:s0+$0x4200] =	vst v9  }
0x84: {  	v53 =	vadd.s32 $0x40C0A, v7;
	[tilespmem:s0+$0x3E00] =	vst v52  }
0x85: {  	v54 =	vadd.s32 $0x40C08, v7;
	[tilespmem:s0+$0x3A00] =	vst v53  }
0x86: {  	v55 =	vadd.s32 $0x4080A, v7;
	[tilespmem:s0+$0x3600] =	vst v54  }
0x87: {  	v56 =	vadd.s32 $0x40808, v7;
	[tilespmem:s0+$0x3200] =	vst v55  }
0x88: {  	v57 =	vadd.s32 $0x40806, v7;
	[tilespmem:s0+$0x2E00] =	vst v56  }
0x89: {  	v58 =	vadd.s32 $0x40804, v7;
	[tilespmem:s0+$0x2A00] =	vst v57  }
0x8a: {  	v59 =	vadd.s32 $0x40A, v7;
	[tilespmem:s0+$0x2600] =	vst v58  }
0x8b: {  	v60 =	vadd.s32 $0x408, v7;
	[tilespmem:s0+$0x2200] =	vst v59  }
0x8c: {  	v61 =	vadd.s32 $0x406, v7;
	[tilespmem:s0+$0x1E00] =	vst v60  }
0x8d: {  	v62 =	vadd.s32 $0x404, v7;
	[tilespmem:s0+$0x1A00] =	vst v61  }
0x8e: {  	v63 =	vadd.s32 $0x6, v7;
	[tilespmem:s0+$0x1600] =	vst v62  }
0x8f: {  	v8 =	vadd.s32 $0x40C0F, v7;
	[tilespmem:s0+$0x1200] =	vst v63  }
0x90: {  	[tilespmem:s0+$0x4400] =	vst v8;
	v8 =	vadd.s32 $0x40C0D, v7  }
0x91: {  	[tilespmem:s0+$0x4000] =	vst v8;
	v8 =	vadd.s32 $0x40C0B, v7  }
0x92: {  	[tilespmem:s0+$0x3C00] =	vst v8;
	v8 =	vadd.s32 $0x40C09, v7  }
0x93: {  	[tilespmem:s0+$0x3800] =	vst v8;
	v8 =	vadd.s32 $0x4080B, v7  }
0x94: {  	[tilespmem:s0+$0x3400] =	vst v8;
	v8 =	vadd.s32 $0x40809, v7  }
0x95: {  	[tilespmem:s0+$0x3000] =	vst v8;
	v8 =	vadd.s32 $0x40807, v7  }
0x96: {  	[tilespmem:s0+$0x2C00] =	vst v8;
	v8 =	vadd.s32 $0x40805, v7  }
0x97: {  	[tilespmem:s0+$0x2800] =	vst v8;
	v8 =	vadd.s32 $0x40B, v7  }
0x98: {  	[tilespmem:s0+$0x2400] =	vst v8;
	v8 =	vadd.s32 $0x409, v7  }
0x99: {  	[tilespmem:s0+$0x2000] =	vst v8;
	v8 =	vadd.s32 $0x407, v7  }
0x9a: {  	[tilespmem:s0+$0x1C00] =	vst v8;
	v8 =	vadd.s32 $0x405, v7  }
0x9b: {  	[tilespmem:s0+$0x1800] =	vst v8;
	v8 =	vadd.s32 $0x7, v7  }
0x9c: {  	[tilespmem:s0+$0x1400] =	vst v8;
	v8 =	vadd.s32 $0x5, v7  }
0x9d: {  	v7 =	vadd.s32 $0x4, v7;
	[tilespmem:s0+$0x1000] =	vst v8  }
0x9e: {  	s14 =	simm.s32 $0x600;
	s2 =	simm.s32 $0x4C00;
	[tilespmem:s0+$0xE00] =	vst v7  }
0x9f: {  	[tilespmem:s2], [sflag:$0x1] =	stream.indirect.gather [hbm4b:s3+s12], $0x1, s14, s12, $0xb8;
	[tilespmem:$0x12800] =	vst v63  }
0xa0: {  	s15 =	simm.s32 $0xE00;
	s16 =	simm.s32 $0x5400  }
0xa1: {  	[tilespmem:s16], [sflag:$0x1] =	stream.indirect.gather [hbm4b:s3+s12], $0x1, s15, s12, $0xb8;
	[tilespmem:$0x12800] =	vst v63  }
0xa2: {  	s17 =	simm.s32 $0x1600;
	s31 =	simm.s32 $0x5C00  }
0xa3: {  	[tilespmem:s31], [sflag:$0x1] =	stream.indirect.gather [hbm4b:s3+s12], $0x1, s17, s12, $0xb8;
	[tilespmem:$0x12800] =	vst v63  }
0xa4: {  	s7 =	simm.s32 $0x6400;
	s2 =	simm.s32 $0x1E00  }
0xa5: {  	[tilespmem:s7], [sflag:$0x1] =	stream.indirect.gather [hbm4b:s3+s12], $0x1, s2, s12, $0xb8;
	[tilespmem:$0x12800] =	vst v63  }
0xa6: {  	s9 =	simm.s32 $0x2600;
	s10 =	simm.s32 $0x6C00  }
0xa7: {  	[tilespmem:s10], [sflag:$0x1] =	stream.indirect.gather [hbm4b:s3+s12], $0x1, s9, s12, $0xb8;
	[tilespmem:$0x12800] =	vst v63  }
0xa8: {  	s13 =	simm.s32 $0x2E00;
	s14 =	simm.s32 $0x7400  }
0xa9: {  	[tilespmem:s14], [sflag:$0x1] =	stream.indirect.gather [hbm4b:s3+s12], $0x1, s13, s12, $0xb8;
	[tilespmem:$0x12800] =	vst v63  }
0xaa: {  	s15 =	simm.s32 $0x3600;
	s16 =	simm.s32 $0x7C00  }
0xab: {  	[tilespmem:s16], [sflag:$0x1] =	stream.indirect.gather [hbm4b:s3+s12], $0x1, s15, s12, $0xb8;
	[tilespmem:$0x12800] =	vst v63  }
0xac: {  	s17 =	simm.s32 $0x3E00;
	s31 =	simm.s32 $0x8400;
	s9 =	simm.s32 $0x0  }
0xad: {  	[tilespmem:s31], [sflag:$0x1] =	stream.indirect.gather [hbm4b:s3+s12], $0x1, s17, s12, $0xb8;
	[tilespmem:$0x12800] =	vst v63  }
.LBB2_4:
0xae: {  	s2 =	sshll.u32 s9, $0x1  }
0xaf: {  	s0 =	sadd.s32 s8, s2  }
0xb0: {  	s0 =	sshll.u32 s0, $0x9  }
0xb1: {  	s31 =	smin.u32 s0, $0xF4040  }
0xb2: {  	s0 =	smul.u32 $0x3, s31;
	_ =	sdelay $0x1  }
0xb3: {  	s0 =	sshrl.u32 s0, $0x3  }
0xb4: {  	v7 =	vadd.s32 s29, v0;
	s0 =	sadd.s32 s1, s0  }
0xb5: {  	[tilespmem:s30], [sflag:$0x3] =	stream.linear.gather [hbm4b:s0+s29], $0x600, $0x38;
	[tilespmem:$0x12800] =	vst v63  }
0xb6: {  	_ =	swait.ge [sflag:s11], $0x600  }
0xb7: {  	[sflag:s11] =	ssyncset.done $0x0  }
0xb8: {  	[sflag:s11] =	ssyncadd.s32 $0xFFFFFA00  }
0xb9: {  	v7 =	vld.idx.msk [tilespmem:v7+s30+$0x0], $0xffff;
	_ =	sdelay $0x4  }
0xba: {  	v7 =	vmul.f32 $2.560000000e+02, v7;
	_ =	sdelay $0x1  }
0xbb: {  	v8 =	vtrunc.f32 v7  }
0xbc: {  	v8 =	vcvt.f32.s32 v8;
	_ =	sdelay $0x1  }
0xbd: {  	v9 =	vcvt.s32.f32 v8;
	_ =	sdelay $0x1  }
0xbe: {  	v7 =	vsub.f32 v7, v9;
	_ =	sdelay $0x1  }
0xbf: {  	v9 =	vadd.f32 v7, v7;
	_ =	sdelay $0x1  }
0xc0: {  	v9 =	vsub.f32 $3.000000000e+00, v9;
	_ =	sdelay $0x1  }
0xc1: {  	v10 =	vadd.s32 s29, v2;
	v9 =	vmul.f32 v9, v7;
	_ =	sdelay $0x1  }
0xc2: {  	v7 =	vmul.f32 v9, v7  }
0xc3: {  	s0 =	simm.s32 $0xDC00  }
0xc4: {  	[tilespmem:s0+$0xFFFFFE00] =	vst v7  }
0xc5: {  	v7 =	vld.idx.msk [tilespmem:v10+s30+$0x0], $0xffff;
	_ =	sdelay $0x4  }
0xc6: {  	v7 =	vmul.f32 $2.560000000e+02, v7;
	_ =	sdelay $0x1  }
0xc7: {  	v9 =	vtrunc.f32 v7  }
0xc8: {  	v9 =	vcvt.f32.s32 v9;
	_ =	sdelay $0x1  }
0xc9: {  	v10 =	vcvt.s32.f32 v9;
	_ =	sdelay $0x1  }
0xca: {  	v7 =	vsub.f32 v7, v10;
	_ =	sdelay $0x1  }
0xcb: {  	v10 =	vadd.f32 v7, v7;
	_ =	sdelay $0x1  }
0xcc: {  	v10 =	vsub.f32 $3.000000000e+00, v10;
	_ =	sdelay $0x1  }
0xcd: {  	v11 =	vadd.s32 s29, v3;
	v10 =	vmul.f32 v10, v7;
	_ =	sdelay $0x1  }
0xce: {  	v7 =	vmul.f32 v10, v7;
	_ =	sdelay $0x1  }
0xcf: {  	[tilespmem:s0+$0x0] =	vst v7  }
0xd0: {  	v7 =	vld.idx.msk [tilespmem:v11+s30+$0x0], $0xffff;
	_ =	sdelay $0x4  }
0xd1: {  	v7 =	vmul.f32 $2.560000000e+02, v7;
	_ =	sdelay $0x1  }
0xd2: {  	v10 =	vtrunc.f32 v7  }
0xd3: {  	v10 =	vcvt.f32.s32 v10;
	_ =	sdelay $0x1  }
0xd4: {  	v11 =	vcvt.s32.f32 v10;
	_ =	sdelay $0x1  }
0xd5: {  	v7 =	vsub.f32 v7, v11;
	_ =	sdelay $0x1  }
0xd6: {  	v11 =	vadd.f32 v7, v7;
	_ =	sdelay $0x1  }
0xd7: {  	v11 =	vsub.f32 $3.000000000e+00, v11  }
0xd8: {  	v8 =	vmul.u32 $0x10201, v8;
	v9 =	vmul.u32 $0x101, v9  }
0xd9: {  	v11 =	vmul.f32 v11, v7  }
0xda: {  	v8 =	vadd.s32 v8, v9  }
0xdb: {  	v8 =	vadd.s32 v10, v8;
	v9 =	vmul.f32 v11, v7  }
0xdc: {  	v7 =	vshll.u32 v8, $0x2  }
0xdd: {  	s10 =	simm.s32 $0x9C00;
	s7 =	simm.s32 $0x10;
	[tilespmem:s0+$0x200] =	vst v9;
	v9 =	vor.u32 $0x2, v7  }
0xde: {  	s13 =	simm.s32 $0x0;
	s14 =	simm.s32 $0x9C00;
	s15 =	simm.s32 $0x0;
	v8 =	vor.u32 $0x1, v7;
	[tilespmem:s10+$0x200] =	vst v9  }
.LBB2_5:
0xdf: {  	s13 =	sadd.s32 $0x30, s13  }
0xe0: {  	[tilespmem:s10+$0xFFFFFE00] =	vst v7;
	s0 =	sadd.s32 $0x10, s0;
	s14 =	sadd.s32 $0x10, s14;
	s17 =	smov.u32 s7  }
0xe1: {  	p0 =	sne.s32 s7, $0x1F0;
	s7 =	sadd.s32 $0x10, s7;
	s16 =	sand.u32 $0x1F0, s15;
	[tilespmem:s10+$0x0] =	vst v8;
	v8 =	vor.u32 $0x3, v7  }
0xe2: {  	s10 =	smov.u32 s14;
	s15 =	smov.u32 s17;
	[tilespmem:s16+$0xA000] =	vst v8;
	v8 =	vadd.s32 $0x40C0F, v7  }
0xe3: {  	v9 =	vadd.s32 $0x40C0E, v7;
	[tilespmem:s16+$0xD800] =	vst v8  }
0xe4: {  	v8 =	vadd.s32 $0x40C0D, v7;
	[tilespmem:s16+$0xD600] =	vst v9  }
0xe5: {  	v9 =	vadd.s32 $0x40C0C, v7;
	[tilespmem:s16+$0xD400] =	vst v8  }
0xe6: {  	v8 =	vadd.s32 $0x40C0B, v7;
	[tilespmem:s16+$0xD200] =	vst v9  }
0xe7: {  	v9 =	vadd.s32 $0x40C0A, v7;
	[tilespmem:s16+$0xD000] =	vst v8  }
0xe8: {  	v8 =	vadd.s32 $0x40C09, v7;
	[tilespmem:s16+$0xCE00] =	vst v9  }
0xe9: {  	v9 =	vadd.s32 $0x40C08, v7;
	[tilespmem:s16+$0xCC00] =	vst v8  }
0xea: {  	v8 =	vadd.s32 $0x4080B, v7;
	[tilespmem:s16+$0xCA00] =	vst v9  }
0xeb: {  	v9 =	vadd.s32 $0x4080A, v7;
	[tilespmem:s16+$0xC800] =	vst v8  }
0xec: {  	v8 =	vadd.s32 $0x40809, v7;
	[tilespmem:s16+$0xC600] =	vst v9  }
0xed: {  	v9 =	vadd.s32 $0x40808, v7;
	[tilespmem:s16+$0xC400] =	vst v8  }
0xee: {  	v8 =	vadd.s32 $0x40807, v7;
	[tilespmem:s16+$0xC200] =	vst v9  }
0xef: {  	v9 =	vadd.s32 $0x40806, v7;
	[tilespmem:s16+$0xC000] =	vst v8  }
0xf0: {  	v8 =	vadd.s32 $0x40805, v7;
	[tilespmem:s16+$0xBE00] =	vst v9  }
0xf1: {  	v9 =	vadd.s32 $0x40804, v7;
	[tilespmem:s16+$0xBC00] =	vst v8  }
0xf2: {  	v8 =	vadd.s32 $0x40B, v7;
	[tilespmem:s16+$0xBA00] =	vst v9  }
0xf3: {  	v9 =	vadd.s32 $0x40A, v7;
	[tilespmem:s16+$0xB800] =	vst v8  }
0xf4: {  	v8 =	vadd.s32 $0x409, v7;
	[tilespmem:s16+$0xB600] =	vst v9  }
0xf5: {  	v9 =	vadd.s32 $0x408, v7;
	[tilespmem:s16+$0xB400] =	vst v8  }
0xf6: {  	v8 =	vadd.s32 $0x407, v7;
	[tilespmem:s16+$0xB200] =	vst v9  }
0xf7: {  	v9 =	vadd.s32 $0x406, v7;
	[tilespmem:s16+$0xB000] =	vst v8  }
0xf8: {  	v8 =	vadd.s32 $0x405, v7;
	[tilespmem:s16+$0xAE00] =	vst v9  }
0xf9: {  	v9 =	vadd.s32 $0x404, v7;
	[tilespmem:s16+$0xAC00] =	vst v8  }
0xfa: {  	v10 =	vadd.s32 $0x7, v7;
	v8 =	vadd.s32 s13, v0;
	[tilespmem:s16+$0xAA00] =	vst v9  }
0xfb: {  	v9 =	vadd.s32 $0x6, v7;
	[tilespmem:s16+$0xA800] =	vst v10  }
0xfc: {  	v10 =	vadd.s32 $0x4, v7;
	v7 =	vadd.s32 $0x5, v7;
	[tilespmem:s16+$0xA600] =	vst v9  }
0xfd: {  	[tilespmem:s16+$0xA400] =	vst v7  }
0xfe: {  	[tilespmem:s16+$0xA200] =	vst v10  }
0xff: {  	v7 =	vld.idx.msk [tilespmem:v8+s30+$0x0], $0xffff;
	_ =	sdelay $0x5  }
0x100: {  	v7 =	vmul.f32 $2.560000000e+02, v7;
	_ =	sdelay $0x1  }
0x101: {  	v8 =	vtrunc.f32 v7  }
0x102: {  	v8 =	vcvt.f32.s32 v8;
	_ =	sdelay $0x1  }
0x103: {  	v9 =	vcvt.s32.f32 v8;
	_ =	sdelay $0x1  }
0x104: {  	v7 =	vsub.f32 v7, v9;
	_ =	sdelay $0x1  }
0x105: {  	v9 =	vadd.f32 v7, v7;
	_ =	sdelay $0x1  }
0x106: {  	v9 =	vsub.f32 $3.000000000e+00, v9;
	_ =	sdelay $0x1  }
0x107: {  	v10 =	vadd.s32 s13, v2;
	v9 =	vmul.f32 v9, v7;
	_ =	sdelay $0x1  }
0x108: {  	v7 =	vmul.f32 v9, v7;
	_ =	sdelay $0x1  }
0x109: {  	[tilespmem:s0+$0xFFFFFE00] =	vst v7  }
0x10a: {  	v7 =	vld.idx.msk [tilespmem:v10+s30+$0x0], $0xffff;
	_ =	sdelay $0x5  }
0x10b: {  	v7 =	vmul.f32 $2.560000000e+02, v7;
	_ =	sdelay $0x1  }
0x10c: {  	v9 =	vtrunc.f32 v7  }
0x10d: {  	v9 =	vcvt.f32.s32 v9;
	_ =	sdelay $0x1  }
0x10e: {  	v10 =	vcvt.s32.f32 v9;
	v9 =	vmul.u32 $0x101, v9;
	_ =	sdelay $0x1  }
0x10f: {  	v7 =	vsub.f32 v7, v10;
	_ =	sdelay $0x1  }
0x110: {  	v10 =	vadd.f32 v7, v7;
	_ =	sdelay $0x1  }
0x111: {  	v10 =	vsub.f32 $3.000000000e+00, v10;
	_ =	sdelay $0x1  }
0x112: {  	v11 =	vadd.s32 s13, v3;
	v10 =	vmul.f32 v10, v7;
	_ =	sdelay $0x1  }
0x113: {  	v7 =	vmul.f32 v10, v7;
	_ =	sdelay $0x1  }
0x114: {  	[tilespmem:s0+$0x0] =	vst v7  }
0x115: {  	v7 =	vld.idx.msk [tilespmem:v11+s30+$0x0], $0xffff;
	_ =	sdelay $0x5  }
0x116: {  	v7 =	vmul.f32 $2.560000000e+02, v7;
	_ =	sdelay $0x1  }
0x117: {  	v8 =	vmul.u32 $0x10201, v8;
	v10 =	vtrunc.f32 v7  }
0x118: {  	v10 =	vcvt.f32.s32 v10  }
0x119: {  	v8 =	vadd.s32 v8, v9  }
0x11a: {  	v9 =	vcvt.s32.f32 v10;
	v8 =	vadd.s32 v10, v8;
	_ =	sdelay $0x1  }
0x11b: {  	v7 =	vsub.f32 v7, v9;
	_ =	sdelay $0x1  }
0x11c: {  	v9 =	vadd.f32 v7, v7;
	_ =	sdelay $0x1  }
0x11d: {  	v9 =	vsub.f32 $3.000000000e+00, v9;
	_ =	sdelay $0x1  }
0x11e: {  	v9 =	vmul.f32 v9, v7  }
.Ltmp1:
0x11f: {  	(pc) =	sbr.rel @p0 .LBB2_5-.Ltmp1, $4  }
0x120: {  	v9 =	vmul.f32 v9, v7  }
0x121: {  	v7 =	vshll.u32 v8, $0x2  }
0x122: {  	v8 =	vor.u32 $0x1, v7;
	[tilespmem:s0+$0x200] =	vst v9;
	v9 =	vor.u32 $0x2, v7  }
0x123: {  	[tilespmem:s14+$0x200] =	vst v9  }
0x124: {  	[tilespmem:s10+$0xFFFFFE00] =	vst v7  }
0x125: {  	[tilespmem:s10+$0x0] =	vst v8;
	v8 =	vor.u32 $0x3, v7;
	s0 =	sand.u32 $0x1F0, s15  }
0x126: {  	v9 =	vadd.s32 $0x40C0E, v7;
	[tilespmem:s0+$0xA000] =	vst v8  }
0x127: {  	v8 =	vadd.s32 $0x40C0F, v7;
	[tilespmem:s0+$0xD600] =	vst v9  }
0x128: {  	v9 =	vadd.s32 $0x40C0C, v7;
	[tilespmem:s0+$0xD800] =	vst v8  }
0x129: {  	v8 =	vadd.s32 $0x40C0D, v7;
	[tilespmem:s0+$0xD200] =	vst v9  }
0x12a: {  	v9 =	vadd.s32 $0x40C0A, v7;
	[tilespmem:s0+$0xD400] =	vst v8  }
0x12b: {  	v8 =	vadd.s32 $0x40C0B, v7;
	[tilespmem:s0+$0xCE00] =	vst v9  }
0x12c: {  	v9 =	vadd.s32 $0x40C08, v7;
	[tilespmem:s0+$0xD000] =	vst v8  }
0x12d: {  	v8 =	vadd.s32 $0x40C09, v7;
	[tilespmem:s0+$0xCA00] =	vst v9  }
0x12e: {  	v9 =	vadd.s32 $0x4080A, v7;
	[tilespmem:s0+$0xCC00] =	vst v8  }
0x12f: {  	v8 =	vadd.s32 $0x4080B, v7;
	[tilespmem:s0+$0xC600] =	vst v9  }
0x130: {  	v9 =	vadd.s32 $0x40808, v7;
	[tilespmem:s0+$0xC800] =	vst v8  }
0x131: {  	v8 =	vadd.s32 $0x40809, v7;
	[tilespmem:s0+$0xC200] =	vst v9  }
0x132: {  	v9 =	vadd.s32 $0x40806, v7;
	[tilespmem:s0+$0xC400] =	vst v8  }
0x133: {  	v8 =	vadd.s32 $0x40807, v7;
	[tilespmem:s0+$0xBE00] =	vst v9  }
0x134: {  	v9 =	vadd.s32 $0x40804, v7;
	[tilespmem:s0+$0xC000] =	vst v8  }
0x135: {  	v8 =	vadd.s32 $0x40805, v7;
	[tilespmem:s0+$0xBA00] =	vst v9  }
0x136: {  	v9 =	vadd.s32 $0x40A, v7;
	[tilespmem:s0+$0xBC00] =	vst v8  }
0x137: {  	v8 =	vadd.s32 $0x40B, v7;
	[tilespmem:s0+$0xB600] =	vst v9  }
0x138: {  	v9 =	vadd.s32 $0x408, v7;
	[tilespmem:s0+$0xB800] =	vst v8  }
0x139: {  	v8 =	vadd.s32 $0x409, v7;
	[tilespmem:s0+$0xB200] =	vst v9  }
0x13a: {  	v9 =	vadd.s32 $0x406, v7;
	[tilespmem:s0+$0xB400] =	vst v8  }
0x13b: {  	v8 =	vadd.s32 $0x407, v7;
	[tilespmem:s0+$0xAE00] =	vst v9  }
0x13c: {  	v9 =	vadd.s32 $0x404, v7;
	[tilespmem:s0+$0xB000] =	vst v8  }
0x13d: {  	v8 =	vadd.s32 $0x405, v7;
	[tilespmem:s0+$0xAA00] =	vst v9  }
0x13e: {  	v9 =	vadd.s32 $0x6, v7;
	[tilespmem:s0+$0xAC00] =	vst v8  }
0x13f: {  	v8 =	vadd.s32 $0x7, v7;
	[tilespmem:s0+$0xA600] =	vst v9  }
0x140: {  	[tilespmem:s0+$0xA800] =	vst v8;
	v8 =	vadd.s32 $0x5, v7  }
0x141: {  	v7 =	vadd.s32 $0x4, v7;
	[tilespmem:s0+$0xA400] =	vst v8  }
0x142: {  	s15 =	simm.s32 $0x9A00;
	s7 =	simm.s32 $0xE000;
	[tilespmem:s0+$0xA200] =	vst v7  }
0x143: {  	[tilespmem:s7], [sflag:$0x2] =	stream.indirect.gather [hbm4b:s3+s12], $0x1, s15, s12, $0xb8;
	[tilespmem:$0x12800] =	vst v63  }
0x144: {  	s16 =	simm.s32 $0xA200;
	s17 =	simm.s32 $0xE800  }
0x145: {  	[tilespmem:s17], [sflag:$0x2] =	stream.indirect.gather [hbm4b:s3+s12], $0x1, s16, s12, $0xb8;
	[tilespmem:$0x12800] =	vst v63  }
0x146: {  	s10 =	simm.s32 $0xF000;
	s7 =	simm.s32 $0xAA00  }
0x147: {  	[tilespmem:s10], [sflag:$0x2] =	stream.indirect.gather [hbm4b:s3+s12], $0x1, s7, s12, $0xb8;
	[tilespmem:$0x12800] =	vst v63  }
0x148: {  	s13 =	simm.s32 $0xB200;
	s14 =	simm.s32 $0xF800  }
0x149: {  	[tilespmem:s14], [sflag:$0x2] =	stream.indirect.gather [hbm4b:s3+s12], $0x1, s13, s12, $0xb8;
	[tilespmem:$0x12800] =	vst v63  }
0x14a: {  	s15 =	simm.s32 $0xBA00;
	s16 =	simm.s32 $0x10000  }
0x14b: {  	[tilespmem:s16], [sflag:$0x2] =	stream.indirect.gather [hbm4b:s3+s12], $0x1, s15, s12, $0xb8;
	[tilespmem:$0x12800] =	vst v63  }
0x14c: {  	_ = 	snop  }
0x14d: {  	[tilespmem:s19], [sflag:$0x2] =	stream.indirect.gather [hbm4b:s3+s12], $0x1, s18, s12, $0xb8;
	[tilespmem:$0x12800] =	vst v63  }
0x14e: {  	_ = 	snop  }
0x14f: {  	[tilespmem:s21], [sflag:$0x2] =	stream.indirect.gather [hbm4b:s3+s12], $0x1, s20, s12, $0xb8;
	[tilespmem:$0x12800] =	vst v63  }
0x150: {  	_ = 	snop  }
0x151: {  	[tilespmem:s23], [sflag:$0x2] =	stream.indirect.gather [hbm4b:s3+s12], $0x1, s22, s12, $0xb8;
	[tilespmem:$0x12800] =	vst v63  }
0x152: {  	_ =	swait.ge [sflag:s24], $0x4000  }
0x153: {  	s0 =	simm.s32 $0x0;
	[sflag:s24] =	ssyncset.done $0x0  }
0x154: {  	s7 =	sand.u32 $0x1F0, s0;
	[sflag:s24] =	ssyncadd.s32 $0xFFFFC000  }
0x155: {  	v8 =	vld [tilespmem:s7+$0x8400]  }
0x156: {  	v9 =	vld [tilespmem:s7+$0x7400]  }
0x157: {  	s17 =	simm.s32 $0x0;
	v10 =	vld [tilespmem:s7+$0x6400]  }
0x158: {  	v11 =	vld [tilespmem:s17+$0x4C00]  }
0x159: {  	v12 =	vld [tilespmem:s7+$0x7C00]  }
0x15a: {  	v13 =	vld [tilespmem:s7+$0x5C00]  }
0x15b: {  	v14 =	vld [tilespmem:s7+$0x5400]  }
0x15c: {  	v15 =	vld [tilespmem:s7+$0x6C00]  }
0x15d: {  	v7 =	vld [tilespmem:s17+$0x4A00];
	_ =	sdelay $0x2  }
0x15e: {  	v8 =	vsub.f32 v8, v12;
	v10 =	vsub.f32 v10, v13  }
0x15f: {  	v14 =	vsub.f32 v14, v11;
	v9 =	vsub.f32 v9, v15  }
0x160: {  	v8 =	vmul.f32 v8, v7;
	v10 =	vmul.f32 v10, v7  }
0x161: {  	v14 =	vmul.f32 v14, v7;
	v9 =	vmul.f32 v9, v7  }
0x162: {  	v12 =	vadd.f32 v8, v12;
	v8 =	vld [tilespmem:s17+$0x4800];
	v10 =	vadd.f32 v10, v13  }
0x163: {  	v11 =	vadd.f32 v14, v11;
	v50 =	vadd.f32 v9, v15;
	_ =	sdelay $0x1  }
0x164: {  	v9 =	vsub.f32 v10, v11;
	v10 =	vsub.f32 v12, v50;
	_ =	sdelay $0x1  }
0x165: {  	v51 =	vmul.f32 v9, v8;
	v10 =	vmul.f32 v10, v8  }
0x166: {  	v9 =	vld [tilespmem:s17+$0x4600]  }
0x167: {  	v11 =	vadd.f32 v51, v11;
	v10 =	vadd.f32 v10, v50;
	_ =	sdelay $0x1  }
0x168: {  	v10 =	vsub.f32 v10, v11  }
0x169: {  	v52 =	vor.u32 s0, v1  }
0x16a: {  	v10 =	vmul.f32 v10, v9;
	_ =	sdelay $0x1  }
0x16b: {  	v10 =	vadd.f32 v10, v11;
	_ =	sdelay $0x1  }
0x16c: {  	[tilespmem:v52+s25+$0x0] =	vst.idx.msk $0xffff, v10  }
0x16d: {  	v10 =	vld [tilespmem:s7+$0x8600]  }
0x16e: {  	v11 =	vld [tilespmem:s7+$0x6600]  }
0x16f: {  	v12 =	vld [tilespmem:s7+$0x5600]  }
0x170: {  	v53 =	vld [tilespmem:s7+$0x7600]  }
0x171: {  	v54 =	vld [tilespmem:s7+$0x7E00]  }
0x172: {  	v55 =	vld [tilespmem:s7+$0x5E00]  }
0x173: {  	v16 =	vld [tilespmem:s17+$0x4E00]  }
0x174: {  	v17 =	vld [tilespmem:s7+$0x6E00];
	_ =	sdelay $0x3  }
0x175: {  	v10 =	vsub.f32 v10, v54;
	v11 =	vsub.f32 v11, v55  }
0x176: {  	v12 =	vsub.f32 v12, v16;
	v13 =	vsub.f32 v53, v17  }
0x177: {  	v10 =	vmul.f32 v10, v7;
	v11 =	vmul.f32 v11, v7  }
0x178: {  	v12 =	vmul.f32 v12, v7;
	v13 =	vmul.f32 v13, v7  }
0x179: {  	v10 =	vadd.f32 v10, v54;
	v11 =	vadd.f32 v11, v55  }
0x17a: {  	v12 =	vadd.f32 v12, v16;
	v13 =	vadd.f32 v13, v17;
	_ =	sdelay $0x1  }
0x17b: {  	v11 =	vsub.f32 v11, v12;
	v10 =	vsub.f32 v10, v13;
	_ =	sdelay $0x1  }
0x17c: {  	v11 =	vmul.f32 v11, v8;
	v10 =	vmul.f32 v10, v8;
	_ =	sdelay $0x1  }
0x17d: {  	v11 =	vadd.f32 v11, v12;
	v10 =	vadd.f32 v10, v13;
	_ =	sdelay $0x1  }
0x17e: {  	v10 =	vsub.f32 v10, v11  }
0x17f: {  	v56 =	vor.u32 s0, v4  }
0x180: {  	v10 =	vmul.f32 v10, v9;
	_ =	sdelay $0x1  }
0x181: {  	v10 =	vadd.f32 v10, v11;
	_ =	sdelay $0x1  }
0x182: {  	[tilespmem:v56+s25+$0x0] =	vst.idx.msk $0xffff, v10  }
0x183: {  	v10 =	vld [tilespmem:s7+$0x8800]  }
0x184: {  	v11 =	vld [tilespmem:s7+$0x5800]  }
0x185: {  	v12 =	vld [tilespmem:s7+$0x8000]  }
0x186: {  	v57 =	vld [tilespmem:s7+$0x6000]  }
0x187: {  	v58 =	vld [tilespmem:s7+$0x7800]  }
0x188: {  	v59 =	vld [tilespmem:s7+$0x7000]  }
0x189: {  	v60 =	vld [tilespmem:s17+$0x5000]  }
0x18a: {  	v61 =	vld [tilespmem:s7+$0x6800];
	_ =	sdelay $0x3  }
0x18b: {  	v10 =	vsub.f32 v10, v12;
	v14 =	vsub.f32 v58, v59  }
0x18c: {  	v11 =	vsub.f32 v11, v60;
	v17 =	vsub.f32 v61, v57  }
0x18d: {  	v10 =	vmul.f32 v10, v7;
	v14 =	vmul.f32 v14, v7  }
0x18e: {  	v11 =	vmul.f32 v11, v7;
	v17 =	vmul.f32 v17, v7  }
0x18f: {  	v10 =	vadd.f32 v10, v12;
	v62 =	vadd.f32 v14, v59  }
0x190: {  	v11 =	vadd.f32 v11, v60;
	v13 =	vadd.f32 v17, v57;
	_ =	sdelay $0x1  }
0x191: {  	v10 =	vsub.f32 v10, v62;
	v13 =	vsub.f32 v13, v11;
	_ =	sdelay $0x1  }
0x192: {  	v13 =	vmul.f32 v13, v8;
	v10 =	vmul.f32 v10, v8;
	_ =	sdelay $0x1  }
0x193: {  	v11 =	vadd.f32 v13, v11;
	v10 =	vadd.f32 v10, v62;
	_ =	sdelay $0x1  }
0x194: {  	v10 =	vsub.f32 v10, v11  }
0x195: {  	v63 =	vor.u32 s0, v5  }
0x196: {  	v10 =	vmul.f32 v10, v9;
	_ =	sdelay $0x1  }
0x197: {  	v10 =	vadd.f32 v10, v11;
	_ =	sdelay $0x1  }
0x198: {  	[tilespmem:v63+s25+$0x0] =	vst.idx.msk $0xffff, v10  }
0x199: {  	s10 =	simm.s32 $0x0;
	s13 =	simm.s32 $0x10;
	v10 =	vld [tilespmem:s7+$0x5200]  }
.LBB2_7:
0x19a: {  	p0 =	sne.s32 s13, $0x1F0  }
0x19b: {  	v11 =	vld [tilespmem:s7+$0x8A00];
	s0 =	sadd.s32 $0x40, s0;
	s15 =	smov.u32 s13;
	s13 =	sadd.s32 $0x10, s13  }
0x19c: {  	v12 =	vld [tilespmem:s7+$0x8200]  }
0x19d: {  	v13 =	vld [tilespmem:s7+$0x7A00]  }
0x19e: {  	v14 =	vld [tilespmem:s7+$0x7200]  }
0x19f: {  	v15 =	vld [tilespmem:s7+$0x5A00]  }
0x1a0: {  	v16 =	vld [tilespmem:s7+$0x6A00]  }
0x1a1: {  	v17 =	vld [tilespmem:s7+$0x6200];
	v11 =	vsub.f32 v11, v12;
	_ =	sdelay $0x1  }
0x1a2: {  	v13 =	vsub.f32 v13, v14;
	v11 =	vmul.f32 v11, v7  }
0x1a3: {  	v15 =	vsub.f32 v15, v10  }
0x1a4: {  	v13 =	vmul.f32 v13, v7;
	v11 =	vadd.f32 v11, v12  }
0x1a5: {  	v12 =	vmul.f32 v15, v7;
	v15 =	vsub.f32 v16, v17  }
0x1a6: {  	v13 =	vadd.f32 v13, v14  }
0x1a7: {  	v10 =	vadd.f32 v12, v10;
	v7 =	vmul.f32 v15, v7  }
0x1a8: {  	v11 =	vsub.f32 v11, v13  }
0x1a9: {  	v7 =	vadd.f32 v7, v17  }
0x1aa: {  	v11 =	vmul.f32 v11, v8  }
0x1ab: {  	v7 =	vsub.f32 v7, v10  }
0x1ac: {  	v11 =	vadd.f32 v11, v13  }
0x1ad: {  	v7 =	vmul.f32 v7, v8;
	_ =	sdelay $0x1  }
0x1ae: {  	v7 =	vadd.f32 v7, v10;
	_ =	sdelay $0x1  }
0x1af: {  	v10 =	vor.u32 s10, v6;
	s10 =	smov.u32 s0;
	v8 =	vsub.f32 v11, v7;
	_ =	sdelay $0x1  }
0x1b0: {  	v8 =	vmul.f32 v8, v9;
	_ =	sdelay $0x1  }
0x1b1: {  	v7 =	vadd.f32 v8, v7;
	_ =	sdelay $0x1  }
0x1b2: {  	s14 =	sshra.s32 s0, $0x2;
	s7 =	sand.u32 $0x1F0, s15;
	[tilespmem:v10+s25+$0x0] =	vst.idx.msk $0xffff, v7  }
0x1b3: {  	v7 =	vld [tilespmem:s14+$0x4A00]  }
0x1b4: {  	v8 =	vld [tilespmem:s7+$0x8400]  }
0x1b5: {  	v9 =	vld [tilespmem:s7+$0x7400]  }
0x1b6: {  	v10 =	vld [tilespmem:s7+$0x6400]  }
0x1b7: {  	v11 =	vld [tilespmem:s14+$0x4C00]  }
0x1b8: {  	v12 =	vld [tilespmem:s7+$0x7C00]  }
0x1b9: {  	v13 =	vld [tilespmem:s7+$0x5C00]  }
0x1ba: {  	v14 =	vld [tilespmem:s7+$0x5400]  }
0x1bb: {  	v15 =	vld [tilespmem:s7+$0x6C00];
	_ =	sdelay $0x1  }
0x1bc: {  	v8 =	vsub.f32 v8, v12  }
0x1bd: {  	v10 =	vsub.f32 v10, v13  }
0x1be: {  	v14 =	vsub.f32 v14, v11;
	v8 =	vmul.f32 v8, v7  }
0x1bf: {  	v10 =	vmul.f32 v10, v7;
	v9 =	vsub.f32 v9, v15  }
0x1c0: {  	v14 =	vmul.f32 v14, v7;
	v12 =	vadd.f32 v8, v12  }
0x1c1: {  	v8 =	vld [tilespmem:s14+$0x4800];
	v10 =	vadd.f32 v10, v13;
	v9 =	vmul.f32 v9, v7  }
0x1c2: {  	v11 =	vadd.f32 v14, v11  }
0x1c3: {  	v13 =	vadd.f32 v9, v15  }
0x1c4: {  	v9 =	vsub.f32 v10, v11  }
0x1c5: {  	v10 =	vsub.f32 v12, v13  }
0x1c6: {  	v12 =	vmul.f32 v9, v8  }
0x1c7: {  	v10 =	vmul.f32 v10, v8  }
0x1c8: {  	v9 =	vld [tilespmem:s14+$0x4600]  }
0x1c9: {  	v11 =	vadd.f32 v12, v11;
	v10 =	vadd.f32 v10, v13;
	_ =	sdelay $0x1  }
0x1ca: {  	v10 =	vsub.f32 v10, v11  }
0x1cb: {  	v12 =	vor.u32 s0, v1  }
0x1cc: {  	v10 =	vmul.f32 v10, v9;
	_ =	sdelay $0x1  }
0x1cd: {  	v10 =	vadd.f32 v10, v11;
	_ =	sdelay $0x1  }
0x1ce: {  	[tilespmem:v12+s25+$0x0] =	vst.idx.msk $0xffff, v10  }
0x1cf: {  	v10 =	vld [tilespmem:s7+$0x8600]  }
0x1d0: {  	v11 =	vld [tilespmem:s7+$0x6600]  }
0x1d1: {  	v12 =	vld [tilespmem:s7+$0x5600]  }
0x1d2: {  	v13 =	vld [tilespmem:s7+$0x7600]  }
0x1d3: {  	v14 =	vld [tilespmem:s7+$0x7E00]  }
0x1d4: {  	v15 =	vld [tilespmem:s7+$0x5E00]  }
0x1d5: {  	v16 =	vld [tilespmem:s14+$0x4E00]  }
0x1d6: {  	v17 =	vld [tilespmem:s7+$0x6E00];
	_ =	sdelay $0x1  }
0x1d7: {  	v10 =	vsub.f32 v10, v14  }
0x1d8: {  	v11 =	vsub.f32 v11, v15  }
0x1d9: {  	v12 =	vsub.f32 v12, v16;
	v10 =	vmul.f32 v10, v7  }
0x1da: {  	v11 =	vmul.f32 v11, v7;
	v13 =	vsub.f32 v13, v17  }
0x1db: {  	v12 =	vmul.f32 v12, v7;
	v10 =	vadd.f32 v10, v14  }
0x1dc: {  	v11 =	vadd.f32 v11, v15;
	v13 =	vmul.f32 v13, v7  }
0x1dd: {  	v12 =	vadd.f32 v12, v16  }
0x1de: {  	v13 =	vadd.f32 v13, v17  }
0x1df: {  	v11 =	vsub.f32 v11, v12  }
0x1e0: {  	v10 =	vsub.f32 v10, v13  }
0x1e1: {  	v11 =	vmul.f32 v11, v8  }
0x1e2: {  	v10 =	vmul.f32 v10, v8;
	_ =	sdelay $0x1  }
0x1e3: {  	v11 =	vadd.f32 v11, v12;
	v10 =	vadd.f32 v10, v13;
	_ =	sdelay $0x1  }
0x1e4: {  	v10 =	vsub.f32 v10, v11  }
0x1e5: {  	v12 =	vor.u32 s0, v4  }
0x1e6: {  	v10 =	vmul.f32 v10, v9;
	_ =	sdelay $0x1  }
0x1e7: {  	v10 =	vadd.f32 v10, v11;
	_ =	sdelay $0x1  }
0x1e8: {  	[tilespmem:v12+s25+$0x0] =	vst.idx.msk $0xffff, v10  }
0x1e9: {  	v10 =	vld [tilespmem:s7+$0x8800]  }
0x1ea: {  	v11 =	vld [tilespmem:s7+$0x5800]  }
0x1eb: {  	v12 =	vld [tilespmem:s7+$0x8000]  }
0x1ec: {  	v13 =	vld [tilespmem:s7+$0x6000]  }
0x1ed: {  	v14 =	vld [tilespmem:s7+$0x7800]  }
0x1ee: {  	v15 =	vld [tilespmem:s7+$0x7000]  }
0x1ef: {  	v16 =	vld [tilespmem:s14+$0x5000]  }
0x1f0: {  	v17 =	vld [tilespmem:s7+$0x6800];
	_ =	sdelay $0x1  }
0x1f1: {  	v10 =	vsub.f32 v10, v12  }
0x1f2: {  	v14 =	vsub.f32 v14, v15  }
0x1f3: {  	v10 =	vmul.f32 v10, v7;
	v11 =	vsub.f32 v11, v16  }
0x1f4: {  	v17 =	vsub.f32 v17, v13;
	v14 =	vmul.f32 v14, v7  }
0x1f5: {  	v10 =	vadd.f32 v10, v12;
	v11 =	vmul.f32 v11, v7  }
0x1f6: {  	v12 =	vmul.f32 v17, v7;
	v14 =	vadd.f32 v14, v15;
	_ =	sdelay $0x1  }
0x1f7: {  	v11 =	vadd.f32 v11, v16;
	v12 =	vadd.f32 v12, v13  }
0x1f8: {  	v10 =	vsub.f32 v10, v14  }
0x1f9: {  	v12 =	vsub.f32 v12, v11;
	_ =	sdelay $0x1  }
0x1fa: {  	v10 =	vmul.f32 v10, v8;
	v12 =	vmul.f32 v12, v8;
	_ =	sdelay $0x1  }
0x1fb: {  	v10 =	vadd.f32 v10, v14;
	v11 =	vadd.f32 v12, v11;
	_ =	sdelay $0x1  }
0x1fc: {  	v10 =	vsub.f32 v10, v11  }
0x1fd: {  	v12 =	vor.u32 s0, v5  }
0x1fe: {  	v10 =	vmul.f32 v10, v9  }
.Ltmp2:
0x1ff: {  	(pc) =	sbr.rel @p0 .LBB2_7-.Ltmp2, $3  }
0x200: {  	v10 =	vadd.f32 v10, v11;
	_ =	sdelay $0x1  }
0x201: {  	[tilespmem:v12+s25+$0x0] =	vst.idx.msk $0xffff, v10  }
0x202: {  	v10 =	vld [tilespmem:s7+$0x5200]  }
0x203: {  	v11 =	vld [tilespmem:s7+$0x8A00]  }
0x204: {  	v12 =	vld [tilespmem:s7+$0x8200]  }
0x205: {  	v13 =	vld [tilespmem:s7+$0x7A00]  }
0x206: {  	v14 =	vld [tilespmem:s7+$0x7200]  }
0x207: {  	v15 =	vld [tilespmem:s7+$0x5A00]  }
0x208: {  	v16 =	vld [tilespmem:s7+$0x6A00]  }
0x209: {  	v17 =	vld [tilespmem:s7+$0x6200];
	_ =	sdelay $0x3  }
0x20a: {  	v11 =	vsub.f32 v11, v12;
	v13 =	vsub.f32 v13, v14  }
0x20b: {  	v15 =	vsub.f32 v15, v10;
	v16 =	vsub.f32 v16, v17  }
0x20c: {  	v11 =	vmul.f32 v11, v7;
	v13 =	vmul.f32 v13, v7  }
0x20d: {  	v15 =	vmul.f32 v15, v7;
	v7 =	vmul.f32 v16, v7  }
0x20e: {  	v11 =	vadd.f32 v11, v12;
	v61 =	vadd.f32 v13, v14  }
0x20f: {  	v62 =	vadd.f32 v15, v10;
	v7 =	vadd.f32 v7, v17;
	_ =	sdelay $0x1  }
0x210: {  	v11 =	vsub.f32 v11, v61;
	v7 =	vsub.f32 v7, v62;
	_ =	sdelay $0x1  }
0x211: {  	v11 =	vmul.f32 v11, v8;
	v7 =	vmul.f32 v7, v8;
	_ =	sdelay $0x1  }
0x212: {  	v8 =	vadd.f32 v11, v61;
	v7 =	vadd.f32 v7, v62;
	_ =	sdelay $0x1  }
0x213: {  	v8 =	vsub.f32 v8, v7  }
0x214: {  	v63 =	vor.u32 s10, v6  }
0x215: {  	s0 =	sadd.s32 s6, s2;
	v8 =	vmul.f32 v8, v9  }
0x216: {  	s0 =	sshll.u32 s0, $0x9  }
0x217: {  	s0 =	smin.u32 s0, $0xF4040;
	v7 =	vadd.f32 v8, v7  }
0x218: {  	p0 =	seq.s32 s9, $0x1E;
	s0 =	sshrl.u32 s0, $0x1  }
.Ltmp3:
0x219: {  	s0 =	sadd.s32 s4, s0;
	[tilespmem:v63+s25+$0x0] =	vst.idx.msk $0xffff, v7;
	(pc) =	sbr.rel @p0 .LBB2_12-.Ltmp3, $4  }
0x21a: {  	[hbm4b:s0+s5] =	stream.linear.scatter [tilespmem:s25], [sflag:$0x3], $0x800, $0x38;
	[tilespmem:$0x12800] =	vst v63  }
0x21b: {  	_ =	swait.ge [sflag:s11], $0x800  }
0x21c: {  	[sflag:s11] =	ssyncset.done $0x0  }
0x21d: {  	[sflag:s11] =	ssyncadd.s32 $0xFFFFF800  }
0x21e: {  	s0 =	rddreg [dreg:$0x5]  }
0x21f: {  	s0 =	sadd.s32 s0, s2  }
0x220: {  	s0 =	sshll.u32 s0, $0x9  }
0x221: {  	s0 =	smin.u32 s0, $0xF4040  }
0x222: {  	s0 =	smul.u32 $0x3, s0;
	_ =	sdelay $0x1  }
0x223: {  	s17 =	sshrl.u32 s0, $0x3;
	s0 =	simm.s32 $0x0  }
0x224: {  	s2 =	sadd.s32 s1, s17;
	v7 =	vadd.s32 s0, v0  }
0x225: {  	[tilespmem:s0], [sflag:$0x3] =	stream.linear.gather [hbm4b:s2+s0], $0x600, $0x38;
	[tilespmem:$0x12800] =	vst v63  }
0x226: {  	_ =	swait.ge [sflag:s11], $0x600  }
0x227: {  	[sflag:s11] =	ssyncset.done $0x0  }
0x228: {  	[sflag:s11] =	ssyncadd.s32 $0xFFFFFA00  }
0x229: {  	v7 =	vld.idx.msk [tilespmem:v7+s5+$0x0], $0xffff;
	_ =	sdelay $0x4  }
0x22a: {  	v7 =	vmul.f32 $2.560000000e+02, v7;
	_ =	sdelay $0x1  }
0x22b: {  	v8 =	vtrunc.f32 v7  }
0x22c: {  	v8 =	vcvt.f32.s32 v8;
	_ =	sdelay $0x1  }
0x22d: {  	v9 =	vcvt.s32.f32 v8;
	_ =	sdelay $0x1  }
0x22e: {  	v7 =	vsub.f32 v7, v9;
	_ =	sdelay $0x1  }
0x22f: {  	v9 =	vadd.f32 v7, v7;
	_ =	sdelay $0x1  }
0x230: {  	v9 =	vsub.f32 $3.000000000e+00, v9;
	_ =	sdelay $0x1  }
0x231: {  	v10 =	vadd.s32 s0, v2;
	v9 =	vmul.f32 v9, v7;
	_ =	sdelay $0x1  }
0x232: {  	v7 =	vmul.f32 v9, v7  }
0x233: {  	s2 =	simm.s32 $0x4800  }
0x234: {  	[tilespmem:s2+$0xFFFFFE00] =	vst v7  }
0x235: {  	v7 =	vld.idx.msk [tilespmem:v10+s5+$0x0], $0xffff;
	_ =	sdelay $0x4  }
0x236: {  	v7 =	vmul.f32 $2.560000000e+02, v7;
	_ =	sdelay $0x1  }
0x237: {  	v9 =	vtrunc.f32 v7  }
0x238: {  	v9 =	vcvt.f32.s32 v9;
	_ =	sdelay $0x1  }
0x239: {  	v10 =	vcvt.s32.f32 v9;
	_ =	sdelay $0x1  }
0x23a: {  	v7 =	vsub.f32 v7, v10;
	_ =	sdelay $0x1  }
0x23b: {  	v10 =	vadd.f32 v7, v7;
	_ =	sdelay $0x1  }
0x23c: {  	v10 =	vsub.f32 $3.000000000e+00, v10;
	_ =	sdelay $0x1  }
0x23d: {  	v11 =	vadd.s32 s0, v3;
	v10 =	vmul.f32 v10, v7;
	_ =	sdelay $0x1  }
0x23e: {  	v7 =	vmul.f32 v10, v7;
	_ =	sdelay $0x1  }
0x23f: {  	[tilespmem:s2+$0x0] =	vst v7  }
0x240: {  	v7 =	vld.idx.msk [tilespmem:v11+s5+$0x0], $0xffff;
	_ =	sdelay $0x4  }
0x241: {  	v7 =	vmul.f32 $2.560000000e+02, v7;
	_ =	sdelay $0x1  }
0x242: {  	v10 =	vtrunc.f32 v7  }
0x243: {  	v10 =	vcvt.f32.s32 v10;
	_ =	sdelay $0x1  }
0x244: {  	v11 =	vcvt.s32.f32 v10;
	_ =	sdelay $0x1  }
0x245: {  	v7 =	vsub.f32 v7, v11;
	_ =	sdelay $0x1  }
0x246: {  	v11 =	vadd.f32 v7, v7;
	_ =	sdelay $0x1  }
0x247: {  	v11 =	vsub.f32 $3.000000000e+00, v11  }
0x248: {  	v8 =	vmul.u32 $0x10201, v8;
	v9 =	vmul.u32 $0x101, v9  }
0x249: {  	v11 =	vmul.f32 v11, v7  }
0x24a: {  	v8 =	vadd.s32 v8, v9  }
0x24b: {  	v8 =	vadd.s32 v10, v8;
	v9 =	vmul.f32 v11, v7  }
0x24c: {  	v7 =	vshll.u32 v8, $0x2  }
0x24d: {  	s10 =	simm.s32 $0x800;
	[tilespmem:s2+$0x200] =	vst v9;
	v9 =	vor.u32 $0x2, v7  }
0x24e: {  	s7 =	simm.s32 $0x10;
	s13 =	simm.s32 $0x800;
	s14 =	simm.s32 $0x0;
	v8 =	vor.u32 $0x1, v7;
	[tilespmem:s10+$0x200] =	vst v9  }
.LBB2_10:
0x24f: {  	s0 =	sadd.s32 $0x30, s0  }
0x250: {  	[tilespmem:s10+$0xFFFFFE00] =	vst v7;
	s2 =	sadd.s32 $0x10, s2;
	s13 =	sadd.s32 $0x10, s13;
	s16 =	smov.u32 s7  }
0x251: {  	p0 =	sne.s32 s7, $0x1F0;
	s7 =	sadd.s32 $0x10, s7;
	s15 =	sand.u32 $0x1F0, s14;
	[tilespmem:s10+$0x0] =	vst v8;
	v8 =	vor.u32 $0x3, v7  }
0x252: {  	s10 =	smov.u32 s13;
	s14 =	smov.u32 s16;
	[tilespmem:s15+$0xC00] =	vst v8;
	v8 =	vadd.s32 $0x40C0F, v7  }
0x253: {  	v9 =	vadd.s32 $0x40C0E, v7;
	[tilespmem:s15+$0x4400] =	vst v8  }
0x254: {  	v8 =	vadd.s32 $0x40C0D, v7;
	[tilespmem:s15+$0x4200] =	vst v9  }
0x255: {  	v9 =	vadd.s32 $0x40C0C, v7;
	[tilespmem:s15+$0x4000] =	vst v8  }
0x256: {  	v8 =	vadd.s32 $0x40C0B, v7;
	[tilespmem:s15+$0x3E00] =	vst v9  }
0x257: {  	v9 =	vadd.s32 $0x40C0A, v7;
	[tilespmem:s15+$0x3C00] =	vst v8  }
0x258: {  	v8 =	vadd.s32 $0x40C09, v7;
	[tilespmem:s15+$0x3A00] =	vst v9  }
0x259: {  	v9 =	vadd.s32 $0x40C08, v7;
	[tilespmem:s15+$0x3800] =	vst v8  }
0x25a: {  	v8 =	vadd.s32 $0x4080B, v7;
	[tilespmem:s15+$0x3600] =	vst v9  }
0x25b: {  	v9 =	vadd.s32 $0x4080A, v7;
	[tilespmem:s15+$0x3400] =	vst v8  }
0x25c: {  	v8 =	vadd.s32 $0x40809, v7;
	[tilespmem:s15+$0x3200] =	vst v9  }
0x25d: {  	v9 =	vadd.s32 $0x40808, v7;
	[tilespmem:s15+$0x3000] =	vst v8  }
0x25e: {  	v8 =	vadd.s32 $0x40807, v7;
	[tilespmem:s15+$0x2E00] =	vst v9  }
0x25f: {  	v9 =	vadd.s32 $0x40806, v7;
	[tilespmem:s15+$0x2C00] =	vst v8  }
0x260: {  	v8 =	vadd.s32 $0x40805, v7;
	[tilespmem:s15+$0x2A00] =	vst v9  }
0x261: {  	v9 =	vadd.s32 $0x40804, v7;
	[tilespmem:s15+$0x2800] =	vst v8  }
0x262: {  	v8 =	vadd.s32 $0x40B, v7;
	[tilespmem:s15+$0x2600] =	vst v9  }
0x263: {  	v9 =	vadd.s32 $0x40A, v7;
	[tilespmem:s15+$0x2400] =	vst v8  }
0x264: {  	v8 =	vadd.s32 $0x409, v7;
	[tilespmem:s15+$0x2200] =	vst v9  }
0x265: {  	v9 =	vadd.s32 $0x408, v7;
	[tilespmem:s15+$0x2000] =	vst v8  }
0x266: {  	v8 =	vadd.s32 $0x407, v7;
	[tilespmem:s15+$0x1E00] =	vst v9  }
0x267: {  	v9 =	vadd.s32 $0x406, v7;
	[tilespmem:s15+$0x1C00] =	vst v8  }
0x268: {  	v8 =	vadd.s32 $0x405, v7;
	[tilespmem:s15+$0x1A00] =	vst v9  }
0x269: {  	v9 =	vadd.s32 $0x404, v7;
	[tilespmem:s15+$0x1800] =	vst v8  }
0x26a: {  	v10 =	vadd.s32 $0x7, v7;
	v8 =	vadd.s32 s0, v0;
	[tilespmem:s15+$0x1600] =	vst v9  }
0x26b: {  	v9 =	vadd.s32 $0x6, v7;
	[tilespmem:s15+$0x1400] =	vst v10  }
0x26c: {  	v10 =	vadd.s32 $0x4, v7;
	v7 =	vadd.s32 $0x5, v7;
	[tilespmem:s15+$0x1200] =	vst v9  }
0x26d: {  	[tilespmem:s15+$0x1000] =	vst v7  }
0x26e: {  	[tilespmem:s15+$0xE00] =	vst v10  }
0x26f: {  	v7 =	vld.idx.msk [tilespmem:v8+s5+$0x0], $0xffff;
	_ =	sdelay $0x5  }
0x270: {  	v7 =	vmul.f32 $2.560000000e+02, v7;
	_ =	sdelay $0x1  }
0x271: {  	v8 =	vtrunc.f32 v7  }
0x272: {  	v8 =	vcvt.f32.s32 v8;
	_ =	sdelay $0x1  }
0x273: {  	v9 =	vcvt.s32.f32 v8;
	_ =	sdelay $0x1  }
0x274: {  	v7 =	vsub.f32 v7, v9;
	_ =	sdelay $0x1  }
0x275: {  	v9 =	vadd.f32 v7, v7;
	_ =	sdelay $0x1  }
0x276: {  	v9 =	vsub.f32 $3.000000000e+00, v9;
	_ =	sdelay $0x1  }
0x277: {  	v10 =	vadd.s32 s0, v2;
	v9 =	vmul.f32 v9, v7;
	_ =	sdelay $0x1  }
0x278: {  	v7 =	vmul.f32 v9, v7;
	_ =	sdelay $0x1  }
0x279: {  	[tilespmem:s2+$0xFFFFFE00] =	vst v7  }
0x27a: {  	v7 =	vld.idx.msk [tilespmem:v10+s5+$0x0], $0xffff;
	_ =	sdelay $0x5  }
0x27b: {  	v7 =	vmul.f32 $2.560000000e+02, v7;
	_ =	sdelay $0x1  }
0x27c: {  	v9 =	vtrunc.f32 v7  }
0x27d: {  	v9 =	vcvt.f32.s32 v9;
	_ =	sdelay $0x1  }
0x27e: {  	v10 =	vcvt.s32.f32 v9;
	v9 =	vmul.u32 $0x101, v9;
	_ =	sdelay $0x1  }
0x27f: {  	v7 =	vsub.f32 v7, v10;
	_ =	sdelay $0x1  }
0x280: {  	v10 =	vadd.f32 v7, v7;
	_ =	sdelay $0x1  }
0x281: {  	v10 =	vsub.f32 $3.000000000e+00, v10;
	_ =	sdelay $0x1  }
0x282: {  	v11 =	vadd.s32 s0, v3;
	v10 =	vmul.f32 v10, v7;
	_ =	sdelay $0x1  }
0x283: {  	v7 =	vmul.f32 v10, v7;
	_ =	sdelay $0x1  }
0x284: {  	[tilespmem:s2+$0x0] =	vst v7  }
0x285: {  	v7 =	vld.idx.msk [tilespmem:v11+s5+$0x0], $0xffff;
	_ =	sdelay $0x5  }
0x286: {  	v7 =	vmul.f32 $2.560000000e+02, v7;
	_ =	sdelay $0x1  }
0x287: {  	v8 =	vmul.u32 $0x10201, v8;
	v10 =	vtrunc.f32 v7  }
0x288: {  	v10 =	vcvt.f32.s32 v10  }
0x289: {  	v8 =	vadd.s32 v8, v9  }
0x28a: {  	v9 =	vcvt.s32.f32 v10;
	v8 =	vadd.s32 v10, v8;
	_ =	sdelay $0x1  }
0x28b: {  	v7 =	vsub.f32 v7, v9;
	_ =	sdelay $0x1  }
0x28c: {  	v9 =	vadd.f32 v7, v7;
	_ =	sdelay $0x1  }
0x28d: {  	v9 =	vsub.f32 $3.000000000e+00, v9;
	_ =	sdelay $0x1  }
0x28e: {  	v9 =	vmul.f32 v9, v7  }
.Ltmp4:
0x28f: {  	(pc) =	sbr.rel @p0 .LBB2_10-.Ltmp4, $4  }
0x290: {  	v9 =	vmul.f32 v9, v7  }
0x291: {  	v7 =	vshll.u32 v8, $0x2  }
0x292: {  	v8 =	vor.u32 $0x1, v7;
	[tilespmem:s2+$0x200] =	vst v9;
	v9 =	vor.u32 $0x2, v7  }
0x293: {  	[tilespmem:s13+$0x200] =	vst v9  }
0x294: {  	[tilespmem:s10+$0xFFFFFE00] =	vst v7  }
0x295: {  	[tilespmem:s10+$0x0] =	vst v8;
	v8 =	vor.u32 $0x3, v7;
	s0 =	sand.u32 $0x1F0, s14  }
0x296: {  	v9 =	vadd.s32 $0x40C0E, v7;
	[tilespmem:s0+$0xC00] =	vst v8  }
0x297: {  	v52 =	vadd.s32 $0x40C0C, v7;
	[tilespmem:s0+$0x4200] =	vst v9  }
0x298: {  	v53 =	vadd.s32 $0x40C0A, v7;
	[tilespmem:s0+$0x3E00] =	vst v52  }
0x299: {  	v54 =	vadd.s32 $0x40C08, v7;
	[tilespmem:s0+$0x3A00] =	vst v53  }
0x29a: {  	v55 =	vadd.s32 $0x4080A, v7;
	[tilespmem:s0+$0x3600] =	vst v54  }
0x29b: {  	v56 =	vadd.s32 $0x40808, v7;
	[tilespmem:s0+$0x3200] =	vst v55  }
0x29c: {  	v57 =	vadd.s32 $0x40806, v7;
	[tilespmem:s0+$0x2E00] =	vst v56  }
0x29d: {  	v58 =	vadd.s32 $0x40804, v7;
	[tilespmem:s0+$0x2A00] =	vst v57  }
0x29e: {  	v59 =	vadd.s32 $0x40A, v7;
	[tilespmem:s0+$0x2600] =	vst v58  }
0x29f: {  	v60 =	vadd.s32 $0x408, v7;
	[tilespmem:s0+$0x2200] =	vst v59  }
0x2a0: {  	v61 =	vadd.s32 $0x406, v7;
	[tilespmem:s0+$0x1E00] =	vst v60  }
0x2a1: {  	v62 =	vadd.s32 $0x404, v7;
	[tilespmem:s0+$0x1A00] =	vst v61  }
0x2a2: {  	v63 =	vadd.s32 $0x6, v7;
	[tilespmem:s0+$0x1600] =	vst v62  }
0x2a3: {  	v8 =	vadd.s32 $0x40C0F, v7;
	[tilespmem:s0+$0x1200] =	vst v63  }
0x2a4: {  	[tilespmem:s0+$0x4400] =	vst v8;
	v8 =	vadd.s32 $0x40C0D, v7  }
0x2a5: {  	[tilespmem:s0+$0x4000] =	vst v8;
	v8 =	vadd.s32 $0x40C0B, v7  }
0x2a6: {  	[tilespmem:s0+$0x3C00] =	vst v8;
	v8 =	vadd.s32 $0x40C09, v7  }
0x2a7: {  	[tilespmem:s0+$0x3800] =	vst v8;
	v8 =	vadd.s32 $0x4080B, v7  }
0x2a8: {  	[tilespmem:s0+$0x3400] =	vst v8;
	v8 =	vadd.s32 $0x40809, v7  }
0x2a9: {  	[tilespmem:s0+$0x3000] =	vst v8;
	v8 =	vadd.s32 $0x40807, v7  }
0x2aa: {  	[tilespmem:s0+$0x2C00] =	vst v8;
	v8 =	vadd.s32 $0x40805, v7  }
0x2ab: {  	[tilespmem:s0+$0x2800] =	vst v8;
	v8 =	vadd.s32 $0x40B, v7  }
0x2ac: {  	[tilespmem:s0+$0x2400] =	vst v8;
	v8 =	vadd.s32 $0x409, v7  }
0x2ad: {  	[tilespmem:s0+$0x2000] =	vst v8;
	v8 =	vadd.s32 $0x407, v7  }
0x2ae: {  	[tilespmem:s0+$0x1C00] =	vst v8;
	v8 =	vadd.s32 $0x405, v7  }
0x2af: {  	[tilespmem:s0+$0x1800] =	vst v8;
	v8 =	vadd.s32 $0x7, v7  }
0x2b0: {  	[tilespmem:s0+$0x1400] =	vst v8;
	v8 =	vadd.s32 $0x5, v7  }
0x2b1: {  	v7 =	vadd.s32 $0x4, v7;
	[tilespmem:s0+$0x1000] =	vst v8  }
0x2b2: {  	s7 =	simm.s32 $0x600;
	s2 =	simm.s32 $0x4C00;
	[tilespmem:s0+$0xE00] =	vst v7  }
0x2b3: {  	[tilespmem:s2], [sflag:$0x1] =	stream.indirect.gather [hbm4b:s3+s12], $0x1, s7, s12, $0xb8;
	[tilespmem:$0x12800] =	vst v63  }
0x2b4: {  	s10 =	simm.s32 $0xE00;
	s13 =	simm.s32 $0x5400  }
0x2b5: {  	[tilespmem:s13], [sflag:$0x1] =	stream.indirect.gather [hbm4b:s3+s12], $0x1, s10, s12, $0xb8;
	[tilespmem:$0x12800] =	vst v63  }
0x2b6: {  	s14 =	simm.s32 $0x1600;
	s15 =	simm.s32 $0x5C00  }
0x2b7: {  	[tilespmem:s15], [sflag:$0x1] =	stream.indirect.gather [hbm4b:s3+s12], $0x1, s14, s12, $0xb8;
	[tilespmem:$0x12800] =	vst v63  }
0x2b8: {  	s16 =	simm.s32 $0x1E00;
	s17 =	simm.s32 $0x6400  }
0x2b9: {  	[tilespmem:s17], [sflag:$0x1] =	stream.indirect.gather [hbm4b:s3+s12], $0x1, s16, s12, $0xb8;
	[tilespmem:$0x12800] =	vst v63  }
0x2ba: {  	s2 =	simm.s32 $0x2600;
	s7 =	simm.s32 $0x6C00  }
0x2bb: {  	[tilespmem:s7], [sflag:$0x1] =	stream.indirect.gather [hbm4b:s3+s12], $0x1, s2, s12, $0xb8;
	[tilespmem:$0x12800] =	vst v63  }
0x2bc: {  	s10 =	simm.s32 $0x2E00;
	s13 =	simm.s32 $0x7400  }
0x2bd: {  	[tilespmem:s13], [sflag:$0x1] =	stream.indirect.gather [hbm4b:s3+s12], $0x1, s10, s12, $0xb8;
	[tilespmem:$0x12800] =	vst v63  }
0x2be: {  	s14 =	simm.s32 $0x3600;
	s15 =	simm.s32 $0x7C00  }
0x2bf: {  	[tilespmem:s15], [sflag:$0x1] =	stream.indirect.gather [hbm4b:s3+s12], $0x1, s14, s12, $0xb8;
	[tilespmem:$0x12800] =	vst v63  }
0x2c0: {  	s16 =	simm.s32 $0x3E00;
	s17 =	simm.s32 $0x8400  }
0x2c1: {  	[tilespmem:s17], [sflag:$0x1] =	stream.indirect.gather [hbm4b:s3+s12], $0x1, s16, s12, $0xb8;
	[tilespmem:$0x12800] =	vst v63  }
.LBB2_12:
0x2c2: {  	_ =	swait.ge [sflag:s26], $0x4000  }
0x2c3: {  	s2 =	simm.s32 $0x0;
	[sflag:s26] =	ssyncset.done $0x0  }
0x2c4: {  	s0 =	sand.u32 $0x1F0, s2;
	[sflag:s26] =	ssyncadd.s32 $0xFFFFC000  }
0x2c5: {  	v8 =	vld [tilespmem:s0+$0x11800]  }
0x2c6: {  	v9 =	vld [tilespmem:s0+$0x10800]  }
0x2c7: {  	s7 =	simm.s32 $0x0;
	v10 =	vld [tilespmem:s0+$0xF800]  }
0x2c8: {  	v11 =	vld [tilespmem:s7+$0xE000]  }
0x2c9: {  	v12 =	vld [tilespmem:s0+$0x11000]  }
0x2ca: {  	v13 =	vld [tilespmem:s0+$0xF000]  }
0x2cb: {  	v14 =	vld [tilespmem:s0+$0xE800]  }
0x2cc: {  	v15 =	vld [tilespmem:s0+$0x10000]  }
0x2cd: {  	v7 =	vld [tilespmem:s7+$0xDE00];
	_ =	sdelay $0x2  }
0x2ce: {  	v8 =	vsub.f32 v8, v12;
	v10 =	vsub.f32 v10, v13  }
0x2cf: {  	v14 =	vsub.f32 v14, v11;
	v9 =	vsub.f32 v9, v15  }
0x2d0: {  	v8 =	vmul.f32 v8, v7;
	v10 =	vmul.f32 v10, v7  }
0x2d1: {  	v14 =	vmul.f32 v14, v7;
	v9 =	vmul.f32 v9, v7  }
0x2d2: {  	v12 =	vadd.f32 v8, v12;
	v8 =	vld [tilespmem:s7+$0xDC00];
	v10 =	vadd.f32 v10, v13  }
0x2d3: {  	v11 =	vadd.f32 v14, v11;
	v50 =	vadd.f32 v9, v15;
	_ =	sdelay $0x1  }
0x2d4: {  	v9 =	vsub.f32 v10, v11;
	v10 =	vsub.f32 v12, v50;
	_ =	sdelay $0x1  }
0x2d5: {  	v51 =	vmul.f32 v9, v8;
	v10 =	vmul.f32 v10, v8  }
0x2d6: {  	v9 =	vld [tilespmem:s7+$0xDA00]  }
0x2d7: {  	v11 =	vadd.f32 v51, v11;
	v10 =	vadd.f32 v10, v50;
	_ =	sdelay $0x1  }
0x2d8: {  	v10 =	vsub.f32 v10, v11  }
0x2d9: {  	v52 =	vor.u32 s2, v1  }
0x2da: {  	v10 =	vmul.f32 v10, v9;
	_ =	sdelay $0x1  }
0x2db: {  	v10 =	vadd.f32 v10, v11;
	_ =	sdelay $0x1  }
0x2dc: {  	[tilespmem:v52+s28+$0x0] =	vst.idx.msk $0xffff, v10  }
0x2dd: {  	v10 =	vld [tilespmem:s0+$0x11A00]  }
0x2de: {  	v11 =	vld [tilespmem:s0+$0xFA00]  }
0x2df: {  	v12 =	vld [tilespmem:s0+$0xEA00]  }
0x2e0: {  	v53 =	vld [tilespmem:s0+$0x10A00]  }
0x2e1: {  	v54 =	vld [tilespmem:s0+$0x11200]  }
0x2e2: {  	v55 =	vld [tilespmem:s0+$0xF200]  }
0x2e3: {  	v16 =	vld [tilespmem:s7+$0xE200]  }
0x2e4: {  	v17 =	vld [tilespmem:s0+$0x10200];
	_ =	sdelay $0x3  }
0x2e5: {  	v10 =	vsub.f32 v10, v54;
	v11 =	vsub.f32 v11, v55  }
0x2e6: {  	v12 =	vsub.f32 v12, v16;
	v13 =	vsub.f32 v53, v17  }
0x2e7: {  	v10 =	vmul.f32 v10, v7;
	v11 =	vmul.f32 v11, v7  }
0x2e8: {  	v12 =	vmul.f32 v12, v7;
	v13 =	vmul.f32 v13, v7  }
0x2e9: {  	v10 =	vadd.f32 v10, v54;
	v11 =	vadd.f32 v11, v55  }
0x2ea: {  	v12 =	vadd.f32 v12, v16;
	v13 =	vadd.f32 v13, v17;
	_ =	sdelay $0x1  }
0x2eb: {  	v11 =	vsub.f32 v11, v12;
	v10 =	vsub.f32 v10, v13;
	_ =	sdelay $0x1  }
0x2ec: {  	v11 =	vmul.f32 v11, v8;
	v10 =	vmul.f32 v10, v8;
	_ =	sdelay $0x1  }
0x2ed: {  	v11 =	vadd.f32 v11, v12;
	v10 =	vadd.f32 v10, v13;
	_ =	sdelay $0x1  }
0x2ee: {  	v10 =	vsub.f32 v10, v11  }
0x2ef: {  	v56 =	vor.u32 s2, v4  }
0x2f0: {  	v10 =	vmul.f32 v10, v9;
	_ =	sdelay $0x1  }
0x2f1: {  	v10 =	vadd.f32 v10, v11;
	_ =	sdelay $0x1  }
0x2f2: {  	[tilespmem:v56+s28+$0x0] =	vst.idx.msk $0xffff, v10  }
0x2f3: {  	v10 =	vld [tilespmem:s0+$0x11C00]  }
0x2f4: {  	v11 =	vld [tilespmem:s0+$0xEC00]  }
0x2f5: {  	v12 =	vld [tilespmem:s0+$0x11400]  }
0x2f6: {  	v57 =	vld [tilespmem:s0+$0xF400]  }
0x2f7: {  	v58 =	vld [tilespmem:s0+$0x10C00]  }
0x2f8: {  	v59 =	vld [tilespmem:s0+$0x10400]  }
0x2f9: {  	v60 =	vld [tilespmem:s7+$0xE400]  }
0x2fa: {  	v61 =	vld [tilespmem:s0+$0xFC00];
	_ =	sdelay $0x3  }
0x2fb: {  	v10 =	vsub.f32 v10, v12;
	v14 =	vsub.f32 v58, v59  }
0x2fc: {  	v11 =	vsub.f32 v11, v60;
	v17 =	vsub.f32 v61, v57  }
0x2fd: {  	v10 =	vmul.f32 v10, v7;
	v14 =	vmul.f32 v14, v7  }
0x2fe: {  	v11 =	vmul.f32 v11, v7;
	v17 =	vmul.f32 v17, v7  }
0x2ff: {  	v10 =	vadd.f32 v10, v12;
	v62 =	vadd.f32 v14, v59  }
0x300: {  	v11 =	vadd.f32 v11, v60;
	v13 =	vadd.f32 v17, v57;
	_ =	sdelay $0x1  }
0x301: {  	v10 =	vsub.f32 v10, v62;
	v13 =	vsub.f32 v13, v11;
	_ =	sdelay $0x1  }
0x302: {  	v13 =	vmul.f32 v13, v8;
	v10 =	vmul.f32 v10, v8;
	_ =	sdelay $0x1  }
0x303: {  	v11 =	vadd.f32 v13, v11;
	v10 =	vadd.f32 v10, v62;
	_ =	sdelay $0x1  }
0x304: {  	v10 =	vsub.f32 v10, v11  }
0x305: {  	v63 =	vor.u32 s2, v5  }
0x306: {  	v10 =	vmul.f32 v10, v9;
	_ =	sdelay $0x1  }
0x307: {  	v10 =	vadd.f32 v10, v11;
	_ =	sdelay $0x1  }
0x308: {  	[tilespmem:v63+s28+$0x0] =	vst.idx.msk $0xffff, v10  }
0x309: {  	s9 =	sadd.s32 $0x1, s9;
	s10 =	simm.s32 $0x10;
	s7 =	simm.s32 $0x0;
	v10 =	vld [tilespmem:s0+$0xE600]  }
.LBB2_13:
0x30a: {  	p0 =	sne.s32 s10, $0x1F0  }
0x30b: {  	v11 =	vld [tilespmem:s0+$0x11E00];
	s2 =	sadd.s32 $0x40, s2;
	s14 =	smov.u32 s10;
	s10 =	sadd.s32 $0x10, s10  }
0x30c: {  	v12 =	vld [tilespmem:s0+$0x11600]  }
0x30d: {  	v13 =	vld [tilespmem:s0+$0x10E00]  }
0x30e: {  	v14 =	vld [tilespmem:s0+$0x10600]  }
0x30f: {  	v15 =	vld [tilespmem:s0+$0xEE00]  }
0x310: {  	v16 =	vld [tilespmem:s0+$0xFE00]  }
0x311: {  	v17 =	vld [tilespmem:s0+$0xF600];
	v11 =	vsub.f32 v11, v12;
	_ =	sdelay $0x1  }
0x312: {  	v13 =	vsub.f32 v13, v14;
	v11 =	vmul.f32 v11, v7  }
0x313: {  	v15 =	vsub.f32 v15, v10  }
0x314: {  	v13 =	vmul.f32 v13, v7;
	v11 =	vadd.f32 v11, v12  }
0x315: {  	v12 =	vmul.f32 v15, v7;
	v15 =	vsub.f32 v16, v17  }
0x316: {  	v13 =	vadd.f32 v13, v14  }
0x317: {  	v10 =	vadd.f32 v12, v10;
	v7 =	vmul.f32 v15, v7  }
0x318: {  	v11 =	vsub.f32 v11, v13  }
0x319: {  	v7 =	vadd.f32 v7, v17  }
0x31a: {  	v11 =	vmul.f32 v11, v8  }
0x31b: {  	v7 =	vsub.f32 v7, v10  }
0x31c: {  	v11 =	vadd.f32 v11, v13  }
0x31d: {  	v7 =	vmul.f32 v7, v8;
	_ =	sdelay $0x1  }
0x31e: {  	v7 =	vadd.f32 v7, v10;
	_ =	sdelay $0x1  }
0x31f: {  	v10 =	vor.u32 s7, v6;
	s7 =	smov.u32 s2;
	v8 =	vsub.f32 v11, v7;
	_ =	sdelay $0x1  }
0x320: {  	v8 =	vmul.f32 v8, v9;
	_ =	sdelay $0x1  }
0x321: {  	v7 =	vadd.f32 v8, v7;
	_ =	sdelay $0x1  }
0x322: {  	s13 =	sshra.s32 s2, $0x2;
	s0 =	sand.u32 $0x1F0, s14;
	[tilespmem:v10+s28+$0x0] =	vst.idx.msk $0xffff, v7  }
0x323: {  	v7 =	vld [tilespmem:s13+$0xDE00]  }
0x324: {  	v8 =	vld [tilespmem:s0+$0x11800]  }
0x325: {  	v9 =	vld [tilespmem:s0+$0x10800]  }
0x326: {  	v10 =	vld [tilespmem:s0+$0xF800]  }
0x327: {  	v11 =	vld [tilespmem:s13+$0xE000]  }
0x328: {  	v12 =	vld [tilespmem:s0+$0x11000]  }
0x329: {  	v13 =	vld [tilespmem:s0+$0xF000]  }
0x32a: {  	v14 =	vld [tilespmem:s0+$0xE800]  }
0x32b: {  	v15 =	vld [tilespmem:s0+$0x10000];
	_ =	sdelay $0x1  }
0x32c: {  	v8 =	vsub.f32 v8, v12  }
0x32d: {  	v10 =	vsub.f32 v10, v13  }
0x32e: {  	v14 =	vsub.f32 v14, v11;
	v8 =	vmul.f32 v8, v7  }
0x32f: {  	v10 =	vmul.f32 v10, v7;
	v9 =	vsub.f32 v9, v15  }
0x330: {  	v14 =	vmul.f32 v14, v7;
	v12 =	vadd.f32 v8, v12  }
0x331: {  	v8 =	vld [tilespmem:s13+$0xDC00];
	v10 =	vadd.f32 v10, v13;
	v9 =	vmul.f32 v9, v7  }
0x332: {  	v11 =	vadd.f32 v14, v11  }
0x333: {  	v13 =	vadd.f32 v9, v15  }
0x334: {  	v9 =	vsub.f32 v10, v11  }
0x335: {  	v10 =	vsub.f32 v12, v13  }
0x336: {  	v12 =	vmul.f32 v9, v8  }
0x337: {  	v10 =	vmul.f32 v10, v8  }
0x338: {  	v9 =	vld [tilespmem:s13+$0xDA00]  }
0x339: {  	v11 =	vadd.f32 v12, v11;
	v10 =	vadd.f32 v10, v13;
	_ =	sdelay $0x1  }
0x33a: {  	v10 =	vsub.f32 v10, v11  }
0x33b: {  	v12 =	vor.u32 s2, v1  }
0x33c: {  	v10 =	vmul.f32 v10, v9;
	_ =	sdelay $0x1  }
0x33d: {  	v10 =	vadd.f32 v10, v11;
	_ =	sdelay $0x1  }
0x33e: {  	[tilespmem:v12+s28+$0x0] =	vst.idx.msk $0xffff, v10  }
0x33f: {  	v10 =	vld [tilespmem:s0+$0x11A00]  }
0x340: {  	v11 =	vld [tilespmem:s0+$0xFA00]  }
0x341: {  	v12 =	vld [tilespmem:s0+$0xEA00]  }
0x342: {  	v13 =	vld [tilespmem:s0+$0x10A00]  }
0x343: {  	v14 =	vld [tilespmem:s0+$0x11200]  }
0x344: {  	v15 =	vld [tilespmem:s0+$0xF200]  }
0x345: {  	v16 =	vld [tilespmem:s13+$0xE200]  }
0x346: {  	v17 =	vld [tilespmem:s0+$0x10200];
	_ =	sdelay $0x1  }
0x347: {  	v10 =	vsub.f32 v10, v14  }
0x348: {  	v11 =	vsub.f32 v11, v15  }
0x349: {  	v12 =	vsub.f32 v12, v16;
	v10 =	vmul.f32 v10, v7  }
0x34a: {  	v11 =	vmul.f32 v11, v7;
	v13 =	vsub.f32 v13, v17  }
0x34b: {  	v12 =	vmul.f32 v12, v7;
	v10 =	vadd.f32 v10, v14  }
0x34c: {  	v11 =	vadd.f32 v11, v15;
	v13 =	vmul.f32 v13, v7  }
0x34d: {  	v12 =	vadd.f32 v12, v16  }
0x34e: {  	v13 =	vadd.f32 v13, v17  }
0x34f: {  	v11 =	vsub.f32 v11, v12  }
0x350: {  	v10 =	vsub.f32 v10, v13  }
0x351: {  	v11 =	vmul.f32 v11, v8  }
0x352: {  	v10 =	vmul.f32 v10, v8;
	_ =	sdelay $0x1  }
0x353: {  	v11 =	vadd.f32 v11, v12;
	v10 =	vadd.f32 v10, v13;
	_ =	sdelay $0x1  }
0x354: {  	v10 =	vsub.f32 v10, v11  }
0x355: {  	v12 =	vor.u32 s2, v4  }
0x356: {  	v10 =	vmul.f32 v10, v9;
	_ =	sdelay $0x1  }
0x357: {  	v10 =	vadd.f32 v10, v11;
	_ =	sdelay $0x1  }
0x358: {  	[tilespmem:v12+s28+$0x0] =	vst.idx.msk $0xffff, v10  }
0x359: {  	v10 =	vld [tilespmem:s0+$0x11C00]  }
0x35a: {  	v11 =	vld [tilespmem:s0+$0xEC00]  }
0x35b: {  	v12 =	vld [tilespmem:s0+$0x11400]  }
0x35c: {  	v13 =	vld [tilespmem:s0+$0xF400]  }
0x35d: {  	v14 =	vld [tilespmem:s0+$0x10C00]  }
0x35e: {  	v15 =	vld [tilespmem:s0+$0x10400]  }
0x35f: {  	v16 =	vld [tilespmem:s13+$0xE400]  }
0x360: {  	v17 =	vld [tilespmem:s0+$0xFC00];
	_ =	sdelay $0x1  }
0x361: {  	v10 =	vsub.f32 v10, v12  }
0x362: {  	v14 =	vsub.f32 v14, v15  }
0x363: {  	v10 =	vmul.f32 v10, v7;
	v11 =	vsub.f32 v11, v16  }
0x364: {  	v17 =	vsub.f32 v17, v13;
	v14 =	vmul.f32 v14, v7  }
0x365: {  	v10 =	vadd.f32 v10, v12;
	v11 =	vmul.f32 v11, v7  }
0x366: {  	v12 =	vmul.f32 v17, v7;
	v14 =	vadd.f32 v14, v15;
	_ =	sdelay $0x1  }
0x367: {  	v11 =	vadd.f32 v11, v16;
	v12 =	vadd.f32 v12, v13  }
0x368: {  	v10 =	vsub.f32 v10, v14  }
0x369: {  	v12 =	vsub.f32 v12, v11;
	_ =	sdelay $0x1  }
0x36a: {  	v10 =	vmul.f32 v10, v8;
	v12 =	vmul.f32 v12, v8;
	_ =	sdelay $0x1  }
0x36b: {  	v10 =	vadd.f32 v10, v14;
	v11 =	vadd.f32 v12, v11;
	_ =	sdelay $0x1  }
0x36c: {  	v10 =	vsub.f32 v10, v11  }
0x36d: {  	v12 =	vor.u32 s2, v5  }
0x36e: {  	v10 =	vmul.f32 v10, v9  }
.Ltmp5:
0x36f: {  	(pc) =	sbr.rel @p0 .LBB2_13-.Ltmp5, $3  }
0x370: {  	v10 =	vadd.f32 v10, v11;
	_ =	sdelay $0x1  }
0x371: {  	[tilespmem:v12+s28+$0x0] =	vst.idx.msk $0xffff, v10  }
0x372: {  	v10 =	vld [tilespmem:s0+$0xE600]  }
0x373: {  	v11 =	vld [tilespmem:s0+$0x11E00]  }
0x374: {  	v12 =	vld [tilespmem:s0+$0x11600]  }
0x375: {  	v13 =	vld [tilespmem:s0+$0x10E00]  }
0x376: {  	v14 =	vld [tilespmem:s0+$0x10600]  }
0x377: {  	v15 =	vld [tilespmem:s0+$0xEE00]  }
0x378: {  	v16 =	vld [tilespmem:s0+$0xFE00]  }
0x379: {  	v17 =	vld [tilespmem:s0+$0xF600];
	_ =	sdelay $0x3  }
0x37a: {  	v11 =	vsub.f32 v11, v12;
	v13 =	vsub.f32 v13, v14  }
0x37b: {  	v15 =	vsub.f32 v15, v10;
	v16 =	vsub.f32 v16, v17  }
0x37c: {  	v11 =	vmul.f32 v11, v7;
	v13 =	vmul.f32 v13, v7  }
0x37d: {  	v15 =	vmul.f32 v15, v7;
	v7 =	vmul.f32 v16, v7  }
0x37e: {  	v11 =	vadd.f32 v11, v12;
	v61 =	vadd.f32 v13, v14  }
0x37f: {  	v62 =	vadd.f32 v15, v10;
	v7 =	vadd.f32 v7, v17;
	_ =	sdelay $0x1  }
0x380: {  	v11 =	vsub.f32 v11, v61;
	v7 =	vsub.f32 v7, v62;
	_ =	sdelay $0x1  }
0x381: {  	v11 =	vmul.f32 v11, v8;
	v7 =	vmul.f32 v7, v8;
	_ =	sdelay $0x1  }
0x382: {  	v8 =	vadd.f32 v11, v61;
	v7 =	vadd.f32 v7, v62;
	_ =	sdelay $0x1  }
0x383: {  	v8 =	vsub.f32 v8, v7  }
0x384: {  	v63 =	vor.u32 s7, v6  }
0x385: {  	v8 =	vmul.f32 v8, v9;
	_ =	sdelay $0x1  }
0x386: {  	v7 =	vadd.f32 v8, v7  }
0x387: {  	s31 =	sshrl.u32 s31, $0x1;
	p0 =	sne.s32 s9, $0x1F  }
.Ltmp6:
0x388: {  	s0 =	sadd.s32 s4, s31;
	[tilespmem:v63+s28+$0x0] =	vst.idx.msk $0xffff, v7;
	(pc) =	sbr.rel @p0 .LBB2_4-.Ltmp6, $4  }
0x389: {  	[hbm4b:s0+s5] =	stream.linear.scatter [tilespmem:s28], [sflag:$0x3], $0x800, $0x38;
	[tilespmem:$0x12800] =	vst v63  }
0x38a: {  	_ =	swait.ge [sflag:s11], $0x800  }
0x38b: {  	[sflag:s11] =	ssyncset.done $0x0  }
0x38c: {  	[sflag:s11] =	ssyncadd.s32 $0xFFFFF800  }
0x38d: {  	s2 =	rddreg [dreg:$0x7]  }
0x38e: {  	s0 =	rddreg [dreg:$0x6];
	s2 =	sadd.s32 $0x1, s2  }
0x38f: {  	p0 =	sne.s32 s2, s0  }
.Ltmp7:
0x390: {  	_ = 	snop;
	(pc) =	sbr.rel @p0 .LBB2_1-.Ltmp7, $1  }
0x391: {  	_ =	sdelay $0x3  }
0x392: {  	_ =	sfence.sel $0x180000  }
0x393: {  	[bflag:$0x0] =	sbarrier.arrive $0xFFFF  }
0x394: {  	_ =	strace $0x90000047  }
0x395: {  	s0 =	stileid.u32;
	[bflag:$0x2] =	sbarrier.arrive $0xFFFF  }
0x396: {  	p0 =	sne.s32 s0, $0x0;
	s0 =	rddreg [dreg:$0x3]  }
0x397: {  	s0 =	sadd.s32 @!p0 $0x100000, s0  }
0x398: {  	[sflag:s0] =	ssyncadd.tile.s32 @!p0 $0x1;
	_ =	shalt  }
.Lfunc_end2:
_tile_overlayer_lowered:
.L_overlay_start_2:
0x399: {  	(tag) =	ssettag $0x2  }
0x39a: {  	s0 =	rddreg [dreg:$0x0];
	s2 =	stileid.u32  }
0x39b: {  	s1 =	rddreg [dreg:$0x1];
	p0 =	sne.s32 s2, $0x0  }
0x39c: {  	s3 =	rddreg [dreg:$0x2];
	[bflag:$0x3] =	sbarrier.arrive $0xFFFF;
	s2 =	simm.s32 @!p0 $0x1C03  }
0x39d: {  	[timem:s3], [sflag:s2] =	dma.local @!p0 [hbm:s0], s1  }
0x39e: {  	s0 =	simm.s32 @!p0 $0x3  }
0x39f: {  	_ =	swait.ge @!p0 [sflag:s0], s1  }
0x3a0: {  	s1 =	ssub.s32 @!p0 $0x0, s1;
	[sflag:s0] =	ssyncset.done @!p0 $0x0  }
0x3a1: {  	[sflag:s0] =	ssyncadd.s32 @!p0 s1  }
0x3a2: {  	[bflag:$0x3] =	sbarrier.arrive $0xFFFF  }
0x3a3: {  	_ =	shalt  }

</sc_bundles>
